<compile_context>
chip_gen: v7x
topology: tpu7x:2x2x1
jax: 0.10.2.dev20260603
libtpu: 0.0.44.dev20260713+nightly
codegen_flags: <defaults>
</compile_context>

<pallas_src>
import functools

import jax
import jax.numpy as jnp
from jax import lax
from jax.experimental import pallas as pl
from jax.experimental.pallas import tpu as pltpu
from jax.experimental.pallas import tpu_sc as plsc

N = 10000
E = 320000
D = 128
G = 64

NC = 2
NS = 16
NW = NC * NS
EPW = E // NW
K2 = 128
NCH2 = EPW // K2

TK = EPW - NCH2 * K2
RPT = 624
TAIL = N - NS * RPT
TAIL0 = NS * RPT
DRPT = 640
NPAD = NS * DRPT


@functools.cache
def _sc_kernels():
    mesh = plsc.VectorSubcoreMesh(core_axis_name="c", subcore_axis_name="s",
                                  num_cores=NC, num_subcores=NS)

    @functools.partial(
        pl.kernel,
        out_type=jax.ShapeDtypeStruct((NC, NPAD), jnp.float32),
        mesh=mesh,
        scratch_types=[
            pltpu.VMEM((2, K2), jnp.int32),
            pltpu.VMEM((1, TK), jnp.int32),
            pltpu.VMEM((K2,), jnp.float32),
            pltpu.VMEM((DRPT,), jnp.float32),
            pltpu.VMEM_SHARED((NPAD,), jnp.float32),
            pltpu.SemaphoreType.DMA,
            pltpu.SemaphoreType.DMA,
        ],
    )
    def sc_degree(dsti, out, didx2, didx_t, ones_v, deg_v, accum, sem0, sem1):
        c = lax.axis_index("c")
        s = lax.axis_index("s")
        wid = c * NS + s
        r0 = s * DRPT
        ebase = wid * EPW
        sems = (sem0, sem1)

        def fill(g, carry):
            deg_v[pl.ds(g * 16, 16)] = jnp.zeros((16,), jnp.float32)
            return carry

        lax.fori_loop(0, DRPT // 16, fill, 0)

        def fill1(g, carry):
            ones_v[pl.ds(g * 16, 16)] = jnp.ones((16,), jnp.float32)
            return carry

        lax.fori_loop(0, K2 // 16, fill1, 0)

        pltpu.sync_copy(deg_v.at[pl.ds(0, DRPT)], accum.at[pl.ds(r0, DRPT)])
        plsc.subcore_barrier()

        def i_start(j, b):
            pltpu.async_copy(dsti.at[pl.ds(ebase + j * K2, K2)],
                             didx2.at[b], sems[b])

        def i_wait_scat(j, b):
            pltpu.make_async_copy(dsti.at[pl.ds(ebase + j * K2, K2)],
                                  didx2.at[b], sems[b]).wait()
            pltpu.sync_copy(ones_v, accum.at[didx2.at[b]], add=True)

        i_start(0, 0)

        def body(p, carry):
            i_start(2 * p + 1, 1)
            i_wait_scat(2 * p, 0)

            @pl.when(p < NCH2 // 2 - 1)
            def _():
                i_start(2 * p + 2, 0)

            i_wait_scat(2 * p + 1, 1)
            return carry

        lax.fori_loop(0, NCH2 // 2, body, 0)

        toff = ebase + NCH2 * K2
        pltpu.sync_copy(dsti.at[pl.ds(toff, TK)], didx_t.at[0])
        pltpu.sync_copy(ones_v.at[pl.ds(0, TK)],
                        accum.at[didx_t.at[0]], add=True)

        plsc.subcore_barrier()
        pltpu.sync_copy(accum.at[pl.ds(r0, DRPT)], deg_v.at[pl.ds(0, DRPT)])
        pltpu.sync_copy(deg_v.at[pl.ds(0, DRPT)], out.at[c].at[pl.ds(r0, DRPT)])

    @functools.partial(
        pl.kernel,
        out_type=jax.ShapeDtypeStruct((NC, N, D), jnp.float32),
        mesh=mesh,
        scratch_types=[
            pltpu.VMEM((2, K2), jnp.int32),
            pltpu.VMEM((2, K2), jnp.int32),
            pltpu.VMEM((2, K2, D), jnp.float32),
            pltpu.VMEM((TK,), jnp.int32),
            pltpu.VMEM((1, TK), jnp.int32),
            pltpu.VMEM((TK, D), jnp.float32),
            pltpu.VMEM_SHARED((N, D), jnp.float32),
            pltpu.SemaphoreType.DMA,
            pltpu.SemaphoreType.DMA,
        ],
    )
    def sc_scatter(hp, srci, dsti, zeros, out,
                   sidx2, didx2, rows2, sidx_t, didx_t, rows_t, accum,
                   sem0, sem1):
        c = lax.axis_index("c")
        s = lax.axis_index("s")
        wid = c * NS + s
        r0 = s * RPT
        ebase = wid * EPW
        sems = (sem0, sem1)

        pltpu.sync_copy(zeros.at[pl.ds(r0, RPT)], accum.at[pl.ds(r0, RPT)])

        @pl.when(s == NS - 1)
        def _():
            pltpu.sync_copy(zeros.at[pl.ds(TAIL0, TAIL)],
                            accum.at[pl.ds(TAIL0, TAIL)])

        plsc.subcore_barrier()

        def g_start(j, b):
            off = ebase + j * K2
            pltpu.sync_copy(srci.at[pl.ds(off, K2)], sidx2.at[b])
            pltpu.sync_copy(dsti.at[pl.ds(off, K2)], didx2.at[b])
            pltpu.async_copy(hp.at[sidx2.at[b]], rows2.at[b], sems[b])

        def g_wait_scat(b):
            pltpu.make_async_copy(hp.at[sidx2.at[b]], rows2.at[b],
                                  sems[b]).wait()
            pltpu.sync_copy(rows2.at[b], accum.at[didx2.at[b]], add=True)

        g_start(0, 0)

        def body(p, carry):
            g_start(2 * p + 1, 1)
            g_wait_scat(0)

            @pl.when(p < NCH2 // 2 - 1)
            def _():
                g_start(2 * p + 2, 0)

            g_wait_scat(1)
            return carry

        lax.fori_loop(0, NCH2 // 2, body, 0)

        toff = ebase + NCH2 * K2
        pltpu.sync_copy(srci.at[pl.ds(toff, TK)], sidx_t)
        pltpu.async_copy(hp.at[sidx_t], rows_t, sem0).wait()
        pltpu.sync_copy(dsti.at[pl.ds(toff, TK)], didx_t.at[0])
        pltpu.sync_copy(rows_t, accum.at[didx_t.at[0]], add=True)

        plsc.subcore_barrier()
        pltpu.sync_copy(accum.at[pl.ds(r0, RPT)], out.at[c].at[pl.ds(r0, RPT)])

        @pl.when(s == NS - 1)
        def _():
            pltpu.sync_copy(accum.at[pl.ds(TAIL0, TAIL)],
                            out.at[c].at[pl.ds(TAIL0, TAIL)])

    return sc_degree, sc_scatter



_BN = 1000
_NB = N // _BN


def _dinv_of(deg_ref):
    deg = deg_ref[0, :, 0:1] + deg_ref[1, :, 0:1] + 1.0
    return lax.rsqrt(deg)


def _tc_first(x, W1, degp):
    def body(x_ref, w_ref, deg_ref, out_ref):
        h = jnp.dot(x_ref[...], w_ref[...], preferred_element_type=jnp.float32)
        out_ref[...] = h * _dinv_of(deg_ref)

    return pl.pallas_call(
        body,
        grid=(_NB,),
        in_specs=[
            pl.BlockSpec((_BN, D), lambda i: (i, 0)),
            pl.BlockSpec((D, D), lambda i: (0, 0)),
            pl.BlockSpec((NC, _BN, 16), lambda i: (0, i, 0)),
        ],
        out_specs=pl.BlockSpec((_BN, D), lambda i: (i, 0)),
        out_shape=jax.ShapeDtypeStruct((N, D), jnp.float32),
    )(x, W1, degp)


def _tc_mid(a1p, h1p, degp, W2):
    def body(a_ref, h_ref, deg_ref, w_ref, out_ref):
        dinv = _dinv_of(deg_ref)
        t = jnp.maximum(dinv * (a_ref[0] + a_ref[1] + h_ref[...]), 0.0)
        out_ref[...] = jnp.dot(t, w_ref[...], preferred_element_type=jnp.float32) * dinv

    return pl.pallas_call(
        body,
        grid=(_NB,),
        in_specs=[
            pl.BlockSpec((NC, _BN, D), lambda i: (0, i, 0)),
            pl.BlockSpec((_BN, D), lambda i: (i, 0)),
            pl.BlockSpec((NC, _BN, 16), lambda i: (0, i, 0)),
            pl.BlockSpec((D, D), lambda i: (0, 0)),
        ],
        out_specs=pl.BlockSpec((_BN, D), lambda i: (i, 0)),
        out_shape=jax.ShapeDtypeStruct((N, D), jnp.float32),
    )(a1p, h1p, degp, W2)


def _tc_pool_mlp(a2p, h2p, degp, batch3, Wm1, bm1, Wm2, bm2):
    def body(a_ref, h_ref, deg_ref, b_ref, wm1_ref, bm1_ref, wm2_ref, bm2_ref,
             out_ref, sums_ref, cnts_ref):
        i = pl.program_id(0)

        @pl.when(i == 0)
        def _():
            sums_ref[...] = jnp.zeros_like(sums_ref)
            cnts_ref[...] = jnp.zeros_like(cnts_ref)

        dinv = _dinv_of(deg_ref)
        h2 = dinv * (a_ref[0] + a_ref[1] + h_ref[...])
        ids = b_ref[0, 0, :]
        gi = lax.broadcasted_iota(jnp.int32, (G, _BN), 0)
        onehot_t = (gi == ids[None, :]).astype(jnp.float32)
        sums_ref[...] += jnp.dot(onehot_t, h2, preferred_element_type=jnp.float32)
        cnts_ref[...] += jnp.sum(onehot_t, axis=1, keepdims=True)

        @pl.when(i == _NB - 1)
        def _():
            pooled = sums_ref[...] / jnp.maximum(cnts_ref[...], 1.0)
            z = jnp.dot(pooled, wm1_ref[...], preferred_element_type=jnp.float32)
            z = jnp.maximum(z + bm1_ref[...], 0.0)
            out_ref[...] = (jnp.dot(z, wm2_ref[...], preferred_element_type=jnp.float32)
                            + bm2_ref[...])

    return pl.pallas_call(
        body,
        grid=(_NB,),
        in_specs=[
            pl.BlockSpec((NC, _BN, D), lambda i: (0, i, 0)),
            pl.BlockSpec((_BN, D), lambda i: (i, 0)),
            pl.BlockSpec((NC, _BN, 16), lambda i: (0, i, 0)),
            pl.BlockSpec((1, 1, _BN), lambda i: (i, 0, 0)),
            pl.BlockSpec((D, D), lambda i: (0, 0)),
            pl.BlockSpec((1, D), lambda i: (0, 0)),
            pl.BlockSpec((D, D), lambda i: (0, 0)),
            pl.BlockSpec((1, D), lambda i: (0, 0)),
        ],
        out_specs=pl.BlockSpec((G, D), lambda i: (0, 0)),
        out_shape=jax.ShapeDtypeStruct((G, D), jnp.float32),
        scratch_shapes=[
            pltpu.VMEM((G, D), jnp.float32),
            pltpu.VMEM((G, 1), jnp.float32),
        ],
    )(a2p, h2p, degp, batch3, Wm1, bm1, Wm2, bm2)



def kernel(x, edge_index, batch, W1, W2, Wm1, bm1, Wm2, bm2):
    src = edge_index[0].astype(jnp.int32)
    dst = edge_index[1].astype(jnp.int32)

    zeros = jnp.zeros((N, D), jnp.float32)

    sc_degree, sc_scatter = _sc_kernels()
    deg1 = sc_degree(dst)[:, :N]
    degp = jnp.broadcast_to(deg1[:, :, None], (NC, N, 16))
    h1p = _tc_first(x, W1, degp)
    a1p = sc_scatter(h1p, src, dst, zeros)
    h2p = _tc_mid(a1p, h1p, degp, W2)
    a2p = sc_scatter(h2p, src, dst, zeros)
    return _tc_pool_mlp(a2p, h2p, degp, batch.reshape(_NB, 1, _BN),
                        Wm1, bm1.reshape(1, D), Wm2, bm2.reshape(1, D))

# --- scband reference (transcript-rebuilt; emitter-appended) ---
"""Pipeline reference for scband-gcn-17970143166990 (READ-ONLY COPY).

The authoritative reference and input builder live on the scoring server;
editing this copy changes nothing except your own understanding.
"""

import jax, jax.numpy as jnp
import numpy as np

N = 10000
E = 320000
D = 128
H = 128
O = 128
G = 64


def setup_inputs(seed: int = 0) -> dict:
    key = jax.random.key(seed)
    ks = jax.random.split(key, 9)
    x = jax.random.normal(ks[0], (N, D), dtype=jnp.float32)
    edge_index = jax.random.randint(ks[1], (2, E), 0, N)
    batch = jnp.sort(jax.random.randint(ks[2], (N,), 0, G))
    W1 = jax.random.normal(ks[3], (D, H), dtype=jnp.float32) * 0.05
    W2 = jax.random.normal(ks[4], (H, H), dtype=jnp.float32) * 0.05
    Wm1 = jax.random.normal(ks[5], (H, H), dtype=jnp.float32) * 0.05
    bm1 = jax.random.normal(ks[6], (H,), dtype=jnp.float32) * 0.05
    Wm2 = jax.random.normal(ks[7], (H, O), dtype=jnp.float32) * 0.05
    bm2 = jax.random.normal(ks[8], (O,), dtype=jnp.float32) * 0.05
    return {"x": x, "edge_index": edge_index, "batch": batch,
            "W1": W1, "W2": W2, "Wm1": Wm1, "bm1": bm1, "Wm2": Wm2, "bm2": bm2}


def _gcn_conv(x, edge_index, W):
    # GCNConv (bias=False) with default add_self_loops=True and symmetric normalization
    n = x.shape[0]
    loop = jnp.arange(n, dtype=edge_index.dtype)
    src = jnp.concatenate([edge_index[0], loop])
    dst = jnp.concatenate([edge_index[1], loop])
    deg = jnp.zeros((n,), x.dtype).at[dst].add(1.0)
    dinv = jnp.where(deg > 0, jax.lax.rsqrt(deg), 0.0)
    norm = dinv[src] * dinv[dst]
    h = x @ W
    msg = h[src] * norm[:, None]
    return jnp.zeros((n, W.shape[1]), x.dtype).at[dst].add(msg)


def reference(x, edge_index, batch, W1, W2, Wm1, bm1, Wm2, bm2):
    h = _gcn_conv(x, edge_index, W1)
    h = _gcn_conv(jax.nn.relu(h), edge_index, W2)
    # global_mean_pool over batch ids
    sums = jax.ops.segment_sum(h, batch, num_segments=G)
    cnts = jax.ops.segment_sum(jnp.ones((h.shape[0], 1), h.dtype), batch, num_segments=G)
    pooled = sums / jnp.maximum(cnts, 1.0)
    out = pooled @ Wm1 + bm1
    out = jax.nn.relu(out) @ Wm2 + bm2
    return out

if __name__ == "__main__":
    import jax
    _d = setup_inputs()
    print(jax.jit(kernel)(*tuple(_d.values())))

</pallas_src>

<mosaic_0001>
#map = affine_map<(d0, d1) -> (0)>
#map1 = affine_map<(d0, d1) -> (0, 0)>
module attributes {stable_mosaic.version = 14 : i64} {
  func.func @sc_degree(%arg0: i32, %arg1: i32, %arg2: memref<320000xi32, #tpu.memory_space<hbm>>, %arg3: memref<2x10240xf32, #tpu.memory_space<hbm>>, %arg4: memref<2x128xi32, #tpu.memory_space<vmem>>, %arg5: memref<1x16xi32, #tpu.memory_space<vmem>>, %arg6: memref<128xf32, #tpu.memory_space<vmem>>, %arg7: memref<640xf32, #tpu.memory_space<vmem>>, %arg8: memref<10240xf32, #tpu.memory_space<vmem_shared>>, %arg9: memref<!tpu.dma_semaphore, #tpu.memory_space<semaphore_mem>>, %arg10: memref<!tpu.dma_semaphore, #tpu.memory_space<semaphore_mem>>) attributes {dimension_semantics = [#tpu.dimension_semantics<core_parallel>, #tpu.dimension_semantics<subcore_parallel>], iteration_bounds = array<i64: 2, 16>, scalar_prefetch = 0 : i64, scratch_operands = 7 : i64, tpu.core_type = #tpu.core_type<sc_vector_subcore>, window_params = [{transform_indices = #map}, {transform_indices = #map1}]} {
    %mul3A = arith.constant 16 : i32
    %mul3A_0 = arith.muli %arg0, %mul3A : i32
    %add3A = arith.addi %mul3A_0, %arg1 : i32
    %mul3A_1 = arith.constant 640 : i32
    %mul3A_2 = arith.muli %arg1, %mul3A_1 : i32
    %mul3A_3 = arith.constant 10000 : i32
    %mul3A_4 = arith.muli %add3A, %mul3A_3 : i32
    %scan3A = arith.constant 0 : i32
    %scan3A_5 = arith.constant 0 : i32
    %scan3A_6 = arith.constant 40 : i32
    %scan3A_7 = arith.addi %scan3A_5, %scan3A_6 : i32
    %scan3A_8 = arith.constant 1 : i32
    scf.for %scan3A_36 = %scan3A_5 to %scan3A_7 step %scan3A_8  : i32 {
      %broadcast_in_dim3A = arith.constant 0.000000e+00 : f32
      %broadcast_in_dim3A_37 = vector.broadcast %broadcast_in_dim3A : f32 to vector<16xf32>
      %mul3A_38 = arith.constant 16 : i32
      %mul3A_39 = arith.muli %scan3A_36, %mul3A_38 : i32
      %swap3A = arith.index_cast %mul3A_39 : i32 to index
      %swap3A_40 = tpu.vector_load %arg7[%swap3A] {strides = array<i32>} : memref<640xf32, #tpu.memory_space<vmem>>, vector<16xf32>,
      %swap3A_41 = vector.shape_cast %swap3A_40 : vector<16xf32> to vector<16xf32>
      %swap3A_42 = vector.shape_cast %broadcast_in_dim3A_37 : vector<16xf32> to vector<16xf32>
      tpu.vector_store %arg7[%swap3A], %swap3A_42 {strides = array<i32>} : memref<640xf32, #tpu.memory_space<vmem>>, vector<16xf32>,
    }
    %scan3A_9 = arith.constant 40 : i32
    %scan3A_10 = arith.constant 0 : i32
    %scan3A_11 = arith.constant 0 : i32
    %scan3A_12 = arith.constant 8 : i32
    %scan3A_13 = arith.addi %scan3A_11, %scan3A_12 : i32
    %scan3A_14 = arith.constant 1 : i32
    scf.for %scan3A_36 = %scan3A_11 to %scan3A_13 step %scan3A_14  : i32 {
      %broadcast_in_dim3A = arith.constant 1.000000e+00 : f32
      %broadcast_in_dim3A_37 = vector.broadcast %broadcast_in_dim3A : f32 to vector<16xf32>
      %mul3A_38 = arith.constant 16 : i32
      %mul3A_39 = arith.muli %scan3A_36, %mul3A_38 : i32
      %swap3A = arith.index_cast %mul3A_39 : i32 to index
      %swap3A_40 = tpu.vector_load %arg6[%swap3A] {strides = array<i32>} : memref<128xf32, #tpu.memory_space<vmem>>, vector<16xf32>,
      %swap3A_41 = vector.shape_cast %swap3A_40 : vector<16xf32> to vector<16xf32>
      %swap3A_42 = vector.shape_cast %broadcast_in_dim3A_37 : vector<16xf32> to vector<16xf32>
      tpu.vector_store %arg6[%swap3A], %swap3A_42 {strides = array<i32>} : memref<128xf32, #tpu.memory_space<vmem>>, vector<16xf32>,
    }
    %scan3A_15 = arith.constant 8 : i32
    "tpu.region"() ({
      %run_scoped3A_36 = tpu.sem_alloc : memref<!tpu.dma_semaphore, #tpu.memory_space<semaphore_mem>>
      %dma_start3A_37 = arith.constant 0 : i32
      %dma_start3A_38 = tpu.memref_slice %arg7[%dma_start3A_37] : memref<640xf32, #tpu.memory_space<vmem>> -> memref<640xf32, #tpu.memory_space<vmem>>
      %dma_start3A_39 = tpu.memref_slice %arg8[%mul3A_2] : memref<10240xf32, #tpu.memory_space<vmem_shared>> -> memref<640xf32, #tpu.memory_space<vmem_shared>>
      %dma_start3A_40 = tpu.memref_slice %arg8[%mul3A_2] : memref<10240xf32, #tpu.memory_space<vmem_shared>> -> memref<640xf32, #tpu.memory_space<vmem_shared>>
      %dma_start3A_41 = arith.constant 0 : i32
      %dma_start3A_42 = tpu.memref_slice %arg7[%dma_start3A_41] : memref<640xf32, #tpu.memory_space<vmem>> -> memref<640xf32, #tpu.memory_space<vmem>>
      tpu.enqueue_dma source(%dma_start3A_42 : memref<640xf32, #tpu.memory_space<vmem>>) target(%dma_start3A_40 : memref<640xf32, #tpu.memory_space<vmem_shared>>) target_semaphore(%run_scoped3A_36 : memref<!tpu.dma_semaphore, #tpu.memory_space<semaphore_mem>>)
      %dma_wait3A = arith.constant 0 : i32
      %dma_wait3A_43 = tpu.memref_slice %arg7[%dma_wait3A] : memref<640xf32, #tpu.memory_space<vmem>> -> memref<640xf32, #tpu.memory_space<vmem>>
      %dma_wait3A_44 = tpu.memref_slice %arg8[%mul3A_2] : memref<10240xf32, #tpu.memory_space<vmem_shared>> -> memref<640xf32, #tpu.memory_space<vmem_shared>>
      %dma_wait3A_45 = tpu.memref_slice %arg8[%mul3A_2] : memref<10240xf32, #tpu.memory_space<vmem_shared>> -> memref<640xf32, #tpu.memory_space<vmem_shared>>
      %dma_wait3A_46 = arith.constant 0 : i32
      %dma_wait3A_47 = tpu.memref_slice %arg7[%dma_wait3A_46] : memref<640xf32, #tpu.memory_space<vmem>> -> memref<640xf32, #tpu.memory_space<vmem>>
      tpu.wait_dma2 semaphore(%run_scoped3A_36 : memref<!tpu.dma_semaphore, #tpu.memory_space<semaphore_mem>>) src(%dma_wait3A_47 : memref<640xf32, #tpu.memory_space<vmem>>) dst(%dma_wait3A_45 : memref<640xf32, #tpu.memory_space<vmem_shared>>)
      tpu.yield
    }) : () -> ()
    %barrier3A = arith.constant 0 : index
    tpu.barrier barrier_id(%barrier3A)
    %add3A_16 = arith.constant 0 : i32
    %add3A_17 = arith.addi %mul3A_4, %add3A_16 : i32
    %dma_start3A = arith.constant 0 : i32
    %dma_start3A_18 = arith.constant 0 : i32
    %dma_start3A_19 = tpu.memref_slice %arg4[%dma_start3A, %dma_start3A_18] : memref<2x128xi32, #tpu.memory_space<vmem>> -> memref<1x128xi32, #tpu.memory_space<vmem>>
    %dma_start3A_20 = tpu.memref_squeeze %dma_start3A_19 : memref<1x128xi32, #tpu.memory_space<vmem>> -> memref<128xi32, #tpu.memory_space<vmem>>
    %dma_start3A_21 = tpu.memref_slice %arg2[%add3A_17] : memref<320000xi32, #tpu.memory_space<hbm>> -> memref<128xi32, #tpu.memory_space<hbm>>
    %dma_start3A_22 = arith.constant 0 : i32
    %dma_start3A_23 = tpu.memref_slice %arg4[%dma_start3A, %dma_start3A_22] : memref<2x128xi32, #tpu.memory_space<vmem>> -> memref<1x128xi32, #tpu.memory_space<vmem>>
    %dma_start3A_24 = tpu.memref_squeeze %dma_start3A_23 : memref<1x128xi32, #tpu.memory_space<vmem>> -> memref<128xi32, #tpu.memory_space<vmem>>
    %dma_start3A_25 = tpu.memref_slice %arg2[%add3A_17] : memref<320000xi32, #tpu.memory_space<hbm>> -> memref<128xi32, #tpu.memory_space<hbm>>
    tpu.enqueue_dma source(%dma_start3A_25 : memref<128xi32, #tpu.memory_space<hbm>>) target(%dma_start3A_24 : memref<128xi32, #tpu.memory_space<vmem>>) target_semaphore(%arg9 : memref<!tpu.dma_semaphore, #tpu.memory_space<semaphore_mem>>)
    %scan3A_26 = arith.constant 0 : i32
    %scan3A_27 = arith.constant 0 : i32
    %scan3A_28 = arith.constant 39 : i32
    %scan3A_29 = arith.addi %scan3A_27, %scan3A_28 : i32
    %scan3A_30 = arith.constant 1 : i32
    scf.for %scan3A_36 = %scan3A_27 to %scan3A_29 step %scan3A_30  : i32 {
      %mul3A_37 = arith.constant 2 : i32
      %mul3A_38 = arith.muli %mul3A_37, %scan3A_36 : i32
      %add3A_39 = arith.constant 1 : i32
      %add3A_40 = arith.addi %mul3A_38, %add3A_39 : i32
      %mul3A_41 = arith.constant 128 : i32
      %mul3A_42 = arith.muli %add3A_40, %mul3A_41 : i32
      %add3A_43 = arith.addi %mul3A_4, %mul3A_42 : i32
      %dma_start3A_44 = arith.constant 1 : i32
      %dma_start3A_45 = arith.constant 0 : i32
      %dma_start3A_46 = tpu.memref_slice %arg4[%dma_start3A_44, %dma_start3A_45] : memref<2x128xi32, #tpu.memory_space<vmem>> -> memref<1x128xi32, #tpu.memory_space<vmem>>
      %dma_start3A_47 = tpu.memref_squeeze %dma_start3A_46 : memref<1x128xi32, #tpu.memory_space<vmem>> -> memref<128xi32, #tpu.memory_space<vmem>>
      %dma_start3A_48 = tpu.memref_slice %arg2[%add3A_43] : memref<320000xi32, #tpu.memory_space<hbm>> -> memref<128xi32, #tpu.memory_space<hbm>>
      %dma_start3A_49 = arith.constant 0 : i32
      %dma_start3A_50 = tpu.memref_slice %arg4[%dma_start3A_44, %dma_start3A_49] : memref<2x128xi32, #tpu.memory_space<vmem>> -> memref<1x128xi32, #tpu.memory_space<vmem>>
      %dma_start3A_51 = tpu.memref_squeeze %dma_start3A_50 : memref<1x128xi32, #tpu.memory_space<vmem>> -> memref<128xi32, #tpu.memory_space<vmem>>
      %dma_start3A_52 = tpu.memref_slice %arg2[%add3A_43] : memref<320000xi32, #tpu.memory_space<hbm>> -> memref<128xi32, #tpu.memory_space<hbm>>
      tpu.enqueue_dma source(%dma_start3A_52 : memref<128xi32, #tpu.memory_space<hbm>>) target(%dma_start3A_51 : memref<128xi32, #tpu.memory_space<vmem>>) target_semaphore(%arg10 : memref<!tpu.dma_semaphore, #tpu.memory_space<semaphore_mem>>)
      %mul3A_53 = arith.constant 2 : i32
      %mul3A_54 = arith.muli %mul3A_53, %scan3A_36 : i32
      %mul3A_55 = arith.constant 128 : i32
      %mul3A_56 = arith.muli %mul3A_54, %mul3A_55 : i32
      %add3A_57 = arith.addi %mul3A_4, %mul3A_56 : i32
      %dma_wait3A = arith.constant 0 : i32
      %dma_wait3A_58 = arith.constant 0 : i32
      %dma_wait3A_59 = tpu.memref_slice %arg4[%dma_wait3A, %dma_wait3A_58] : memref<2x128xi32, #tpu.memory_space<vmem>> -> memref<1x128xi32, #tpu.memory_space<vmem>>
      %dma_wait3A_60 = tpu.memref_squeeze %dma_wait3A_59 : memref<1x128xi32, #tpu.memory_space<vmem>> -> memref<128xi32, #tpu.memory_space<vmem>>
      %dma_wait3A_61 = tpu.memref_slice %arg2[%add3A_57] : memref<320000xi32, #tpu.memory_space<hbm>> -> memref<128xi32, #tpu.memory_space<hbm>>
      %dma_wait3A_62 = arith.constant 0 : i32
      %dma_wait3A_63 = tpu.memref_slice %arg4[%dma_wait3A, %dma_wait3A_62] : memref<2x128xi32, #tpu.memory_space<vmem>> -> memref<1x128xi32, #tpu.memory_space<vmem>>
      %dma_wait3A_64 = tpu.memref_squeeze %dma_wait3A_63 : memref<1x128xi32, #tpu.memory_space<vmem>> -> memref<128xi32, #tpu.memory_space<vmem>>
      %dma_wait3A_65 = tpu.memref_slice %arg2[%add3A_57] : memref<320000xi32, #tpu.memory_space<hbm>> -> memref<128xi32, #tpu.memory_space<hbm>>
      tpu.wait_dma2 semaphore(%arg9 : memref<!tpu.dma_semaphore, #tpu.memory_space<semaphore_mem>>) src(%dma_wait3A_65 : memref<128xi32, #tpu.memory_space<hbm>>) dst(%dma_wait3A_64 : memref<128xi32, #tpu.memory_space<vmem>>)
      %run_scoped3A_66 = arith.constant 0 : i32
      "tpu.region"() ({
        %run_scoped3A_86 = tpu.sem_alloc : memref<!tpu.dma_semaphore, #tpu.memory_space<semaphore_mem>>
        %dma_start3A_87 = arith.constant 0 : i32
        %dma_start3A_88 = tpu.memref_slice %arg4[%run_scoped3A_66, %dma_start3A_87] : memref<2x128xi32, #tpu.memory_space<vmem>> -> memref<1x128xi32, #tpu.memory_space<vmem>>
        %dma_start3A_89 = tpu.memref_squeeze %dma_start3A_88 : memref<1x128xi32, #tpu.memory_space<vmem>> -> memref<128xi32, #tpu.memory_space<vmem>>
        %dma_start3A_90 = arith.constant 0 : i32
        %dma_start3A_91 = tpu.memref_slice %arg8[%dma_start3A_90] : memref<10240xf32, #tpu.memory_space<vmem_shared>> -> memref<10240xf32, #tpu.memory_space<vmem_shared>>
        tpu.enqueue_indirect_dma source(%arg6 : memref<128xf32, #tpu.memory_space<vmem>>) target(%dma_start3A_91 : memref<10240xf32, #tpu.memory_space<vmem_shared>>) offsets(%dma_start3A_89 : memref<128xi32, #tpu.memory_space<vmem>>) semaphore(%run_scoped3A_86 : memref<!tpu.dma_semaphore, #tpu.memory_space<semaphore_mem>>) {add = true}
        %dma_wait3A_92 = arith.constant 0 : i32
        %dma_wait3A_93 = tpu.memref_slice %arg4[%run_scoped3A_66, %dma_wait3A_92] : memref<2x128xi32, #tpu.memory_space<vmem>> -> memref<1x128xi32, #tpu.memory_space<vmem>>
        %dma_wait3A_94 = tpu.memref_squeeze %dma_wait3A_93 : memref<1x128xi32, #tpu.memory_space<vmem>> -> memref<128xi32, #tpu.memory_space<vmem>>
        %dma_wait3A_95 = arith.constant 0 : i32
        %dma_wait3A_96 = tpu.memref_slice %arg8[%dma_wait3A_95] : memref<10240xf32, #tpu.memory_space<vmem_shared>> -> memref<10240xf32, #tpu.memory_space<vmem_shared>>
        tpu.wait_indirect_dma semaphore(%run_scoped3A_86 : memref<!tpu.dma_semaphore, #tpu.memory_space<semaphore_mem>>) src(%arg6 : memref<128xf32, #tpu.memory_space<vmem>>) dst(%dma_wait3A_96 : memref<10240xf32, #tpu.memory_space<vmem_shared>>)
        tpu.yield
      }) : () -> ()
      %lt3A = arith.constant 38 : i32
      %lt3A_67 = arith.cmpi slt, %scan3A_36, %lt3A : i32
      %convert_element_type3A = arith.extui %lt3A_67 : i1 to i32
      %cond3A = arith.constant 0 : i32
      %cond3A_68 = arith.cmpi ne, %convert_element_type3A, %cond3A : i32
      scf.if %cond3A_68 {
        %mul3A_86 = arith.constant 2 : i32
        %mul3A_87 = arith.muli %mul3A_86, %scan3A_36 : i32
        %add3A_88 = arith.constant 2 : i32
        %add3A_89 = arith.addi %mul3A_87, %add3A_88 : i32
        %mul3A_90 = arith.constant 128 : i32
        %mul3A_91 = arith.muli %add3A_89, %mul3A_90 : i32
        %add3A_92 = arith.addi %mul3A_4, %mul3A_91 : i32
        %dma_start3A_93 = arith.constant 0 : i32
        %dma_start3A_94 = arith.constant 0 : i32
        %dma_start3A_95 = tpu.memref_slice %arg4[%dma_start3A_93, %dma_start3A_94] : memref<2x128xi32, #tpu.memory_space<vmem>> -> memref<1x128xi32, #tpu.memory_space<vmem>>
        %dma_start3A_96 = tpu.memref_squeeze %dma_start3A_95 : memref<1x128xi32, #tpu.memory_space<vmem>> -> memref<128xi32, #tpu.memory_space<vmem>>
        %dma_start3A_97 = tpu.memref_slice %arg2[%add3A_92] : memref<320000xi32, #tpu.memory_space<hbm>> -> memref<128xi32, #tpu.memory_space<hbm>>
        %dma_start3A_98 = arith.constant 0 : i32
        %dma_start3A_99 = tpu.memref_slice %arg4[%dma_start3A_93, %dma_start3A_98] : memref<2x128xi32, #tpu.memory_space<vmem>> -> memref<1x128xi32, #tpu.memory_space<vmem>>
        %dma_start3A_100 = tpu.memref_squeeze %dma_start3A_99 : memref<1x128xi32, #tpu.memory_space<vmem>> -> memref<128xi32, #tpu.memory_space<vmem>>
        %dma_start3A_101 = tpu.memref_slice %arg2[%add3A_92] : memref<320000xi32, #tpu.memory_space<hbm>> -> memref<128xi32, #tpu.memory_space<hbm>>
        tpu.enqueue_dma source(%dma_start3A_101 : memref<128xi32, #tpu.memory_space<hbm>>) target(%dma_start3A_100 : memref<128xi32, #tpu.memory_space<vmem>>) target_semaphore(%arg9 : memref<!tpu.dma_semaphore, #tpu.memory_space<semaphore_mem>>)
      } else {
      }
      %mul3A_69 = arith.constant 2 : i32
      %mul3A_70 = arith.muli %mul3A_69, %scan3A_36 : i32
      %add3A_71 = arith.constant 1 : i32
      %add3A_72 = arith.addi %mul3A_70, %add3A_71 : i32
      %mul3A_73 = arith.constant 128 : i32
      %mul3A_74 = arith.muli %add3A_72, %mul3A_73 : i32
      %add3A_75 = arith.addi %mul3A_4, %mul3A_74 : i32
      %dma_wait3A_76 = arith.constant 1 : i32
      %dma_wait3A_77 = arith.constant 0 : i32
      %dma_wait3A_78 = tpu.memref_slice %arg4[%dma_wait3A_76, %dma_wait3A_77] : memref<2x128xi32, #tpu.memory_space<vmem>> -> memref<1x128xi32, #tpu.memory_space<vmem>>
      %dma_wait3A_79 = tpu.memref_squeeze %dma_wait3A_78 : memref<1x128xi32, #tpu.memory_space<vmem>> -> memref<128xi32, #tpu.memory_space<vmem>>
      %dma_wait3A_80 = tpu.memref_slice %arg2[%add3A_75] : memref<320000xi32, #tpu.memory_space<hbm>> -> memref<128xi32, #tpu.memory_space<hbm>>
      %dma_wait3A_81 = arith.constant 0 : i32
      %dma_wait3A_82 = tpu.memref_slice %arg4[%dma_wait3A_76, %dma_wait3A_81] : memref<2x128xi32, #tpu.memory_space<vmem>> -> memref<1x128xi32, #tpu.memory_space<vmem>>
      %dma_wait3A_83 = tpu.memref_squeeze %dma_wait3A_82 : memref<1x128xi32, #tpu.memory_space<vmem>> -> memref<128xi32, #tpu.memory_space<vmem>>
      %dma_wait3A_84 = tpu.memref_slice %arg2[%add3A_75] : memref<320000xi32, #tpu.memory_space<hbm>> -> memref<128xi32, #tpu.memory_space<hbm>>
      tpu.wait_dma2 semaphore(%arg10 : memref<!tpu.dma_semaphore, #tpu.memory_space<semaphore_mem>>) src(%dma_wait3A_84 : memref<128xi32, #tpu.memory_space<hbm>>) dst(%dma_wait3A_83 : memref<128xi32, #tpu.memory_space<vmem>>)
      %run_scoped3A_85 = arith.constant 1 : i32
      "tpu.region"() ({
        %run_scoped3A_86 = tpu.sem_alloc : memref<!tpu.dma_semaphore, #tpu.memory_space<semaphore_mem>>
        %dma_start3A_87 = arith.constant 0 : i32
        %dma_start3A_88 = tpu.memref_slice %arg4[%run_scoped3A_85, %dma_start3A_87] : memref<2x128xi32, #tpu.memory_space<vmem>> -> memref<1x128xi32, #tpu.memory_space<vmem>>
        %dma_start3A_89 = tpu.memref_squeeze %dma_start3A_88 : memref<1x128xi32, #tpu.memory_space<vmem>> -> memref<128xi32, #tpu.memory_space<vmem>>
        %dma_start3A_90 = arith.constant 0 : i32
        %dma_start3A_91 = tpu.memref_slice %arg8[%dma_start3A_90] : memref<10240xf32, #tpu.memory_space<vmem_shared>> -> memref<10240xf32, #tpu.memory_space<vmem_shared>>
        tpu.enqueue_indirect_dma source(%arg6 : memref<128xf32, #tpu.memory_space<vmem>>) target(%dma_start3A_91 : memref<10240xf32, #tpu.memory_space<vmem_shared>>) offsets(%dma_start3A_89 : memref<128xi32, #tpu.memory_space<vmem>>) semaphore(%run_scoped3A_86 : memref<!tpu.dma_semaphore, #tpu.memory_space<semaphore_mem>>) {add = true}
        %dma_wait3A_92 = arith.constant 0 : i32
        %dma_wait3A_93 = tpu.memref_slice %arg4[%run_scoped3A_85, %dma_wait3A_92] : memref<2x128xi32, #tpu.memory_space<vmem>> -> memref<1x128xi32, #tpu.memory_space<vmem>>
        %dma_wait3A_94 = tpu.memref_squeeze %dma_wait3A_93 : memref<1x128xi32, #tpu.memory_space<vmem>> -> memref<128xi32, #tpu.memory_space<vmem>>
        %dma_wait3A_95 = arith.constant 0 : i32
        %dma_wait3A_96 = tpu.memref_slice %arg8[%dma_wait3A_95] : memref<10240xf32, #tpu.memory_space<vmem_shared>> -> memref<10240xf32, #tpu.memory_space<vmem_shared>>
        tpu.wait_indirect_dma semaphore(%run_scoped3A_86 : memref<!tpu.dma_semaphore, #tpu.memory_space<semaphore_mem>>) src(%arg6 : memref<128xf32, #tpu.memory_space<vmem>>) dst(%dma_wait3A_96 : memref<10240xf32, #tpu.memory_space<vmem_shared>>)
        tpu.yield
      }) : () -> ()
    }
    %scan3A_31 = arith.constant 39 : i32
    %add3A_32 = arith.constant 9984 : i32
    %add3A_33 = arith.addi %mul3A_4, %add3A_32 : i32
    %run_scoped3A = arith.constant 0 : i32
    "tpu.region"() ({
      %run_scoped3A_36 = tpu.sem_alloc : memref<!tpu.dma_semaphore, #tpu.memory_space<semaphore_mem>>
      %dma_start3A_37 = arith.constant 0 : i32
      %dma_start3A_38 = tpu.memref_slice %arg5[%run_scoped3A, %dma_start3A_37] : memref<1x16xi32, #tpu.memory_space<vmem>> -> memref<1x16xi32, #tpu.memory_space<vmem>>
      %dma_start3A_39 = tpu.memref_squeeze %dma_start3A_38 : memref<1x16xi32, #tpu.memory_space<vmem>> -> memref<16xi32, #tpu.memory_space<vmem>>
      %dma_start3A_40 = tpu.memref_slice %arg2[%add3A_33] : memref<320000xi32, #tpu.memory_space<hbm>> -> memref<16xi32, #tpu.memory_space<hbm>>
      %dma_start3A_41 = arith.constant 0 : i32
      %dma_start3A_42 = tpu.memref_slice %arg5[%run_scoped3A, %dma_start3A_41] : memref<1x16xi32, #tpu.memory_space<vmem>> -> memref<1x16xi32, #tpu.memory_space<vmem>>
      %dma_start3A_43 = tpu.memref_squeeze %dma_start3A_42 : memref<1x16xi32, #tpu.memory_space<vmem>> -> memref<16xi32, #tpu.memory_space<vmem>>
      %dma_start3A_44 = tpu.memref_slice %arg2[%add3A_33] : memref<320000xi32, #tpu.memory_space<hbm>> -> memref<16xi32, #tpu.memory_space<hbm>>
      tpu.enqueue_dma source(%dma_start3A_44 : memref<16xi32, #tpu.memory_space<hbm>>) target(%dma_start3A_43 : memref<16xi32, #tpu.memory_space<vmem>>) target_semaphore(%run_scoped3A_36 : memref<!tpu.dma_semaphore, #tpu.memory_space<semaphore_mem>>)
      %dma_wait3A = arith.constant 0 : i32
      %dma_wait3A_45 = tpu.memref_slice %arg5[%run_scoped3A, %dma_wait3A] : memref<1x16xi32, #tpu.memory_space<vmem>> -> memref<1x16xi32, #tpu.memory_space<vmem>>
      %dma_wait3A_46 = tpu.memref_squeeze %dma_wait3A_45 : memref<1x16xi32, #tpu.memory_space<vmem>> -> memref<16xi32, #tpu.memory_space<vmem>>
      %dma_wait3A_47 = tpu.memref_slice %arg2[%add3A_33] : memref<320000xi32, #tpu.memory_space<hbm>> -> memref<16xi32, #tpu.memory_space<hbm>>
      %dma_wait3A_48 = arith.constant 0 : i32
      %dma_wait3A_49 = tpu.memref_slice %arg5[%run_scoped3A, %dma_wait3A_48] : memref<1x16xi32, #tpu.memory_space<vmem>> -> memref<1x16xi32, #tpu.memory_space<vmem>>
      %dma_wait3A_50 = tpu.memref_squeeze %dma_wait3A_49 : memref<1x16xi32, #tpu.memory_space<vmem>> -> memref<16xi32, #tpu.memory_space<vmem>>
      %dma_wait3A_51 = tpu.memref_slice %arg2[%add3A_33] : memref<320000xi32, #tpu.memory_space<hbm>> -> memref<16xi32, #tpu.memory_space<hbm>>
      tpu.wait_dma2 semaphore(%run_scoped3A_36 : memref<!tpu.dma_semaphore, #tpu.memory_space<semaphore_mem>>) src(%dma_wait3A_51 : memref<16xi32, #tpu.memory_space<hbm>>) dst(%dma_wait3A_50 : memref<16xi32, #tpu.memory_space<vmem>>)
      tpu.yield
    }) : () -> ()
    %run_scoped3A_34 = arith.constant 0 : i32
    "tpu.region"() ({
      %run_scoped3A_36 = tpu.sem_alloc : memref<!tpu.dma_semaphore, #tpu.memory_space<semaphore_mem>>
      %dma_start3A_37 = arith.constant 0 : i32
      %dma_start3A_38 = tpu.memref_slice %arg6[%dma_start3A_37] : memref<128xf32, #tpu.memory_space<vmem>> -> memref<16xf32, #tpu.memory_space<vmem>>
      %dma_start3A_39 = arith.constant 0 : i32
      %dma_start3A_40 = tpu.memref_slice %arg5[%run_scoped3A_34, %dma_start3A_39] : memref<1x16xi32, #tpu.memory_space<vmem>> -> memref<1x16xi32, #tpu.memory_space<vmem>>
      %dma_start3A_41 = tpu.memref_squeeze %dma_start3A_40 : memref<1x16xi32, #tpu.memory_space<vmem>> -> memref<16xi32, #tpu.memory_space<vmem>>
      %dma_start3A_42 = arith.constant 0 : i32
      %dma_start3A_43 = tpu.memref_slice %arg8[%dma_start3A_42] : memref<10240xf32, #tpu.memory_space<vmem_shared>> -> memref<10240xf32, #tpu.memory_space<vmem_shared>>
      tpu.enqueue_indirect_dma source(%dma_start3A_38 : memref<16xf32, #tpu.memory_space<vmem>>) target(%dma_start3A_43 : memref<10240xf32, #tpu.memory_space<vmem_shared>>) offsets(%dma_start3A_41 : memref<16xi32, #tpu.memory_space<vmem>>) semaphore(%run_scoped3A_36 : memref<!tpu.dma_semaphore, #tpu.memory_space<semaphore_mem>>) {add = true}
      %dma_wait3A = arith.constant 0 : i32
      %dma_wait3A_44 = tpu.memref_slice %arg6[%dma_wait3A] : memref<128xf32, #tpu.memory_space<vmem>> -> memref<16xf32, #tpu.memory_space<vmem>>
      %dma_wait3A_45 = arith.constant 0 : i32
      %dma_wait3A_46 = tpu.memref_slice %arg5[%run_scoped3A_34, %dma_wait3A_45] : memref<1x16xi32, #tpu.memory_space<vmem>> -> memref<1x16xi32, #tpu.memory_space<vmem>>
      %dma_wait3A_47 = tpu.memref_squeeze %dma_wait3A_46 : memref<1x16xi32, #tpu.memory_space<vmem>> -> memref<16xi32, #tpu.memory_space<vmem>>
      %dma_wait3A_48 = arith.constant 0 : i32
      %dma_wait3A_49 = tpu.memref_slice %arg8[%dma_wait3A_48] : memref<10240xf32, #tpu.memory_space<vmem_shared>> -> memref<10240xf32, #tpu.memory_space<vmem_shared>>
      tpu.wait_indirect_dma semaphore(%run_scoped3A_36 : memref<!tpu.dma_semaphore, #tpu.memory_space<semaphore_mem>>) src(%dma_wait3A_44 : memref<16xf32, #tpu.memory_space<vmem>>) dst(%dma_wait3A_49 : memref<10240xf32, #tpu.memory_space<vmem_shared>>)
      tpu.yield
    }) : () -> ()
    %barrier3A_35 = arith.constant 0 : index
    tpu.barrier barrier_id(%barrier3A_35)
    "tpu.region"() ({
      %run_scoped3A_36 = tpu.sem_alloc : memref<!tpu.dma_semaphore, #tpu.memory_space<semaphore_mem>>
      %dma_start3A_37 = arith.constant 0 : i32
      %dma_start3A_38 = tpu.memref_slice %arg7[%dma_start3A_37] : memref<640xf32, #tpu.memory_space<vmem>> -> memref<640xf32, #tpu.memory_space<vmem>>
      %dma_start3A_39 = tpu.memref_slice %arg8[%mul3A_2] : memref<10240xf32, #tpu.memory_space<vmem_shared>> -> memref<640xf32, #tpu.memory_space<vmem_shared>>
      %dma_start3A_40 = arith.constant 0 : i32
      %dma_start3A_41 = tpu.memref_slice %arg7[%dma_start3A_40] : memref<640xf32, #tpu.memory_space<vmem>> -> memref<640xf32, #tpu.memory_space<vmem>>
      %dma_start3A_42 = tpu.memref_slice %arg8[%mul3A_2] : memref<10240xf32, #tpu.memory_space<vmem_shared>> -> memref<640xf32, #tpu.memory_space<vmem_shared>>
      tpu.enqueue_dma source(%dma_start3A_42 : memref<640xf32, #tpu.memory_space<vmem_shared>>) target(%dma_start3A_41 : memref<640xf32, #tpu.memory_space<vmem>>) target_semaphore(%run_scoped3A_36 : memref<!tpu.dma_semaphore, #tpu.memory_space<semaphore_mem>>)
      %dma_wait3A = arith.constant 0 : i32
      %dma_wait3A_43 = tpu.memref_slice %arg7[%dma_wait3A] : memref<640xf32, #tpu.memory_space<vmem>> -> memref<640xf32, #tpu.memory_space<vmem>>
      %dma_wait3A_44 = tpu.memref_slice %arg8[%mul3A_2] : memref<10240xf32, #tpu.memory_space<vmem_shared>> -> memref<640xf32, #tpu.memory_space<vmem_shared>>
      %dma_wait3A_45 = arith.constant 0 : i32
      %dma_wait3A_46 = tpu.memref_slice %arg7[%dma_wait3A_45] : memref<640xf32, #tpu.memory_space<vmem>> -> memref<640xf32, #tpu.memory_space<vmem>>
      %dma_wait3A_47 = tpu.memref_slice %arg8[%mul3A_2] : memref<10240xf32, #tpu.memory_space<vmem_shared>> -> memref<640xf32, #tpu.memory_space<vmem_shared>>
      tpu.wait_dma2 semaphore(%run_scoped3A_36 : memref<!tpu.dma_semaphore, #tpu.memory_space<semaphore_mem>>) src(%dma_wait3A_47 : memref<640xf32, #tpu.memory_space<vmem_shared>>) dst(%dma_wait3A_46 : memref<640xf32, #tpu.memory_space<vmem>>)
      tpu.yield
    }) : () -> ()
    "tpu.region"() ({
      %run_scoped3A_36 = tpu.sem_alloc : memref<!tpu.dma_semaphore, #tpu.memory_space<semaphore_mem>>
      %dma_start3A_37 = arith.constant 0 : i32
      %dma_start3A_38 = tpu.memref_slice %arg7[%dma_start3A_37] : memref<640xf32, #tpu.memory_space<vmem>> -> memref<640xf32, #tpu.memory_space<vmem>>
      %dma_start3A_39 = arith.constant 0 : i32
      %dma_start3A_40 = tpu.memref_slice %arg3[%arg0, %dma_start3A_39] : memref<2x10240xf32, #tpu.memory_space<hbm>> -> memref<1x10240xf32, #tpu.memory_space<hbm>>
      %dma_start3A_41 = tpu.memref_squeeze %dma_start3A_40 : memref<1x10240xf32, #tpu.memory_space<hbm>> -> memref<10240xf32, #tpu.memory_space<hbm>>
      %dma_start3A_42 = tpu.memref_slice %dma_start3A_41[%mul3A_2] : memref<10240xf32, #tpu.memory_space<hbm>> -> memref<640xf32, #tpu.memory_space<hbm>>
      %dma_start3A_43 = arith.constant 0 : i32
      %dma_start3A_44 = tpu.memref_slice %arg3[%arg0, %dma_start3A_43] : memref<2x10240xf32, #tpu.memory_space<hbm>> -> memref<1x10240xf32, #tpu.memory_space<hbm>>
      %dma_start3A_45 = tpu.memref_squeeze %dma_start3A_44 : memref<1x10240xf32, #tpu.memory_space<hbm>> -> memref<10240xf32, #tpu.memory_space<hbm>>
      %dma_start3A_46 = tpu.memref_slice %dma_start3A_45[%mul3A_2] : memref<10240xf32, #tpu.memory_space<hbm>> -> memref<640xf32, #tpu.memory_space<hbm>>
      %dma_start3A_47 = arith.constant 0 : i32
      %dma_start3A_48 = tpu.memref_slice %arg7[%dma_start3A_47] : memref<640xf32, #tpu.memory_space<vmem>> -> memref<640xf32, #tpu.memory_space<vmem>>
      tpu.enqueue_dma source(%dma_start3A_48 : memref<640xf32, #tpu.memory_space<vmem>>) target(%dma_start3A_46 : memref<640xf32, #tpu.memory_space<hbm>>) target_semaphore(%run_scoped3A_36 : memref<!tpu.dma_semaphore, #tpu.memory_space<semaphore_mem>>)
      %dma_wait3A = arith.constant 0 : i32
      %dma_wait3A_49 = tpu.memref_slice %arg7[%dma_wait3A] : memref<640xf32, #tpu.memory_space<vmem>> -> memref<640xf32, #tpu.memory_space<vmem>>
      %dma_wait3A_50 = arith.constant 0 : i32
      %dma_wait3A_51 = tpu.memref_slice %arg3[%arg0, %dma_wait3A_50] : memref<2x10240xf32, #tpu.memory_space<hbm>> -> memref<1x10240xf32, #tpu.memory_space<hbm>>
      %dma_wait3A_52 = tpu.memref_squeeze %dma_wait3A_51 : memref<1x10240xf32, #tpu.memory_space<hbm>> -> memref<10240xf32, #tpu.memory_space<hbm>>
      %dma_wait3A_53 = tpu.memref_slice %dma_wait3A_52[%mul3A_2] : memref<10240xf32, #tpu.memory_space<hbm>> -> memref<640xf32, #tpu.memory_space<hbm>>
      %dma_wait3A_54 = arith.constant 0 : i32
      %dma_wait3A_55 = tpu.memref_slice %arg3[%arg0, %dma_wait3A_54] : memref<2x10240xf32, #tpu.memory_space<hbm>> -> memref<1x10240xf32, #tpu.memory_space<hbm>>
      %dma_wait3A_56 = tpu.memref_squeeze %dma_wait3A_55 : memref<1x10240xf32, #tpu.memory_space<hbm>> -> memref<10240xf32, #tpu.memory_space<hbm>>
      %dma_wait3A_57 = tpu.memref_slice %dma_wait3A_56[%mul3A_2] : memref<10240xf32, #tpu.memory_space<hbm>> -> memref<640xf32, #tpu.memory_space<hbm>>
      %dma_wait3A_58 = arith.constant 0 : i32
      %dma_wait3A_59 = tpu.memref_slice %arg7[%dma_wait3A_58] : memref<640xf32, #tpu.memory_space<vmem>> -> memref<640xf32, #tpu.memory_space<vmem>>
      tpu.wait_dma2 semaphore(%run_scoped3A_36 : memref<!tpu.dma_semaphore, #tpu.memory_space<semaphore_mem>>) src(%dma_wait3A_59 : memref<640xf32, #tpu.memory_space<vmem>>) dst(%dma_wait3A_57 : memref<640xf32, #tpu.memory_space<hbm>>)
      tpu.yield
    }) : () -> ()
    return
  }
}

#map = affine_map<(d0, d1) -> (0, 0)>
#map1 = affine_map<(d0, d1) -> (0)>
#map2 = affine_map<(d0, d1) -> (0, 0, 0)>
module attributes {stable_mosaic.version = 14 : i64} {
  func.func @sc_scatter(%arg0: i32, %arg1: i32, %arg2: memref<10000x128xf32, #tpu.memory_space<hbm>>, %arg3: memref<320000xi32, #tpu.memory_space<hbm>>, %arg4: memref<320000xi32, #tpu.memory_space<hbm>>, %arg5: memref<10000x128xf32, #tpu.memory_space<hbm>>, %arg6: memref<2x10000x128xf32, #tpu.memory_space<hbm>>, %arg7: memref<2x128xi32, #tpu.memory_space<vmem>>, %arg8: memref<2x128xi32, #tpu.memory_space<vmem>>, %arg9: memref<2x128x128xf32, #tpu.memory_space<vmem>>, %arg10: memref<16xi32, #tpu.memory_space<vmem>>, %arg11: memref<1x16xi32, #tpu.memory_space<vmem>>, %arg12: memref<16x128xf32, #tpu.memory_space<vmem>>, %arg13: memref<10000x128xf32, #tpu.memory_space<vmem_shared>>, %arg14: memref<!tpu.dma_semaphore, #tpu.memory_space<semaphore_mem>>, %arg15: memref<!tpu.dma_semaphore, #tpu.memory_space<semaphore_mem>>) attributes {dimension_semantics = [#tpu.dimension_semantics<core_parallel>, #tpu.dimension_semantics<subcore_parallel>], iteration_bounds = array<i64: 2, 16>, scalar_prefetch = 0 : i64, scratch_operands = 9 : i64, tpu.core_type = #tpu.core_type<sc_vector_subcore>, window_params = [{transform_indices = #map}, {transform_indices = #map1}, {transform_indices = #map1}, {transform_indices = #map}, {transform_indices = #map2}]} {
    %mul3A = arith.constant 16 : i32
    %mul3A_0 = arith.muli %arg0, %mul3A : i32
    %add3A = arith.addi %mul3A_0, %arg1 : i32
    %mul3A_1 = arith.constant 624 : i32
    %mul3A_2 = arith.muli %arg1, %mul3A_1 : i32
    %mul3A_3 = arith.constant 10000 : i32
    %mul3A_4 = arith.muli %add3A, %mul3A_3 : i32
    "tpu.region"() ({
      %run_scoped3A_41 = tpu.sem_alloc : memref<!tpu.dma_semaphore, #tpu.memory_space<semaphore_mem>>
      %dma_start3A_42 = arith.constant 0 : i32
      %dma_start3A_43 = tpu.memref_slice %arg13[%mul3A_2, %dma_start3A_42] : memref<10000x128xf32, #tpu.memory_space<vmem_shared>> -> memref<624x128xf32, #tpu.memory_space<vmem_shared>>
      %dma_start3A_44 = arith.constant 0 : i32
      %dma_start3A_45 = tpu.memref_slice %arg5[%mul3A_2, %dma_start3A_44] : memref<10000x128xf32, #tpu.memory_space<hbm>> -> memref<624x128xf32, #tpu.memory_space<hbm>>
      tpu.enqueue_dma source(%dma_start3A_45 : memref<624x128xf32, #tpu.memory_space<hbm>>) target(%dma_start3A_43 : memref<624x128xf32, #tpu.memory_space<vmem_shared>>) target_semaphore(%run_scoped3A_41 : memref<!tpu.dma_semaphore, #tpu.memory_space<semaphore_mem>>)
      %dma_wait3A_46 = arith.constant 0 : i32
      %dma_wait3A_47 = tpu.memref_slice %arg13[%mul3A_2, %dma_wait3A_46] : memref<10000x128xf32, #tpu.memory_space<vmem_shared>> -> memref<624x128xf32, #tpu.memory_space<vmem_shared>>
      %dma_wait3A_48 = arith.constant 0 : i32
      %dma_wait3A_49 = tpu.memref_slice %arg5[%mul3A_2, %dma_wait3A_48] : memref<10000x128xf32, #tpu.memory_space<hbm>> -> memref<624x128xf32, #tpu.memory_space<hbm>>
      tpu.wait_dma2 semaphore(%run_scoped3A_41 : memref<!tpu.dma_semaphore, #tpu.memory_space<semaphore_mem>>) src(%dma_wait3A_49 : memref<624x128xf32, #tpu.memory_space<hbm>>) dst(%dma_wait3A_47 : memref<624x128xf32, #tpu.memory_space<vmem_shared>>)
      tpu.yield
    }) : () -> ()
    %eq3A = arith.constant 15 : i32
    %eq3A_5 = arith.cmpi eq, %arg1, %eq3A : i32
    %convert_element_type3A = arith.extui %eq3A_5 : i1 to i32
    %cond3A = arith.constant 0 : i32
    %cond3A_6 = arith.cmpi ne, %convert_element_type3A, %cond3A : i32
    scf.if %cond3A_6 {
      "tpu.region"() ({
        %run_scoped3A_41 = tpu.sem_alloc : memref<!tpu.dma_semaphore, #tpu.memory_space<semaphore_mem>>
        %dma_start3A_42 = arith.constant 9984 : i32
        %dma_start3A_43 = arith.constant 0 : i32
        %dma_start3A_44 = tpu.memref_slice %arg13[%dma_start3A_42, %dma_start3A_43] : memref<10000x128xf32, #tpu.memory_space<vmem_shared>> -> memref<16x128xf32, #tpu.memory_space<vmem_shared>>
        %dma_start3A_45 = arith.constant 9984 : i32
        %dma_start3A_46 = arith.constant 0 : i32
        %dma_start3A_47 = tpu.memref_slice %arg5[%dma_start3A_45, %dma_start3A_46] : memref<10000x128xf32, #tpu.memory_space<hbm>> -> memref<16x128xf32, #tpu.memory_space<hbm>>
        tpu.enqueue_dma source(%dma_start3A_47 : memref<16x128xf32, #tpu.memory_space<hbm>>) target(%dma_start3A_44 : memref<16x128xf32, #tpu.memory_space<vmem_shared>>) target_semaphore(%run_scoped3A_41 : memref<!tpu.dma_semaphore, #tpu.memory_space<semaphore_mem>>)
        %dma_wait3A_48 = arith.constant 9984 : i32
        %dma_wait3A_49 = arith.constant 0 : i32
        %dma_wait3A_50 = tpu.memref_slice %arg13[%dma_wait3A_48, %dma_wait3A_49] : memref<10000x128xf32, #tpu.memory_space<vmem_shared>> -> memref<16x128xf32, #tpu.memory_space<vmem_shared>>
        %dma_wait3A_51 = arith.constant 9984 : i32
        %dma_wait3A_52 = arith.constant 0 : i32
        %dma_wait3A_53 = tpu.memref_slice %arg5[%dma_wait3A_51, %dma_wait3A_52] : memref<10000x128xf32, #tpu.memory_space<hbm>> -> memref<16x128xf32, #tpu.memory_space<hbm>>
        tpu.wait_dma2 semaphore(%run_scoped3A_41 : memref<!tpu.dma_semaphore, #tpu.memory_space<semaphore_mem>>) src(%dma_wait3A_53 : memref<16x128xf32, #tpu.memory_space<hbm>>) dst(%dma_wait3A_50 : memref<16x128xf32, #tpu.memory_space<vmem_shared>>)
        tpu.yield
      }) : () -> ()
    } else {
    }
    %barrier3A = arith.constant 0 : index
    tpu.barrier barrier_id(%barrier3A)
    %add3A_7 = arith.constant 0 : i32
    %add3A_8 = arith.addi %mul3A_4, %add3A_7 : i32
    %run_scoped3A = arith.constant 0 : i32
    "tpu.region"() ({
      %run_scoped3A_41 = tpu.sem_alloc : memref<!tpu.dma_semaphore, #tpu.memory_space<semaphore_mem>>
      %dma_start3A_42 = arith.constant 0 : i32
      %dma_start3A_43 = tpu.memref_slice %arg7[%run_scoped3A, %dma_start3A_42] : memref<2x128xi32, #tpu.memory_space<vmem>> -> memref<1x128xi32, #tpu.memory_space<vmem>>
      %dma_start3A_44 = tpu.memref_squeeze %dma_start3A_43 : memref<1x128xi32, #tpu.memory_space<vmem>> -> memref<128xi32, #tpu.memory_space<vmem>>
      %dma_start3A_45 = tpu.memref_slice %arg3[%add3A_8] : memref<320000xi32, #tpu.memory_space<hbm>> -> memref<128xi32, #tpu.memory_space<hbm>>
      %dma_start3A_46 = arith.constant 0 : i32
      %dma_start3A_47 = tpu.memref_slice %arg7[%run_scoped3A, %dma_start3A_46] : memref<2x128xi32, #tpu.memory_space<vmem>> -> memref<1x128xi32, #tpu.memory_space<vmem>>
      %dma_start3A_48 = tpu.memref_squeeze %dma_start3A_47 : memref<1x128xi32, #tpu.memory_space<vmem>> -> memref<128xi32, #tpu.memory_space<vmem>>
      %dma_start3A_49 = tpu.memref_slice %arg3[%add3A_8] : memref<320000xi32, #tpu.memory_space<hbm>> -> memref<128xi32, #tpu.memory_space<hbm>>
      tpu.enqueue_dma source(%dma_start3A_49 : memref<128xi32, #tpu.memory_space<hbm>>) target(%dma_start3A_48 : memref<128xi32, #tpu.memory_space<vmem>>) target_semaphore(%run_scoped3A_41 : memref<!tpu.dma_semaphore, #tpu.memory_space<semaphore_mem>>)
      %dma_wait3A_50 = arith.constant 0 : i32
      %dma_wait3A_51 = tpu.memref_slice %arg7[%run_scoped3A, %dma_wait3A_50] : memref<2x128xi32, #tpu.memory_space<vmem>> -> memref<1x128xi32, #tpu.memory_space<vmem>>
      %dma_wait3A_52 = tpu.memref_squeeze %dma_wait3A_51 : memref<1x128xi32, #tpu.memory_space<vmem>> -> memref<128xi32, #tpu.memory_space<vmem>>
      %dma_wait3A_53 = tpu.memref_slice %arg3[%add3A_8] : memref<320000xi32, #tpu.memory_space<hbm>> -> memref<128xi32, #tpu.memory_space<hbm>>
      %dma_wait3A_54 = arith.constant 0 : i32
      %dma_wait3A_55 = tpu.memref_slice %arg7[%run_scoped3A, %dma_wait3A_54] : memref<2x128xi32, #tpu.memory_space<vmem>> -> memref<1x128xi32, #tpu.memory_space<vmem>>
      %dma_wait3A_56 = tpu.memref_squeeze %dma_wait3A_55 : memref<1x128xi32, #tpu.memory_space<vmem>> -> memref<128xi32, #tpu.memory_space<vmem>>
      %dma_wait3A_57 = tpu.memref_slice %arg3[%add3A_8] : memref<320000xi32, #tpu.memory_space<hbm>> -> memref<128xi32, #tpu.memory_space<hbm>>
      tpu.wait_dma2 semaphore(%run_scoped3A_41 : memref<!tpu.dma_semaphore, #tpu.memory_space<semaphore_mem>>) src(%dma_wait3A_57 : memref<128xi32, #tpu.memory_space<hbm>>) dst(%dma_wait3A_56 : memref<128xi32, #tpu.memory_space<vmem>>)
      tpu.yield
    }) : () -> ()
    %run_scoped3A_9 = arith.constant 0 : i32
    "tpu.region"() ({
      %run_scoped3A_41 = tpu.sem_alloc : memref<!tpu.dma_semaphore, #tpu.memory_space<semaphore_mem>>
      %dma_start3A_42 = arith.constant 0 : i32
      %dma_start3A_43 = tpu.memref_slice %arg8[%run_scoped3A_9, %dma_start3A_42] : memref<2x128xi32, #tpu.memory_space<vmem>> -> memref<1x128xi32, #tpu.memory_space<vmem>>
      %dma_start3A_44 = tpu.memref_squeeze %dma_start3A_43 : memref<1x128xi32, #tpu.memory_space<vmem>> -> memref<128xi32, #tpu.memory_space<vmem>>
      %dma_start3A_45 = tpu.memref_slice %arg4[%add3A_8] : memref<320000xi32, #tpu.memory_space<hbm>> -> memref<128xi32, #tpu.memory_space<hbm>>
      %dma_start3A_46 = arith.constant 0 : i32
      %dma_start3A_47 = tpu.memref_slice %arg8[%run_scoped3A_9, %dma_start3A_46] : memref<2x128xi32, #tpu.memory_space<vmem>> -> memref<1x128xi32, #tpu.memory_space<vmem>>
      %dma_start3A_48 = tpu.memref_squeeze %dma_start3A_47 : memref<1x128xi32, #tpu.memory_space<vmem>> -> memref<128xi32, #tpu.memory_space<vmem>>
      %dma_start3A_49 = tpu.memref_slice %arg4[%add3A_8] : memref<320000xi32, #tpu.memory_space<hbm>> -> memref<128xi32, #tpu.memory_space<hbm>>
      tpu.enqueue_dma source(%dma_start3A_49 : memref<128xi32, #tpu.memory_space<hbm>>) target(%dma_start3A_48 : memref<128xi32, #tpu.memory_space<vmem>>) target_semaphore(%run_scoped3A_41 : memref<!tpu.dma_semaphore, #tpu.memory_space<semaphore_mem>>)
      %dma_wait3A_50 = arith.constant 0 : i32
      %dma_wait3A_51 = tpu.memref_slice %arg8[%run_scoped3A_9, %dma_wait3A_50] : memref<2x128xi32, #tpu.memory_space<vmem>> -> memref<1x128xi32, #tpu.memory_space<vmem>>
      %dma_wait3A_52 = tpu.memref_squeeze %dma_wait3A_51 : memref<1x128xi32, #tpu.memory_space<vmem>> -> memref<128xi32, #tpu.memory_space<vmem>>
      %dma_wait3A_53 = tpu.memref_slice %arg4[%add3A_8] : memref<320000xi32, #tpu.memory_space<hbm>> -> memref<128xi32, #tpu.memory_space<hbm>>
      %dma_wait3A_54 = arith.constant 0 : i32
      %dma_wait3A_55 = tpu.memref_slice %arg8[%run_scoped3A_9, %dma_wait3A_54] : memref<2x128xi32, #tpu.memory_space<vmem>> -> memref<1x128xi32, #tpu.memory_space<vmem>>
      %dma_wait3A_56 = tpu.memref_squeeze %dma_wait3A_55 : memref<1x128xi32, #tpu.memory_space<vmem>> -> memref<128xi32, #tpu.memory_space<vmem>>
      %dma_wait3A_57 = tpu.memref_slice %arg4[%add3A_8] : memref<320000xi32, #tpu.memory_space<hbm>> -> memref<128xi32, #tpu.memory_space<hbm>>
      tpu.wait_dma2 semaphore(%run_scoped3A_41 : memref<!tpu.dma_semaphore, #tpu.memory_space<semaphore_mem>>) src(%dma_wait3A_57 : memref<128xi32, #tpu.memory_space<hbm>>) dst(%dma_wait3A_56 : memref<128xi32, #tpu.memory_space<vmem>>)
      tpu.yield
    }) : () -> ()
    %dma_start3A = arith.constant 0 : i32
    %dma_start3A_10 = arith.constant 0 : i32
    %dma_start3A_11 = arith.constant 0 : i32
    %dma_start3A_12 = arith.constant 0 : i32
    %dma_start3A_13 = tpu.memref_slice %arg9[%dma_start3A_10, %dma_start3A_11, %dma_start3A_12] : memref<2x128x128xf32, #tpu.memory_space<vmem>> -> memref<1x128x128xf32, #tpu.memory_space<vmem>>
    %dma_start3A_14 = tpu.memref_squeeze %dma_start3A_13 : memref<1x128x128xf32, #tpu.memory_space<vmem>> -> memref<128x128xf32, #tpu.memory_space<vmem>>
    %dma_start3A_15 = arith.constant 0 : i32
    %dma_start3A_16 = tpu.memref_slice %arg7[%dma_start3A, %dma_start3A_15] : memref<2x128xi32, #tpu.memory_space<vmem>> -> memref<1x128xi32, #tpu.memory_space<vmem>>
    %dma_start3A_17 = tpu.memref_squeeze %dma_start3A_16 : memref<1x128xi32, #tpu.memory_space<vmem>> -> memref<128xi32, #tpu.memory_space<vmem>>
    %dma_start3A_18 = arith.constant 0 : i32
    %dma_start3A_19 = arith.constant 0 : i32
    %dma_start3A_20 = tpu.memref_slice %arg2[%dma_start3A_18, %dma_start3A_19] : memref<10000x128xf32, #tpu.memory_space<hbm>> -> memref<10000x128xf32, #tpu.memory_space<hbm>>
    tpu.enqueue_indirect_dma source(%dma_start3A_20 : memref<10000x128xf32, #tpu.memory_space<hbm>>) target(%dma_start3A_14 : memref<128x128xf32, #tpu.memory_space<vmem>>) offsets(%dma_start3A_17 : memref<128xi32, #tpu.memory_space<vmem>>) semaphore(%arg14 : memref<!tpu.dma_semaphore, #tpu.memory_space<semaphore_mem>>)
    %scan3A = arith.constant 0 : i32
    %scan3A_21 = arith.constant 0 : i32
    %scan3A_22 = arith.constant 39 : i32
    %scan3A_23 = arith.addi %scan3A_21, %scan3A_22 : i32
    %scan3A_24 = arith.constant 1 : i32
    scf.for %scan3A_41 = %scan3A_21 to %scan3A_23 step %scan3A_24  : i32 {
      %mul3A_42 = arith.constant 2 : i32
      %mul3A_43 = arith.muli %mul3A_42, %scan3A_41 : i32
      %add3A_44 = arith.constant 1 : i32
      %add3A_45 = arith.addi %mul3A_43, %add3A_44 : i32
      %mul3A_46 = arith.constant 128 : i32
      %mul3A_47 = arith.muli %add3A_45, %mul3A_46 : i32
      %add3A_48 = arith.addi %mul3A_4, %mul3A_47 : i32
      %run_scoped3A_49 = arith.constant 1 : i32
      "tpu.region"() ({
        %run_scoped3A_95 = tpu.sem_alloc : memref<!tpu.dma_semaphore, #tpu.memory_space<semaphore_mem>>
        %dma_start3A_96 = arith.constant 0 : i32
        %dma_start3A_97 = tpu.memref_slice %arg7[%run_scoped3A_49, %dma_start3A_96] : memref<2x128xi32, #tpu.memory_space<vmem>> -> memref<1x128xi32, #tpu.memory_space<vmem>>
        %dma_start3A_98 = tpu.memref_squeeze %dma_start3A_97 : memref<1x128xi32, #tpu.memory_space<vmem>> -> memref<128xi32, #tpu.memory_space<vmem>>
        %dma_start3A_99 = tpu.memref_slice %arg3[%add3A_48] : memref<320000xi32, #tpu.memory_space<hbm>> -> memref<128xi32, #tpu.memory_space<hbm>>
        %dma_start3A_100 = arith.constant 0 : i32
        %dma_start3A_101 = tpu.memref_slice %arg7[%run_scoped3A_49, %dma_start3A_100] : memref<2x128xi32, #tpu.memory_space<vmem>> -> memref<1x128xi32, #tpu.memory_space<vmem>>
        %dma_start3A_102 = tpu.memref_squeeze %dma_start3A_101 : memref<1x128xi32, #tpu.memory_space<vmem>> -> memref<128xi32, #tpu.memory_space<vmem>>
        %dma_start3A_103 = tpu.memref_slice %arg3[%add3A_48] : memref<320000xi32, #tpu.memory_space<hbm>> -> memref<128xi32, #tpu.memory_space<hbm>>
        tpu.enqueue_dma source(%dma_start3A_103 : memref<128xi32, #tpu.memory_space<hbm>>) target(%dma_start3A_102 : memref<128xi32, #tpu.memory_space<vmem>>) target_semaphore(%run_scoped3A_95 : memref<!tpu.dma_semaphore, #tpu.memory_space<semaphore_mem>>)
        %dma_wait3A_104 = arith.constant 0 : i32
        %dma_wait3A_105 = tpu.memref_slice %arg7[%run_scoped3A_49, %dma_wait3A_104] : memref<2x128xi32, #tpu.memory_space<vmem>> -> memref<1x128xi32, #tpu.memory_space<vmem>>
        %dma_wait3A_106 = tpu.memref_squeeze %dma_wait3A_105 : memref<1x128xi32, #tpu.memory_space<vmem>> -> memref<128xi32, #tpu.memory_space<vmem>>
        %dma_wait3A_107 = tpu.memref_slice %arg3[%add3A_48] : memref<320000xi32, #tpu.memory_space<hbm>> -> memref<128xi32, #tpu.memory_space<hbm>>
        %dma_wait3A_108 = arith.constant 0 : i32
        %dma_wait3A_109 = tpu.memref_slice %arg7[%run_scoped3A_49, %dma_wait3A_108] : memref<2x128xi32, #tpu.memory_space<vmem>> -> memref<1x128xi32, #tpu.memory_space<vmem>>
        %dma_wait3A_110 = tpu.memref_squeeze %dma_wait3A_109 : memref<1x128xi32, #tpu.memory_space<vmem>> -> memref<128xi32, #tpu.memory_space<vmem>>
        %dma_wait3A_111 = tpu.memref_slice %arg3[%add3A_48] : memref<320000xi32, #tpu.memory_space<hbm>> -> memref<128xi32, #tpu.memory_space<hbm>>
        tpu.wait_dma2 semaphore(%run_scoped3A_95 : memref<!tpu.dma_semaphore, #tpu.memory_space<semaphore_mem>>) src(%dma_wait3A_111 : memref<128xi32, #tpu.memory_space<hbm>>) dst(%dma_wait3A_110 : memref<128xi32, #tpu.memory_space<vmem>>)
        tpu.yield
      }) : () -> ()
      %run_scoped3A_50 = arith.constant 1 : i32
      "tpu.region"() ({
        %run_scoped3A_95 = tpu.sem_alloc : memref<!tpu.dma_semaphore, #tpu.memory_space<semaphore_mem>>
        %dma_start3A_96 = arith.constant 0 : i32
        %dma_start3A_97 = tpu.memref_slice %arg8[%run_scoped3A_50, %dma_start3A_96] : memref<2x128xi32, #tpu.memory_space<vmem>> -> memref<1x128xi32, #tpu.memory_space<vmem>>
        %dma_start3A_98 = tpu.memref_squeeze %dma_start3A_97 : memref<1x128xi32, #tpu.memory_space<vmem>> -> memref<128xi32, #tpu.memory_space<vmem>>
        %dma_start3A_99 = tpu.memref_slice %arg4[%add3A_48] : memref<320000xi32, #tpu.memory_space<hbm>> -> memref<128xi32, #tpu.memory_space<hbm>>
        %dma_start3A_100 = arith.constant 0 : i32
        %dma_start3A_101 = tpu.memref_slice %arg8[%run_scoped3A_50, %dma_start3A_100] : memref<2x128xi32, #tpu.memory_space<vmem>> -> memref<1x128xi32, #tpu.memory_space<vmem>>
        %dma_start3A_102 = tpu.memref_squeeze %dma_start3A_101 : memref<1x128xi32, #tpu.memory_space<vmem>> -> memref<128xi32, #tpu.memory_space<vmem>>
        %dma_start3A_103 = tpu.memref_slice %arg4[%add3A_48] : memref<320000xi32, #tpu.memory_space<hbm>> -> memref<128xi32, #tpu.memory_space<hbm>>
        tpu.enqueue_dma source(%dma_start3A_103 : memref<128xi32, #tpu.memory_space<hbm>>) target(%dma_start3A_102 : memref<128xi32, #tpu.memory_space<vmem>>) target_semaphore(%run_scoped3A_95 : memref<!tpu.dma_semaphore, #tpu.memory_space<semaphore_mem>>)
        %dma_wait3A_104 = arith.constant 0 : i32
        %dma_wait3A_105 = tpu.memref_slice %arg8[%run_scoped3A_50, %dma_wait3A_104] : memref<2x128xi32, #tpu.memory_space<vmem>> -> memref<1x128xi32, #tpu.memory_space<vmem>>
        %dma_wait3A_106 = tpu.memref_squeeze %dma_wait3A_105 : memref<1x128xi32, #tpu.memory_space<vmem>> -> memref<128xi32, #tpu.memory_space<vmem>>
        %dma_wait3A_107 = tpu.memref_slice %arg4[%add3A_48] : memref<320000xi32, #tpu.memory_space<hbm>> -> memref<128xi32, #tpu.memory_space<hbm>>
        %dma_wait3A_108 = arith.constant 0 : i32
        %dma_wait3A_109 = tpu.memref_slice %arg8[%run_scoped3A_50, %dma_wait3A_108] : memref<2x128xi32, #tpu.memory_space<vmem>> -> memref<1x128xi32, #tpu.memory_space<vmem>>
        %dma_wait3A_110 = tpu.memref_squeeze %dma_wait3A_109 : memref<1x128xi32, #tpu.memory_space<vmem>> -> memref<128xi32, #tpu.memory_space<vmem>>
        %dma_wait3A_111 = tpu.memref_slice %arg4[%add3A_48] : memref<320000xi32, #tpu.memory_space<hbm>> -> memref<128xi32, #tpu.memory_space<hbm>>
        tpu.wait_dma2 semaphore(%run_scoped3A_95 : memref<!tpu.dma_semaphore, #tpu.memory_space<semaphore_mem>>) src(%dma_wait3A_111 : memref<128xi32, #tpu.memory_space<hbm>>) dst(%dma_wait3A_110 : memref<128xi32, #tpu.memory_space<vmem>>)
        tpu.yield
      }) : () -> ()
      %dma_start3A_51 = arith.constant 1 : i32
      %dma_start3A_52 = arith.constant 1 : i32
      %dma_start3A_53 = arith.constant 0 : i32
      %dma_start3A_54 = arith.constant 0 : i32
      %dma_start3A_55 = tpu.memref_slice %arg9[%dma_start3A_52, %dma_start3A_53, %dma_start3A_54] : memref<2x128x128xf32, #tpu.memory_space<vmem>> -> memref<1x128x128xf32, #tpu.memory_space<vmem>>
      %dma_start3A_56 = tpu.memref_squeeze %dma_start3A_55 : memref<1x128x128xf32, #tpu.memory_space<vmem>> -> memref<128x128xf32, #tpu.memory_space<vmem>>
      %dma_start3A_57 = arith.constant 0 : i32
      %dma_start3A_58 = tpu.memref_slice %arg7[%dma_start3A_51, %dma_start3A_57] : memref<2x128xi32, #tpu.memory_space<vmem>> -> memref<1x128xi32, #tpu.memory_space<vmem>>
      %dma_start3A_59 = tpu.memref_squeeze %dma_start3A_58 : memref<1x128xi32, #tpu.memory_space<vmem>> -> memref<128xi32, #tpu.memory_space<vmem>>
      %dma_start3A_60 = arith.constant 0 : i32
      %dma_start3A_61 = arith.constant 0 : i32
      %dma_start3A_62 = tpu.memref_slice %arg2[%dma_start3A_60, %dma_start3A_61] : memref<10000x128xf32, #tpu.memory_space<hbm>> -> memref<10000x128xf32, #tpu.memory_space<hbm>>
      tpu.enqueue_indirect_dma source(%dma_start3A_62 : memref<10000x128xf32, #tpu.memory_space<hbm>>) target(%dma_start3A_56 : memref<128x128xf32, #tpu.memory_space<vmem>>) offsets(%dma_start3A_59 : memref<128xi32, #tpu.memory_space<vmem>>) semaphore(%arg15 : memref<!tpu.dma_semaphore, #tpu.memory_space<semaphore_mem>>)
      %dma_wait3A_63 = arith.constant 0 : i32
      %dma_wait3A_64 = arith.constant 0 : i32
      %dma_wait3A_65 = arith.constant 0 : i32
      %dma_wait3A_66 = arith.constant 0 : i32
      %dma_wait3A_67 = tpu.memref_slice %arg9[%dma_wait3A_64, %dma_wait3A_65, %dma_wait3A_66] : memref<2x128x128xf32, #tpu.memory_space<vmem>> -> memref<1x128x128xf32, #tpu.memory_space<vmem>>
      %dma_wait3A_68 = tpu.memref_squeeze %dma_wait3A_67 : memref<1x128x128xf32, #tpu.memory_space<vmem>> -> memref<128x128xf32, #tpu.memory_space<vmem>>
      %dma_wait3A_69 = arith.constant 0 : i32
      %dma_wait3A_70 = tpu.memref_slice %arg7[%dma_wait3A_63, %dma_wait3A_69] : memref<2x128xi32, #tpu.memory_space<vmem>> -> memref<1x128xi32, #tpu.memory_space<vmem>>
      %dma_wait3A_71 = tpu.memref_squeeze %dma_wait3A_70 : memref<1x128xi32, #tpu.memory_space<vmem>> -> memref<128xi32, #tpu.memory_space<vmem>>
      %dma_wait3A_72 = arith.constant 0 : i32
      %dma_wait3A_73 = arith.constant 0 : i32
      %dma_wait3A_74 = tpu.memref_slice %arg2[%dma_wait3A_72, %dma_wait3A_73] : memref<10000x128xf32, #tpu.memory_space<hbm>> -> memref<10000x128xf32, #tpu.memory_space<hbm>>
      tpu.wait_indirect_dma semaphore(%arg14 : memref<!tpu.dma_semaphore, #tpu.memory_space<semaphore_mem>>) src(%dma_wait3A_74 : memref<10000x128xf32, #tpu.memory_space<hbm>>) dst(%dma_wait3A_68 : memref<128x128xf32, #tpu.memory_space<vmem>>)
      %run_scoped3A_75 = arith.constant 0 : i32
      %run_scoped3A_76 = arith.constant 0 : i32
      "tpu.region"() ({
        %run_scoped3A_95 = tpu.sem_alloc : memref<!tpu.dma_semaphore, #tpu.memory_space<semaphore_mem>>
        %dma_start3A_96 = arith.constant 0 : i32
        %dma_start3A_97 = arith.constant 0 : i32
        %dma_start3A_98 = tpu.memref_slice %arg9[%run_scoped3A_75, %dma_start3A_96, %dma_start3A_97] : memref<2x128x128xf32, #tpu.memory_space<vmem>> -> memref<1x128x128xf32, #tpu.memory_space<vmem>>
        %dma_start3A_99 = tpu.memref_squeeze %dma_start3A_98 : memref<1x128x128xf32, #tpu.memory_space<vmem>> -> memref<128x128xf32, #tpu.memory_space<vmem>>
        %dma_start3A_100 = arith.constant 0 : i32
        %dma_start3A_101 = tpu.memref_slice %arg8[%run_scoped3A_76, %dma_start3A_100] : memref<2x128xi32, #tpu.memory_space<vmem>> -> memref<1x128xi32, #tpu.memory_space<vmem>>
        %dma_start3A_102 = tpu.memref_squeeze %dma_start3A_101 : memref<1x128xi32, #tpu.memory_space<vmem>> -> memref<128xi32, #tpu.memory_space<vmem>>
        %dma_start3A_103 = arith.constant 0 : i32
        %dma_start3A_104 = arith.constant 0 : i32
        %dma_start3A_105 = tpu.memref_slice %arg13[%dma_start3A_103, %dma_start3A_104] : memref<10000x128xf32, #tpu.memory_space<vmem_shared>> -> memref<10000x128xf32, #tpu.memory_space<vmem_shared>>
        tpu.enqueue_indirect_dma source(%dma_start3A_99 : memref<128x128xf32, #tpu.memory_space<vmem>>) target(%dma_start3A_105 : memref<10000x128xf32, #tpu.memory_space<vmem_shared>>) offsets(%dma_start3A_102 : memref<128xi32, #tpu.memory_space<vmem>>) semaphore(%run_scoped3A_95 : memref<!tpu.dma_semaphore, #tpu.memory_space<semaphore_mem>>) {add = true}
        %dma_wait3A_106 = arith.constant 0 : i32
        %dma_wait3A_107 = arith.constant 0 : i32
        %dma_wait3A_108 = tpu.memref_slice %arg9[%run_scoped3A_75, %dma_wait3A_106, %dma_wait3A_107] : memref<2x128x128xf32, #tpu.memory_space<vmem>> -> memref<1x128x128xf32, #tpu.memory_space<vmem>>
        %dma_wait3A_109 = tpu.memref_squeeze %dma_wait3A_108 : memref<1x128x128xf32, #tpu.memory_space<vmem>> -> memref<128x128xf32, #tpu.memory_space<vmem>>
        %dma_wait3A_110 = arith.constant 0 : i32
        %dma_wait3A_111 = tpu.memref_slice %arg8[%run_scoped3A_76, %dma_wait3A_110] : memref<2x128xi32, #tpu.memory_space<vmem>> -> memref<1x128xi32, #tpu.memory_space<vmem>>
        %dma_wait3A_112 = tpu.memref_squeeze %dma_wait3A_111 : memref<1x128xi32, #tpu.memory_space<vmem>> -> memref<128xi32, #tpu.memory_space<vmem>>
        %dma_wait3A_113 = arith.constant 0 : i32
        %dma_wait3A_114 = arith.constant 0 : i32
        %dma_wait3A_115 = tpu.memref_slice %arg13[%dma_wait3A_113, %dma_wait3A_114] : memref<10000x128xf32, #tpu.memory_space<vmem_shared>> -> memref<10000x128xf32, #tpu.memory_space<vmem_shared>>
        tpu.wait_indirect_dma semaphore(%run_scoped3A_95 : memref<!tpu.dma_semaphore, #tpu.memory_space<semaphore_mem>>) src(%dma_wait3A_109 : memref<128x128xf32, #tpu.memory_space<vmem>>) dst(%dma_wait3A_115 : memref<10000x128xf32, #tpu.memory_space<vmem_shared>>)
        tpu.yield
      }) : () -> ()
      %lt3A = arith.constant 38 : i32
      %lt3A_77 = arith.cmpi slt, %scan3A_41, %lt3A : i32
      %convert_element_type3A_78 = arith.extui %lt3A_77 : i1 to i32
      %cond3A_79 = arith.constant 0 : i32
      %cond3A_80 = arith.cmpi ne, %convert_element_type3A_78, %cond3A_79 : i32
      scf.if %cond3A_80 {
        %mul3A_95 = arith.constant 2 : i32
        %mul3A_96 = arith.muli %mul3A_95, %scan3A_41 : i32
        %add3A_97 = arith.constant 2 : i32
        %add3A_98 = arith.addi %mul3A_96, %add3A_97 : i32
        %mul3A_99 = arith.constant 128 : i32
        %mul3A_100 = arith.muli %add3A_98, %mul3A_99 : i32
        %add3A_101 = arith.addi %mul3A_4, %mul3A_100 : i32
        %run_scoped3A_102 = arith.constant 0 : i32
        "tpu.region"() ({
          %run_scoped3A_116 = tpu.sem_alloc : memref<!tpu.dma_semaphore, #tpu.memory_space<semaphore_mem>>
          %dma_start3A_117 = arith.constant 0 : i32
          %dma_start3A_118 = tpu.memref_slice %arg7[%run_scoped3A_102, %dma_start3A_117] : memref<2x128xi32, #tpu.memory_space<vmem>> -> memref<1x128xi32, #tpu.memory_space<vmem>>
          %dma_start3A_119 = tpu.memref_squeeze %dma_start3A_118 : memref<1x128xi32, #tpu.memory_space<vmem>> -> memref<128xi32, #tpu.memory_space<vmem>>
          %dma_start3A_120 = tpu.memref_slice %arg3[%add3A_101] : memref<320000xi32, #tpu.memory_space<hbm>> -> memref<128xi32, #tpu.memory_space<hbm>>
          %dma_start3A_121 = arith.constant 0 : i32
          %dma_start3A_122 = tpu.memref_slice %arg7[%run_scoped3A_102, %dma_start3A_121] : memref<2x128xi32, #tpu.memory_space<vmem>> -> memref<1x128xi32, #tpu.memory_space<vmem>>
          %dma_start3A_123 = tpu.memref_squeeze %dma_start3A_122 : memref<1x128xi32, #tpu.memory_space<vmem>> -> memref<128xi32, #tpu.memory_space<vmem>>
          %dma_start3A_124 = tpu.memref_slice %arg3[%add3A_101] : memref<320000xi32, #tpu.memory_space<hbm>> -> memref<128xi32, #tpu.memory_space<hbm>>
          tpu.enqueue_dma source(%dma_start3A_124 : memref<128xi32, #tpu.memory_space<hbm>>) target(%dma_start3A_123 : memref<128xi32, #tpu.memory_space<vmem>>) target_semaphore(%run_scoped3A_116 : memref<!tpu.dma_semaphore, #tpu.memory_space<semaphore_mem>>)
          %dma_wait3A_125 = arith.constant 0 : i32
          %dma_wait3A_126 = tpu.memref_slice %arg7[%run_scoped3A_102, %dma_wait3A_125] : memref<2x128xi32, #tpu.memory_space<vmem>> -> memref<1x128xi32, #tpu.memory_space<vmem>>
          %dma_wait3A_127 = tpu.memref_squeeze %dma_wait3A_126 : memref<1x128xi32, #tpu.memory_space<vmem>> -> memref<128xi32, #tpu.memory_space<vmem>>
          %dma_wait3A_128 = tpu.memref_slice %arg3[%add3A_101] : memref<320000xi32, #tpu.memory_space<hbm>> -> memref<128xi32, #tpu.memory_space<hbm>>
          %dma_wait3A_129 = arith.constant 0 : i32
          %dma_wait3A_130 = tpu.memref_slice %arg7[%run_scoped3A_102, %dma_wait3A_129] : memref<2x128xi32, #tpu.memory_space<vmem>> -> memref<1x128xi32, #tpu.memory_space<vmem>>
          %dma_wait3A_131 = tpu.memref_squeeze %dma_wait3A_130 : memref<1x128xi32, #tpu.memory_space<vmem>> -> memref<128xi32, #tpu.memory_space<vmem>>
          %dma_wait3A_132 = tpu.memref_slice %arg3[%add3A_101] : memref<320000xi32, #tpu.memory_space<hbm>> -> memref<128xi32, #tpu.memory_space<hbm>>
          tpu.wait_dma2 semaphore(%run_scoped3A_116 : memref<!tpu.dma_semaphore, #tpu.memory_space<semaphore_mem>>) src(%dma_wait3A_132 : memref<128xi32, #tpu.memory_space<hbm>>) dst(%dma_wait3A_131 : memref<128xi32, #tpu.memory_space<vmem>>)
          tpu.yield
        }) : () -> ()
        %run_scoped3A_103 = arith.constant 0 : i32
        "tpu.region"() ({
          %run_scoped3A_116 = tpu.sem_alloc : memref<!tpu.dma_semaphore, #tpu.memory_space<semaphore_mem>>
          %dma_start3A_117 = arith.constant 0 : i32
          %dma_start3A_118 = tpu.memref_slice %arg8[%run_scoped3A_103, %dma_start3A_117] : memref<2x128xi32, #tpu.memory_space<vmem>> -> memref<1x128xi32, #tpu.memory_space<vmem>>
          %dma_start3A_119 = tpu.memref_squeeze %dma_start3A_118 : memref<1x128xi32, #tpu.memory_space<vmem>> -> memref<128xi32, #tpu.memory_space<vmem>>
          %dma_start3A_120 = tpu.memref_slice %arg4[%add3A_101] : memref<320000xi32, #tpu.memory_space<hbm>> -> memref<128xi32, #tpu.memory_space<hbm>>
          %dma_start3A_121 = arith.constant 0 : i32
          %dma_start3A_122 = tpu.memref_slice %arg8[%run_scoped3A_103, %dma_start3A_121] : memref<2x128xi32, #tpu.memory_space<vmem>> -> memref<1x128xi32, #tpu.memory_space<vmem>>
          %dma_start3A_123 = tpu.memref_squeeze %dma_start3A_122 : memref<1x128xi32, #tpu.memory_space<vmem>> -> memref<128xi32, #tpu.memory_space<vmem>>
          %dma_start3A_124 = tpu.memref_slice %arg4[%add3A_101] : memref<320000xi32, #tpu.memory_space<hbm>> -> memref<128xi32, #tpu.memory_space<hbm>>
          tpu.enqueue_dma source(%dma_start3A_124 : memref<128xi32, #tpu.memory_space<hbm>>) target(%dma_start3A_123 : memref<128xi32, #tpu.memory_space<vmem>>) target_semaphore(%run_scoped3A_116 : memref<!tpu.dma_semaphore, #tpu.memory_space<semaphore_mem>>)
          %dma_wait3A_125 = arith.constant 0 : i32
          %dma_wait3A_126 = tpu.memref_slice %arg8[%run_scoped3A_103, %dma_wait3A_125] : memref<2x128xi32, #tpu.memory_space<vmem>> -> memref<1x128xi32, #tpu.memory_space<vmem>>
          %dma_wait3A_127 = tpu.memref_squeeze %dma_wait3A_126 : memref<1x128xi32, #tpu.memory_space<vmem>> -> memref<128xi32, #tpu.memory_space<vmem>>
          %dma_wait3A_128 = tpu.memref_slice %arg4[%add3A_101] : memref<320000xi32, #tpu.memory_space<hbm>> -> memref<128xi32, #tpu.memory_space<hbm>>
          %dma_wait3A_129 = arith.constant 0 : i32
          %dma_wait3A_130 = tpu.memref_slice %arg8[%run_scoped3A_103, %dma_wait3A_129] : memref<2x128xi32, #tpu.memory_space<vmem>> -> memref<1x128xi32, #tpu.memory_space<vmem>>
          %dma_wait3A_131 = tpu.memref_squeeze %dma_wait3A_130 : memref<1x128xi32, #tpu.memory_space<vmem>> -> memref<128xi32, #tpu.memory_space<vmem>>
          %dma_wait3A_132 = tpu.memref_slice %arg4[%add3A_101] : memref<320000xi32, #tpu.memory_space<hbm>> -> memref<128xi32, #tpu.memory_space<hbm>>
          tpu.wait_dma2 semaphore(%run_scoped3A_116 : memref<!tpu.dma_semaphore, #tpu.memory_space<semaphore_mem>>) src(%dma_wait3A_132 : memref<128xi32, #tpu.memory_space<hbm>>) dst(%dma_wait3A_131 : memref<128xi32, #tpu.memory_space<vmem>>)
          tpu.yield
        }) : () -> ()
        %dma_start3A_104 = arith.constant 0 : i32
        %dma_start3A_105 = arith.constant 0 : i32
        %dma_start3A_106 = arith.constant 0 : i32
        %dma_start3A_107 = arith.constant 0 : i32
        %dma_start3A_108 = tpu.memref_slice %arg9[%dma_start3A_105, %dma_start3A_106, %dma_start3A_107] : memref<2x128x128xf32, #tpu.memory_space<vmem>> -> memref<1x128x128xf32, #tpu.memory_space<vmem>>
        %dma_start3A_109 = tpu.memref_squeeze %dma_start3A_108 : memref<1x128x128xf32, #tpu.memory_space<vmem>> -> memref<128x128xf32, #tpu.memory_space<vmem>>
        %dma_start3A_110 = arith.constant 0 : i32
        %dma_start3A_111 = tpu.memref_slice %arg7[%dma_start3A_104, %dma_start3A_110] : memref<2x128xi32, #tpu.memory_space<vmem>> -> memref<1x128xi32, #tpu.memory_space<vmem>>
        %dma_start3A_112 = tpu.memref_squeeze %dma_start3A_111 : memref<1x128xi32, #tpu.memory_space<vmem>> -> memref<128xi32, #tpu.memory_space<vmem>>
        %dma_start3A_113 = arith.constant 0 : i32
        %dma_start3A_114 = arith.constant 0 : i32
        %dma_start3A_115 = tpu.memref_slice %arg2[%dma_start3A_113, %dma_start3A_114] : memref<10000x128xf32, #tpu.memory_space<hbm>> -> memref<10000x128xf32, #tpu.memory_space<hbm>>
        tpu.enqueue_indirect_dma source(%dma_start3A_115 : memref<10000x128xf32, #tpu.memory_space<hbm>>) target(%dma_start3A_109 : memref<128x128xf32, #tpu.memory_space<vmem>>) offsets(%dma_start3A_112 : memref<128xi32, #tpu.memory_space<vmem>>) semaphore(%arg14 : memref<!tpu.dma_semaphore, #tpu.memory_space<semaphore_mem>>)
      } else {
      }
      %dma_wait3A_81 = arith.constant 1 : i32
      %dma_wait3A_82 = arith.constant 1 : i32
      %dma_wait3A_83 = arith.constant 0 : i32
      %dma_wait3A_84 = arith.constant 0 : i32
      %dma_wait3A_85 = tpu.memref_slice %arg9[%dma_wait3A_82, %dma_wait3A_83, %dma_wait3A_84] : memref<2x128x128xf32, #tpu.memory_space<vmem>> -> memref<1x128x128xf32, #tpu.memory_space<vmem>>
      %dma_wait3A_86 = tpu.memref_squeeze %dma_wait3A_85 : memref<1x128x128xf32, #tpu.memory_space<vmem>> -> memref<128x128xf32, #tpu.memory_space<vmem>>
      %dma_wait3A_87 = arith.constant 0 : i32
      %dma_wait3A_88 = tpu.memref_slice %arg7[%dma_wait3A_81, %dma_wait3A_87] : memref<2x128xi32, #tpu.memory_space<vmem>> -> memref<1x128xi32, #tpu.memory_space<vmem>>
      %dma_wait3A_89 = tpu.memref_squeeze %dma_wait3A_88 : memref<1x128xi32, #tpu.memory_space<vmem>> -> memref<128xi32, #tpu.memory_space<vmem>>
      %dma_wait3A_90 = arith.constant 0 : i32
      %dma_wait3A_91 = arith.constant 0 : i32
      %dma_wait3A_92 = tpu.memref_slice %arg2[%dma_wait3A_90, %dma_wait3A_91] : memref<10000x128xf32, #tpu.memory_space<hbm>> -> memref<10000x128xf32, #tpu.memory_space<hbm>>
      tpu.wait_indirect_dma semaphore(%arg15 : memref<!tpu.dma_semaphore, #tpu.memory_space<semaphore_mem>>) src(%dma_wait3A_92 : memref<10000x128xf32, #tpu.memory_space<hbm>>) dst(%dma_wait3A_86 : memref<128x128xf32, #tpu.memory_space<vmem>>)
      %run_scoped3A_93 = arith.constant 1 : i32
      %run_scoped3A_94 = arith.constant 1 : i32
      "tpu.region"() ({
        %run_scoped3A_95 = tpu.sem_alloc : memref<!tpu.dma_semaphore, #tpu.memory_space<semaphore_mem>>
        %dma_start3A_96 = arith.constant 0 : i32
        %dma_start3A_97 = arith.constant 0 : i32
        %dma_start3A_98 = tpu.memref_slice %arg9[%run_scoped3A_93, %dma_start3A_96, %dma_start3A_97] : memref<2x128x128xf32, #tpu.memory_space<vmem>> -> memref<1x128x128xf32, #tpu.memory_space<vmem>>
        %dma_start3A_99 = tpu.memref_squeeze %dma_start3A_98 : memref<1x128x128xf32, #tpu.memory_space<vmem>> -> memref<128x128xf32, #tpu.memory_space<vmem>>
        %dma_start3A_100 = arith.constant 0 : i32
        %dma_start3A_101 = tpu.memref_slice %arg8[%run_scoped3A_94, %dma_start3A_100] : memref<2x128xi32, #tpu.memory_space<vmem>> -> memref<1x128xi32, #tpu.memory_space<vmem>>
        %dma_start3A_102 = tpu.memref_squeeze %dma_start3A_101 : memref<1x128xi32, #tpu.memory_space<vmem>> -> memref<128xi32, #tpu.memory_space<vmem>>
        %dma_start3A_103 = arith.constant 0 : i32
        %dma_start3A_104 = arith.constant 0 : i32
        %dma_start3A_105 = tpu.memref_slice %arg13[%dma_start3A_103, %dma_start3A_104] : memref<10000x128xf32, #tpu.memory_space<vmem_shared>> -> memref<10000x128xf32, #tpu.memory_space<vmem_shared>>
        tpu.enqueue_indirect_dma source(%dma_start3A_99 : memref<128x128xf32, #tpu.memory_space<vmem>>) target(%dma_start3A_105 : memref<10000x128xf32, #tpu.memory_space<vmem_shared>>) offsets(%dma_start3A_102 : memref<128xi32, #tpu.memory_space<vmem>>) semaphore(%run_scoped3A_95 : memref<!tpu.dma_semaphore, #tpu.memory_space<semaphore_mem>>) {add = true}
        %dma_wait3A_106 = arith.constant 0 : i32
        %dma_wait3A_107 = arith.constant 0 : i32
        %dma_wait3A_108 = tpu.memref_slice %arg9[%run_scoped3A_93, %dma_wait3A_106, %dma_wait3A_107] : memref<2x128x128xf32, #tpu.memory_space<vmem>> -> memref<1x128x128xf32, #tpu.memory_space<vmem>>
        %dma_wait3A_109 = tpu.memref_squeeze %dma_wait3A_108 : memref<1x128x128xf32, #tpu.memory_space<vmem>> -> memref<128x128xf32, #tpu.memory_space<vmem>>
        %dma_wait3A_110 = arith.constant 0 : i32
        %dma_wait3A_111 = tpu.memref_slice %arg8[%run_scoped3A_94, %dma_wait3A_110] : memref<2x128xi32, #tpu.memory_space<vmem>> -> memref<1x128xi32, #tpu.memory_space<vmem>>
        %dma_wait3A_112 = tpu.memref_squeeze %dma_wait3A_111 : memref<1x128xi32, #tpu.memory_space<vmem>> -> memref<128xi32, #tpu.memory_space<vmem>>
        %dma_wait3A_113 = arith.constant 0 : i32
        %dma_wait3A_114 = arith.constant 0 : i32
        %dma_wait3A_115 = tpu.memref_slice %arg13[%dma_wait3A_113, %dma_wait3A_114] : memref<10000x128xf32, #tpu.memory_space<vmem_shared>> -> memref<10000x128xf32, #tpu.memory_space<vmem_shared>>
        tpu.wait_indirect_dma semaphore(%run_scoped3A_95 : memref<!tpu.dma_semaphore, #tpu.memory_space<semaphore_mem>>) src(%dma_wait3A_109 : memref<128x128xf32, #tpu.memory_space<vmem>>) dst(%dma_wait3A_115 : memref<10000x128xf32, #tpu.memory_space<vmem_shared>>)
        tpu.yield
      }) : () -> ()
    }
    %scan3A_25 = arith.constant 39 : i32
    %add3A_26 = arith.constant 9984 : i32
    %add3A_27 = arith.addi %mul3A_4, %add3A_26 : i32
    "tpu.region"() ({
      %run_scoped3A_41 = tpu.sem_alloc : memref<!tpu.dma_semaphore, #tpu.memory_space<semaphore_mem>>
      %dma_start3A_42 = tpu.memref_slice %arg3[%add3A_27] : memref<320000xi32, #tpu.memory_space<hbm>> -> memref<16xi32, #tpu.memory_space<hbm>>
      %dma_start3A_43 = tpu.memref_slice %arg3[%add3A_27] : memref<320000xi32, #tpu.memory_space<hbm>> -> memref<16xi32, #tpu.memory_space<hbm>>
      tpu.enqueue_dma source(%dma_start3A_43 : memref<16xi32, #tpu.memory_space<hbm>>) target(%arg10 : memref<16xi32, #tpu.memory_space<vmem>>) target_semaphore(%run_scoped3A_41 : memref<!tpu.dma_semaphore, #tpu.memory_space<semaphore_mem>>)
      %dma_wait3A_44 = tpu.memref_slice %arg3[%add3A_27] : memref<320000xi32, #tpu.memory_space<hbm>> -> memref<16xi32, #tpu.memory_space<hbm>>
      %dma_wait3A_45 = tpu.memref_slice %arg3[%add3A_27] : memref<320000xi32, #tpu.memory_space<hbm>> -> memref<16xi32, #tpu.memory_space<hbm>>
      tpu.wait_dma2 semaphore(%run_scoped3A_41 : memref<!tpu.dma_semaphore, #tpu.memory_space<semaphore_mem>>) src(%dma_wait3A_45 : memref<16xi32, #tpu.memory_space<hbm>>) dst(%arg10 : memref<16xi32, #tpu.memory_space<vmem>>)
      tpu.yield
    }) : () -> ()
    %dma_start3A_28 = arith.constant 0 : i32
    %dma_start3A_29 = arith.constant 0 : i32
    %dma_start3A_30 = tpu.memref_slice %arg2[%dma_start3A_28, %dma_start3A_29] : memref<10000x128xf32, #tpu.memory_space<hbm>> -> memref<10000x128xf32, #tpu.memory_space<hbm>>
    tpu.enqueue_indirect_dma source(%dma_start3A_30 : memref<10000x128xf32, #tpu.memory_space<hbm>>) target(%arg12 : memref<16x128xf32, #tpu.memory_space<vmem>>) offsets(%arg10 : memref<16xi32, #tpu.memory_space<vmem>>) semaphore(%arg14 : memref<!tpu.dma_semaphore, #tpu.memory_space<semaphore_mem>>)
    %dma_wait3A = arith.constant 0 : i32
    %dma_wait3A_31 = arith.constant 0 : i32
    %dma_wait3A_32 = tpu.memref_slice %arg2[%dma_wait3A, %dma_wait3A_31] : memref<10000x128xf32, #tpu.memory_space<hbm>> -> memref<10000x128xf32, #tpu.memory_space<hbm>>
    tpu.wait_indirect_dma semaphore(%arg14 : memref<!tpu.dma_semaphore, #tpu.memory_space<semaphore_mem>>) src(%dma_wait3A_32 : memref<10000x128xf32, #tpu.memory_space<hbm>>) dst(%arg12 : memref<16x128xf32, #tpu.memory_space<vmem>>)
    %run_scoped3A_33 = arith.constant 0 : i32
    "tpu.region"() ({
      %run_scoped3A_41 = tpu.sem_alloc : memref<!tpu.dma_semaphore, #tpu.memory_space<semaphore_mem>>
      %dma_start3A_42 = arith.constant 0 : i32
      %dma_start3A_43 = tpu.memref_slice %arg11[%run_scoped3A_33, %dma_start3A_42] : memref<1x16xi32, #tpu.memory_space<vmem>> -> memref<1x16xi32, #tpu.memory_space<vmem>>
      %dma_start3A_44 = tpu.memref_squeeze %dma_start3A_43 : memref<1x16xi32, #tpu.memory_space<vmem>> -> memref<16xi32, #tpu.memory_space<vmem>>
      %dma_start3A_45 = tpu.memref_slice %arg4[%add3A_27] : memref<320000xi32, #tpu.memory_space<hbm>> -> memref<16xi32, #tpu.memory_space<hbm>>
      %dma_start3A_46 = arith.constant 0 : i32
      %dma_start3A_47 = tpu.memref_slice %arg11[%run_scoped3A_33, %dma_start3A_46] : memref<1x16xi32, #tpu.memory_space<vmem>> -> memref<1x16xi32, #tpu.memory_space<vmem>>
      %dma_start3A_48 = tpu.memref_squeeze %dma_start3A_47 : memref<1x16xi32, #tpu.memory_space<vmem>> -> memref<16xi32, #tpu.memory_space<vmem>>
      %dma_start3A_49 = tpu.memref_slice %arg4[%add3A_27] : memref<320000xi32, #tpu.memory_space<hbm>> -> memref<16xi32, #tpu.memory_space<hbm>>
      tpu.enqueue_dma source(%dma_start3A_49 : memref<16xi32, #tpu.memory_space<hbm>>) target(%dma_start3A_48 : memref<16xi32, #tpu.memory_space<vmem>>) target_semaphore(%run_scoped3A_41 : memref<!tpu.dma_semaphore, #tpu.memory_space<semaphore_mem>>)
      %dma_wait3A_50 = arith.constant 0 : i32
      %dma_wait3A_51 = tpu.memref_slice %arg11[%run_scoped3A_33, %dma_wait3A_50] : memref<1x16xi32, #tpu.memory_space<vmem>> -> memref<1x16xi32, #tpu.memory_space<vmem>>
      %dma_wait3A_52 = tpu.memref_squeeze %dma_wait3A_51 : memref<1x16xi32, #tpu.memory_space<vmem>> -> memref<16xi32, #tpu.memory_space<vmem>>
      %dma_wait3A_53 = tpu.memref_slice %arg4[%add3A_27] : memref<320000xi32, #tpu.memory_space<hbm>> -> memref<16xi32, #tpu.memory_space<hbm>>
      %dma_wait3A_54 = arith.constant 0 : i32
      %dma_wait3A_55 = tpu.memref_slice %arg11[%run_scoped3A_33, %dma_wait3A_54] : memref<1x16xi32, #tpu.memory_space<vmem>> -> memref<1x16xi32, #tpu.memory_space<vmem>>
      %dma_wait3A_56 = tpu.memref_squeeze %dma_wait3A_55 : memref<1x16xi32, #tpu.memory_space<vmem>> -> memref<16xi32, #tpu.memory_space<vmem>>
      %dma_wait3A_57 = tpu.memref_slice %arg4[%add3A_27] : memref<320000xi32, #tpu.memory_space<hbm>> -> memref<16xi32, #tpu.memory_space<hbm>>
      tpu.wait_dma2 semaphore(%run_scoped3A_41 : memref<!tpu.dma_semaphore, #tpu.memory_space<semaphore_mem>>) src(%dma_wait3A_57 : memref<16xi32, #tpu.memory_space<hbm>>) dst(%dma_wait3A_56 : memref<16xi32, #tpu.memory_space<vmem>>)
      tpu.yield
    }) : () -> ()
    %run_scoped3A_34 = arith.constant 0 : i32
    "tpu.region"() ({
      %run_scoped3A_41 = tpu.sem_alloc : memref<!tpu.dma_semaphore, #tpu.memory_space<semaphore_mem>>
      %dma_start3A_42 = arith.constant 0 : i32
      %dma_start3A_43 = tpu.memref_slice %arg11[%run_scoped3A_34, %dma_start3A_42] : memref<1x16xi32, #tpu.memory_space<vmem>> -> memref<1x16xi32, #tpu.memory_space<vmem>>
      %dma_start3A_44 = tpu.memref_squeeze %dma_start3A_43 : memref<1x16xi32, #tpu.memory_space<vmem>> -> memref<16xi32, #tpu.memory_space<vmem>>
      %dma_start3A_45 = arith.constant 0 : i32
      %dma_start3A_46 = arith.constant 0 : i32
      %dma_start3A_47 = tpu.memref_slice %arg13[%dma_start3A_45, %dma_start3A_46] : memref<10000x128xf32, #tpu.memory_space<vmem_shared>> -> memref<10000x128xf32, #tpu.memory_space<vmem_shared>>
      tpu.enqueue_indirect_dma source(%arg12 : memref<16x128xf32, #tpu.memory_space<vmem>>) target(%dma_start3A_47 : memref<10000x128xf32, #tpu.memory_space<vmem_shared>>) offsets(%dma_start3A_44 : memref<16xi32, #tpu.memory_space<vmem>>) semaphore(%run_scoped3A_41 : memref<!tpu.dma_semaphore, #tpu.memory_space<semaphore_mem>>) {add = true}
      %dma_wait3A_48 = arith.constant 0 : i32
      %dma_wait3A_49 = tpu.memref_slice %arg11[%run_scoped3A_34, %dma_wait3A_48] : memref<1x16xi32, #tpu.memory_space<vmem>> -> memref<1x16xi32, #tpu.memory_space<vmem>>
      %dma_wait3A_50 = tpu.memref_squeeze %dma_wait3A_49 : memref<1x16xi32, #tpu.memory_space<vmem>> -> memref<16xi32, #tpu.memory_space<vmem>>
      %dma_wait3A_51 = arith.constant 0 : i32
      %dma_wait3A_52 = arith.constant 0 : i32
      %dma_wait3A_53 = tpu.memref_slice %arg13[%dma_wait3A_51, %dma_wait3A_52] : memref<10000x128xf32, #tpu.memory_space<vmem_shared>> -> memref<10000x128xf32, #tpu.memory_space<vmem_shared>>
      tpu.wait_indirect_dma semaphore(%run_scoped3A_41 : memref<!tpu.dma_semaphore, #tpu.memory_space<semaphore_mem>>) src(%arg12 : memref<16x128xf32, #tpu.memory_space<vmem>>) dst(%dma_wait3A_53 : memref<10000x128xf32, #tpu.memory_space<vmem_shared>>)
      tpu.yield
    }) : () -> ()
    %barrier3A_35 = arith.constant 0 : index
    tpu.barrier barrier_id(%barrier3A_35)
    "tpu.region"() ({
      %run_scoped3A_41 = tpu.sem_alloc : memref<!tpu.dma_semaphore, #tpu.memory_space<semaphore_mem>>
      %dma_start3A_42 = arith.constant 0 : i32
      %dma_start3A_43 = arith.constant 0 : i32
      %dma_start3A_44 = tpu.memref_slice %arg6[%arg0, %dma_start3A_42, %dma_start3A_43] : memref<2x10000x128xf32, #tpu.memory_space<hbm>> -> memref<1x10000x128xf32, #tpu.memory_space<hbm>>
      %dma_start3A_45 = tpu.memref_squeeze %dma_start3A_44 : memref<1x10000x128xf32, #tpu.memory_space<hbm>> -> memref<10000x128xf32, #tpu.memory_space<hbm>>
      %dma_start3A_46 = arith.constant 0 : i32
      %dma_start3A_47 = tpu.memref_slice %dma_start3A_45[%mul3A_2, %dma_start3A_46] : memref<10000x128xf32, #tpu.memory_space<hbm>> -> memref<624x128xf32, #tpu.memory_space<hbm>>
      %dma_start3A_48 = arith.constant 0 : i32
      %dma_start3A_49 = tpu.memref_slice %arg13[%mul3A_2, %dma_start3A_48] : memref<10000x128xf32, #tpu.memory_space<vmem_shared>> -> memref<624x128xf32, #tpu.memory_space<vmem_shared>>
      tpu.enqueue_dma source(%dma_start3A_49 : memref<624x128xf32, #tpu.memory_space<vmem_shared>>) target(%dma_start3A_47 : memref<624x128xf32, #tpu.memory_space<hbm>>) target_semaphore(%run_scoped3A_41 : memref<!tpu.dma_semaphore, #tpu.memory_space<semaphore_mem>>)
      %dma_wait3A_50 = arith.constant 0 : i32
      %dma_wait3A_51 = arith.constant 0 : i32
      %dma_wait3A_52 = tpu.memref_slice %arg6[%arg0, %dma_wait3A_50, %dma_wait3A_51] : memref<2x10000x128xf32, #tpu.memory_space<hbm>> -> memref<1x10000x128xf32, #tpu.memory_space<hbm>>
      %dma_wait3A_53 = tpu.memref_squeeze %dma_wait3A_52 : memref<1x10000x128xf32, #tpu.memory_space<hbm>> -> memref<10000x128xf32, #tpu.memory_space<hbm>>
      %dma_wait3A_54 = arith.constant 0 : i32
      %dma_wait3A_55 = tpu.memref_slice %dma_wait3A_53[%mul3A_2, %dma_wait3A_54] : memref<10000x128xf32, #tpu.memory_space<hbm>> -> memref<624x128xf32, #tpu.memory_space<hbm>>
      %dma_wait3A_56 = arith.constant 0 : i32
      %dma_wait3A_57 = tpu.memref_slice %arg13[%mul3A_2, %dma_wait3A_56] : memref<10000x128xf32, #tpu.memory_space<vmem_shared>> -> memref<624x128xf32, #tpu.memory_space<vmem_shared>>
      tpu.wait_dma2 semaphore(%run_scoped3A_41 : memref<!tpu.dma_semaphore, #tpu.memory_space<semaphore_mem>>) src(%dma_wait3A_57 : memref<624x128xf32, #tpu.memory_space<vmem_shared>>) dst(%dma_wait3A_55 : memref<624x128xf32, #tpu.memory_space<hbm>>)
      tpu.yield
    }) : () -> ()
    %eq3A_36 = arith.constant 15 : i32
    %eq3A_37 = arith.cmpi eq, %arg1, %eq3A_36 : i32
    %convert_element_type3A_38 = arith.extui %eq3A_37 : i1 to i32
    %cond3A_39 = arith.constant 0 : i32
    %cond3A_40 = arith.cmpi ne, %convert_element_type3A_38, %cond3A_39 : i32
    scf.if %cond3A_40 {
      "tpu.region"() ({
        %run_scoped3A_41 = tpu.sem_alloc : memref<!tpu.dma_semaphore, #tpu.memory_space<semaphore_mem>>
        %dma_start3A_42 = arith.constant 0 : i32
        %dma_start3A_43 = arith.constant 0 : i32
        %dma_start3A_44 = tpu.memref_slice %arg6[%arg0, %dma_start3A_42, %dma_start3A_43] : memref<2x10000x128xf32, #tpu.memory_space<hbm>> -> memref<1x10000x128xf32, #tpu.memory_space<hbm>>
        %dma_start3A_45 = tpu.memref_squeeze %dma_start3A_44 : memref<1x10000x128xf32, #tpu.memory_space<hbm>> -> memref<10000x128xf32, #tpu.memory_space<hbm>>
        %dma_start3A_46 = arith.constant 9984 : i32
        %dma_start3A_47 = arith.constant 0 : i32
        %dma_start3A_48 = tpu.memref_slice %dma_start3A_45[%dma_start3A_46, %dma_start3A_47] : memref<10000x128xf32, #tpu.memory_space<hbm>> -> memref<16x128xf32, #tpu.memory_space<hbm>>
        %dma_start3A_49 = arith.constant 9984 : i32
        %dma_start3A_50 = arith.constant 0 : i32
        %dma_start3A_51 = tpu.memref_slice %arg13[%dma_start3A_49, %dma_start3A_50] : memref<10000x128xf32, #tpu.memory_space<vmem_shared>> -> memref<16x128xf32, #tpu.memory_space<vmem_shared>>
        tpu.enqueue_dma source(%dma_start3A_51 : memref<16x128xf32, #tpu.memory_space<vmem_shared>>) target(%dma_start3A_48 : memref<16x128xf32, #tpu.memory_space<hbm>>) target_semaphore(%run_scoped3A_41 : memref<!tpu.dma_semaphore, #tpu.memory_space<semaphore_mem>>)
        %dma_wait3A_52 = arith.constant 0 : i32
        %dma_wait3A_53 = arith.constant 0 : i32
        %dma_wait3A_54 = tpu.memref_slice %arg6[%arg0, %dma_wait3A_52, %dma_wait3A_53] : memref<2x10000x128xf32, #tpu.memory_space<hbm>> -> memref<1x10000x128xf32, #tpu.memory_space<hbm>>
        %dma_wait3A_55 = tpu.memref_squeeze %dma_wait3A_54 : memref<1x10000x128xf32, #tpu.memory_space<hbm>> -> memref<10000x128xf32, #tpu.memory_space<hbm>>
        %dma_wait3A_56 = arith.constant 9984 : i32
        %dma_wait3A_57 = arith.constant 0 : i32
        %dma_wait3A_58 = tpu.memref_slice %dma_wait3A_55[%dma_wait3A_56, %dma_wait3A_57] : memref<10000x128xf32, #tpu.memory_space<hbm>> -> memref<16x128xf32, #tpu.memory_space<hbm>>
        %dma_wait3A_59 = arith.constant 9984 : i32
        %dma_wait3A_60 = arith.constant 0 : i32
        %dma_wait3A_61 = tpu.memref_slice %arg13[%dma_wait3A_59, %dma_wait3A_60] : memref<10000x128xf32, #tpu.memory_space<vmem_shared>> -> memref<16x128xf32, #tpu.memory_space<vmem_shared>>
        tpu.wait_dma2 semaphore(%run_scoped3A_41 : memref<!tpu.dma_semaphore, #tpu.memory_space<semaphore_mem>>) src(%dma_wait3A_61 : memref<16x128xf32, #tpu.memory_space<vmem_shared>>) dst(%dma_wait3A_58 : memref<16x128xf32, #tpu.memory_space<hbm>>)
        tpu.yield
      }) : () -> ()
    } else {
    }
    return
  }
}

#map = affine_map<(d0, d1) -> (0, 0)>
#map1 = affine_map<(d0, d1) -> (0)>
#map2 = affine_map<(d0, d1) -> (0, 0, 0)>
module attributes {stable_mosaic.version = 14 : i64} {
  func.func @sc_scatter(%arg0: i32, %arg1: i32, %arg2: memref<10000x128xf32, #tpu.memory_space<hbm>>, %arg3: memref<320000xi32, #tpu.memory_space<hbm>>, %arg4: memref<320000xi32, #tpu.memory_space<hbm>>, %arg5: memref<10000x128xf32, #tpu.memory_space<hbm>>, %arg6: memref<2x10000x128xf32, #tpu.memory_space<hbm>>, %arg7: memref<2x128xi32, #tpu.memory_space<vmem>>, %arg8: memref<2x128xi32, #tpu.memory_space<vmem>>, %arg9: memref<2x128x128xf32, #tpu.memory_space<vmem>>, %arg10: memref<16xi32, #tpu.memory_space<vmem>>, %arg11: memref<1x16xi32, #tpu.memory_space<vmem>>, %arg12: memref<16x128xf32, #tpu.memory_space<vmem>>, %arg13: memref<10000x128xf32, #tpu.memory_space<vmem_shared>>, %arg14: memref<!tpu.dma_semaphore, #tpu.memory_space<semaphore_mem>>, %arg15: memref<!tpu.dma_semaphore, #tpu.memory_space<semaphore_mem>>) attributes {dimension_semantics = [#tpu.dimension_semantics<core_parallel>, #tpu.dimension_semantics<subcore_parallel>], iteration_bounds = array<i64: 2, 16>, scalar_prefetch = 0 : i64, scratch_operands = 9 : i64, tpu.core_type = #tpu.core_type<sc_vector_subcore>, window_params = [{transform_indices = #map}, {transform_indices = #map1}, {transform_indices = #map1}, {transform_indices = #map}, {transform_indices = #map2}]} {
    %mul3A = arith.constant 16 : i32
    %mul3A_0 = arith.muli %arg0, %mul3A : i32
    %add3A = arith.addi %mul3A_0, %arg1 : i32
    %mul3A_1 = arith.constant 624 : i32
    %mul3A_2 = arith.muli %arg1, %mul3A_1 : i32
    %mul3A_3 = arith.constant 10000 : i32
    %mul3A_4 = arith.muli %add3A, %mul3A_3 : i32
    "tpu.region"() ({
      %run_scoped3A_41 = tpu.sem_alloc : memref<!tpu.dma_semaphore, #tpu.memory_space<semaphore_mem>>
      %dma_start3A_42 = arith.constant 0 : i32
      %dma_start3A_43 = tpu.memref_slice %arg13[%mul3A_2, %dma_start3A_42] : memref<10000x128xf32, #tpu.memory_space<vmem_shared>> -> memref<624x128xf32, #tpu.memory_space<vmem_shared>>
      %dma_start3A_44 = arith.constant 0 : i32
      %dma_start3A_45 = tpu.memref_slice %arg5[%mul3A_2, %dma_start3A_44] : memref<10000x128xf32, #tpu.memory_space<hbm>> -> memref<624x128xf32, #tpu.memory_space<hbm>>
      tpu.enqueue_dma source(%dma_start3A_45 : memref<624x128xf32, #tpu.memory_space<hbm>>) target(%dma_start3A_43 : memref<624x128xf32, #tpu.memory_space<vmem_shared>>) target_semaphore(%run_scoped3A_41 : memref<!tpu.dma_semaphore, #tpu.memory_space<semaphore_mem>>)
      %dma_wait3A_46 = arith.constant 0 : i32
      %dma_wait3A_47 = tpu.memref_slice %arg13[%mul3A_2, %dma_wait3A_46] : memref<10000x128xf32, #tpu.memory_space<vmem_shared>> -> memref<624x128xf32, #tpu.memory_space<vmem_shared>>
      %dma_wait3A_48 = arith.constant 0 : i32
      %dma_wait3A_49 = tpu.memref_slice %arg5[%mul3A_2, %dma_wait3A_48] : memref<10000x128xf32, #tpu.memory_space<hbm>> -> memref<624x128xf32, #tpu.memory_space<hbm>>
      tpu.wait_dma2 semaphore(%run_scoped3A_41 : memref<!tpu.dma_semaphore, #tpu.memory_space<semaphore_mem>>) src(%dma_wait3A_49 : memref<624x128xf32, #tpu.memory_space<hbm>>) dst(%dma_wait3A_47 : memref<624x128xf32, #tpu.memory_space<vmem_shared>>)
      tpu.yield
    }) : () -> ()
    %eq3A = arith.constant 15 : i32
    %eq3A_5 = arith.cmpi eq, %arg1, %eq3A : i32
    %convert_element_type3A = arith.extui %eq3A_5 : i1 to i32
    %cond3A = arith.constant 0 : i32
    %cond3A_6 = arith.cmpi ne, %convert_element_type3A, %cond3A : i32
    scf.if %cond3A_6 {
      "tpu.region"() ({
        %run_scoped3A_41 = tpu.sem_alloc : memref<!tpu.dma_semaphore, #tpu.memory_space<semaphore_mem>>
        %dma_start3A_42 = arith.constant 9984 : i32
        %dma_start3A_43 = arith.constant 0 : i32
        %dma_start3A_44 = tpu.memref_slice %arg13[%dma_start3A_42, %dma_start3A_43] : memref<10000x128xf32, #tpu.memory_space<vmem_shared>> -> memref<16x128xf32, #tpu.memory_space<vmem_shared>>
        %dma_start3A_45 = arith.constant 9984 : i32
        %dma_start3A_46 = arith.constant 0 : i32
        %dma_start3A_47 = tpu.memref_slice %arg5[%dma_start3A_45, %dma_start3A_46] : memref<10000x128xf32, #tpu.memory_space<hbm>> -> memref<16x128xf32, #tpu.memory_space<hbm>>
        tpu.enqueue_dma source(%dma_start3A_47 : memref<16x128xf32, #tpu.memory_space<hbm>>) target(%dma_start3A_44 : memref<16x128xf32, #tpu.memory_space<vmem_shared>>) target_semaphore(%run_scoped3A_41 : memref<!tpu.dma_semaphore, #tpu.memory_space<semaphore_mem>>)
        %dma_wait3A_48 = arith.constant 9984 : i32
        %dma_wait3A_49 = arith.constant 0 : i32
        %dma_wait3A_50 = tpu.memref_slice %arg13[%dma_wait3A_48, %dma_wait3A_49] : memref<10000x128xf32, #tpu.memory_space<vmem_shared>> -> memref<16x128xf32, #tpu.memory_space<vmem_shared>>
        %dma_wait3A_51 = arith.constant 9984 : i32
        %dma_wait3A_52 = arith.constant 0 : i32
        %dma_wait3A_53 = tpu.memref_slice %arg5[%dma_wait3A_51, %dma_wait3A_52] : memref<10000x128xf32, #tpu.memory_space<hbm>> -> memref<16x128xf32, #tpu.memory_space<hbm>>
        tpu.wait_dma2 semaphore(%run_scoped3A_41 : memref<!tpu.dma_semaphore, #tpu.memory_space<semaphore_mem>>) src(%dma_wait3A_53 : memref<16x128xf32, #tpu.memory_space<hbm>>) dst(%dma_wait3A_50 : memref<16x128xf32, #tpu.memory_space<vmem_shared>>)
        tpu.yield
      }) : () -> ()
    } else {
    }
    %barrier3A = arith.constant 0 : index
    tpu.barrier barrier_id(%barrier3A)
    %add3A_7 = arith.constant 0 : i32
    %add3A_8 = arith.addi %mul3A_4, %add3A_7 : i32
    %run_scoped3A = arith.constant 0 : i32
    "tpu.region"() ({
      %run_scoped3A_41 = tpu.sem_alloc : memref<!tpu.dma_semaphore, #tpu.memory_space<semaphore_mem>>
      %dma_start3A_42 = arith.constant 0 : i32
      %dma_start3A_43 = tpu.memref_slice %arg7[%run_scoped3A, %dma_start3A_42] : memref<2x128xi32, #tpu.memory_space<vmem>> -> memref<1x128xi32, #tpu.memory_space<vmem>>
      %dma_start3A_44 = tpu.memref_squeeze %dma_start3A_43 : memref<1x128xi32, #tpu.memory_space<vmem>> -> memref<128xi32, #tpu.memory_space<vmem>>
      %dma_start3A_45 = tpu.memref_slice %arg3[%add3A_8] : memref<320000xi32, #tpu.memory_space<hbm>> -> memref<128xi32, #tpu.memory_space<hbm>>
      %dma_start3A_46 = arith.constant 0 : i32
      %dma_start3A_47 = tpu.memref_slice %arg7[%run_scoped3A, %dma_start3A_46] : memref<2x128xi32, #tpu.memory_space<vmem>> -> memref<1x128xi32, #tpu.memory_space<vmem>>
      %dma_start3A_48 = tpu.memref_squeeze %dma_start3A_47 : memref<1x128xi32, #tpu.memory_space<vmem>> -> memref<128xi32, #tpu.memory_space<vmem>>
      %dma_start3A_49 = tpu.memref_slice %arg3[%add3A_8] : memref<320000xi32, #tpu.memory_space<hbm>> -> memref<128xi32, #tpu.memory_space<hbm>>
      tpu.enqueue_dma source(%dma_start3A_49 : memref<128xi32, #tpu.memory_space<hbm>>) target(%dma_start3A_48 : memref<128xi32, #tpu.memory_space<vmem>>) target_semaphore(%run_scoped3A_41 : memref<!tpu.dma_semaphore, #tpu.memory_space<semaphore_mem>>)
      %dma_wait3A_50 = arith.constant 0 : i32
      %dma_wait3A_51 = tpu.memref_slice %arg7[%run_scoped3A, %dma_wait3A_50] : memref<2x128xi32, #tpu.memory_space<vmem>> -> memref<1x128xi32, #tpu.memory_space<vmem>>
      %dma_wait3A_52 = tpu.memref_squeeze %dma_wait3A_51 : memref<1x128xi32, #tpu.memory_space<vmem>> -> memref<128xi32, #tpu.memory_space<vmem>>
      %dma_wait3A_53 = tpu.memref_slice %arg3[%add3A_8] : memref<320000xi32, #tpu.memory_space<hbm>> -> memref<128xi32, #tpu.memory_space<hbm>>
      %dma_wait3A_54 = arith.constant 0 : i32
      %dma_wait3A_55 = tpu.memref_slice %arg7[%run_scoped3A, %dma_wait3A_54] : memref<2x128xi32, #tpu.memory_space<vmem>> -> memref<1x128xi32, #tpu.memory_space<vmem>>
      %dma_wait3A_56 = tpu.memref_squeeze %dma_wait3A_55 : memref<1x128xi32, #tpu.memory_space<vmem>> -> memref<128xi32, #tpu.memory_space<vmem>>
      %dma_wait3A_57 = tpu.memref_slice %arg3[%add3A_8] : memref<320000xi32, #tpu.memory_space<hbm>> -> memref<128xi32, #tpu.memory_space<hbm>>
      tpu.wait_dma2 semaphore(%run_scoped3A_41 : memref<!tpu.dma_semaphore, #tpu.memory_space<semaphore_mem>>) src(%dma_wait3A_57 : memref<128xi32, #tpu.memory_space<hbm>>) dst(%dma_wait3A_56 : memref<128xi32, #tpu.memory_space<vmem>>)
      tpu.yield
    }) : () -> ()
    %run_scoped3A_9 = arith.constant 0 : i32
    "tpu.region"() ({
      %run_scoped3A_41 = tpu.sem_alloc : memref<!tpu.dma_semaphore, #tpu.memory_space<semaphore_mem>>
      %dma_start3A_42 = arith.constant 0 : i32
      %dma_start3A_43 = tpu.memref_slice %arg8[%run_scoped3A_9, %dma_start3A_42] : memref<2x128xi32, #tpu.memory_space<vmem>> -> memref<1x128xi32, #tpu.memory_space<vmem>>
      %dma_start3A_44 = tpu.memref_squeeze %dma_start3A_43 : memref<1x128xi32, #tpu.memory_space<vmem>> -> memref<128xi32, #tpu.memory_space<vmem>>
      %dma_start3A_45 = tpu.memref_slice %arg4[%add3A_8] : memref<320000xi32, #tpu.memory_space<hbm>> -> memref<128xi32, #tpu.memory_space<hbm>>
      %dma_start3A_46 = arith.constant 0 : i32
      %dma_start3A_47 = tpu.memref_slice %arg8[%run_scoped3A_9, %dma_start3A_46] : memref<2x128xi32, #tpu.memory_space<vmem>> -> memref<1x128xi32, #tpu.memory_space<vmem>>
      %dma_start3A_48 = tpu.memref_squeeze %dma_start3A_47 : memref<1x128xi32, #tpu.memory_space<vmem>> -> memref<128xi32, #tpu.memory_space<vmem>>
      %dma_start3A_49 = tpu.memref_slice %arg4[%add3A_8] : memref<320000xi32, #tpu.memory_space<hbm>> -> memref<128xi32, #tpu.memory_space<hbm>>
      tpu.enqueue_dma source(%dma_start3A_49 : memref<128xi32, #tpu.memory_space<hbm>>) target(%dma_start3A_48 : memref<128xi32, #tpu.memory_space<vmem>>) target_semaphore(%run_scoped3A_41 : memref<!tpu.dma_semaphore, #tpu.memory_space<semaphore_mem>>)
      %dma_wait3A_50 = arith.constant 0 : i32
      %dma_wait3A_51 = tpu.memref_slice %arg8[%run_scoped3A_9, %dma_wait3A_50] : memref<2x128xi32, #tpu.memory_space<vmem>> -> memref<1x128xi32, #tpu.memory_space<vmem>>
      %dma_wait3A_52 = tpu.memref_squeeze %dma_wait3A_51 : memref<1x128xi32, #tpu.memory_space<vmem>> -> memref<128xi32, #tpu.memory_space<vmem>>
      %dma_wait3A_53 = tpu.memref_slice %arg4[%add3A_8] : memref<320000xi32, #tpu.memory_space<hbm>> -> memref<128xi32, #tpu.memory_space<hbm>>
      %dma_wait3A_54 = arith.constant 0 : i32
      %dma_wait3A_55 = tpu.memref_slice %arg8[%run_scoped3A_9, %dma_wait3A_54] : memref<2x128xi32, #tpu.memory_space<vmem>> -> memref<1x128xi32, #tpu.memory_space<vmem>>
      %dma_wait3A_56 = tpu.memref_squeeze %dma_wait3A_55 : memref<1x128xi32, #tpu.memory_space<vmem>> -> memref<128xi32, #tpu.memory_space<vmem>>
      %dma_wait3A_57 = tpu.memref_slice %arg4[%add3A_8] : memref<320000xi32, #tpu.memory_space<hbm>> -> memref<128xi32, #tpu.memory_space<hbm>>
      tpu.wait_dma2 semaphore(%run_scoped3A_41 : memref<!tpu.dma_semaphore, #tpu.memory_space<semaphore_mem>>) src(%dma_wait3A_57 : memref<128xi32, #tpu.memory_space<hbm>>) dst(%dma_wait3A_56 : memref<128xi32, #tpu.memory_space<vmem>>)
      tpu.yield
    }) : () -> ()
    %dma_start3A = arith.constant 0 : i32
    %dma_start3A_10 = arith.constant 0 : i32
    %dma_start3A_11 = arith.constant 0 : i32
    %dma_start3A_12 = arith.constant 0 : i32
    %dma_start3A_13 = tpu.memref_slice %arg9[%dma_start3A_10, %dma_start3A_11, %dma_start3A_12] : memref<2x128x128xf32, #tpu.memory_space<vmem>> -> memref<1x128x128xf32, #tpu.memory_space<vmem>>
    %dma_start3A_14 = tpu.memref_squeeze %dma_start3A_13 : memref<1x128x128xf32, #tpu.memory_space<vmem>> -> memref<128x128xf32, #tpu.memory_space<vmem>>
    %dma_start3A_15 = arith.constant 0 : i32
    %dma_start3A_16 = tpu.memref_slice %arg7[%dma_start3A, %dma_start3A_15] : memref<2x128xi32, #tpu.memory_space<vmem>> -> memref<1x128xi32, #tpu.memory_space<vmem>>
    %dma_start3A_17 = tpu.memref_squeeze %dma_start3A_16 : memref<1x128xi32, #tpu.memory_space<vmem>> -> memref<128xi32, #tpu.memory_space<vmem>>
    %dma_start3A_18 = arith.constant 0 : i32
    %dma_start3A_19 = arith.constant 0 : i32
    %dma_start3A_20 = tpu.memref_slice %arg2[%dma_start3A_18, %dma_start3A_19] : memref<10000x128xf32, #tpu.memory_space<hbm>> -> memref<10000x128xf32, #tpu.memory_space<hbm>>
    tpu.enqueue_indirect_dma source(%dma_start3A_20 : memref<10000x128xf32, #tpu.memory_space<hbm>>) target(%dma_start3A_14 : memref<128x128xf32, #tpu.memory_space<vmem>>) offsets(%dma_start3A_17 : memref<128xi32, #tpu.memory_space<vmem>>) semaphore(%arg14 : memref<!tpu.dma_semaphore, #tpu.memory_space<semaphore_mem>>)
    %scan3A = arith.constant 0 : i32
    %scan3A_21 = arith.constant 0 : i32
    %scan3A_22 = arith.constant 39 : i32
    %scan3A_23 = arith.addi %scan3A_21, %scan3A_22 : i32
    %scan3A_24 = arith.constant 1 : i32
    scf.for %scan3A_41 = %scan3A_21 to %scan3A_23 step %scan3A_24  : i32 {
      %mul3A_42 = arith.constant 2 : i32
      %mul3A_43 = arith.muli %mul3A_42, %scan3A_41 : i32
      %add3A_44 = arith.constant 1 : i32
      %add3A_45 = arith.addi %mul3A_43, %add3A_44 : i32
      %mul3A_46 = arith.constant 128 : i32
      %mul3A_47 = arith.muli %add3A_45, %mul3A_46 : i32
      %add3A_48 = arith.addi %mul3A_4, %mul3A_47 : i32
      %run_scoped3A_49 = arith.constant 1 : i32
      "tpu.region"() ({
        %run_scoped3A_95 = tpu.sem_alloc : memref<!tpu.dma_semaphore, #tpu.memory_space<semaphore_mem>>
        %dma_start3A_96 = arith.constant 0 : i32
        %dma_start3A_97 = tpu.memref_slice %arg7[%run_scoped3A_49, %dma_start3A_96] : memref<2x128xi32, #tpu.memory_space<vmem>> -> memref<1x128xi32, #tpu.memory_space<vmem>>
        %dma_start3A_98 = tpu.memref_squeeze %dma_start3A_97 : memref<1x128xi32, #tpu.memory_space<vmem>> -> memref<128xi32, #tpu.memory_space<vmem>>
        %dma_start3A_99 = tpu.memref_slice %arg3[%add3A_48] : memref<320000xi32, #tpu.memory_space<hbm>> -> memref<128xi32, #tpu.memory_space<hbm>>
        %dma_start3A_100 = arith.constant 0 : i32
        %dma_start3A_101 = tpu.memref_slice %arg7[%run_scoped3A_49, %dma_start3A_100] : memref<2x128xi32, #tpu.memory_space<vmem>> -> memref<1x128xi32, #tpu.memory_space<vmem>>
        %dma_start3A_102 = tpu.memref_squeeze %dma_start3A_101 : memref<1x128xi32, #tpu.memory_space<vmem>> -> memref<128xi32, #tpu.memory_space<vmem>>
        %dma_start3A_103 = tpu.memref_slice %arg3[%add3A_48] : memref<320000xi32, #tpu.memory_space<hbm>> -> memref<128xi32, #tpu.memory_space<hbm>>
        tpu.enqueue_dma source(%dma_start3A_103 : memref<128xi32, #tpu.memory_space<hbm>>) target(%dma_start3A_102 : memref<128xi32, #tpu.memory_space<vmem>>) target_semaphore(%run_scoped3A_95 : memref<!tpu.dma_semaphore, #tpu.memory_space<semaphore_mem>>)
        %dma_wait3A_104 = arith.constant 0 : i32
        %dma_wait3A_105 = tpu.memref_slice %arg7[%run_scoped3A_49, %dma_wait3A_104] : memref<2x128xi32, #tpu.memory_space<vmem>> -> memref<1x128xi32, #tpu.memory_space<vmem>>
        %dma_wait3A_106 = tpu.memref_squeeze %dma_wait3A_105 : memref<1x128xi32, #tpu.memory_space<vmem>> -> memref<128xi32, #tpu.memory_space<vmem>>
        %dma_wait3A_107 = tpu.memref_slice %arg3[%add3A_48] : memref<320000xi32, #tpu.memory_space<hbm>> -> memref<128xi32, #tpu.memory_space<hbm>>
        %dma_wait3A_108 = arith.constant 0 : i32
        %dma_wait3A_109 = tpu.memref_slice %arg7[%run_scoped3A_49, %dma_wait3A_108] : memref<2x128xi32, #tpu.memory_space<vmem>> -> memref<1x128xi32, #tpu.memory_space<vmem>>
        %dma_wait3A_110 = tpu.memref_squeeze %dma_wait3A_109 : memref<1x128xi32, #tpu.memory_space<vmem>> -> memref<128xi32, #tpu.memory_space<vmem>>
        %dma_wait3A_111 = tpu.memref_slice %arg3[%add3A_48] : memref<320000xi32, #tpu.memory_space<hbm>> -> memref<128xi32, #tpu.memory_space<hbm>>
        tpu.wait_dma2 semaphore(%run_scoped3A_95 : memref<!tpu.dma_semaphore, #tpu.memory_space<semaphore_mem>>) src(%dma_wait3A_111 : memref<128xi32, #tpu.memory_space<hbm>>) dst(%dma_wait3A_110 : memref<128xi32, #tpu.memory_space<vmem>>)
        tpu.yield
      }) : () -> ()
      %run_scoped3A_50 = arith.constant 1 : i32
      "tpu.region"() ({
        %run_scoped3A_95 = tpu.sem_alloc : memref<!tpu.dma_semaphore, #tpu.memory_space<semaphore_mem>>
        %dma_start3A_96 = arith.constant 0 : i32
        %dma_start3A_97 = tpu.memref_slice %arg8[%run_scoped3A_50, %dma_start3A_96] : memref<2x128xi32, #tpu.memory_space<vmem>> -> memref<1x128xi32, #tpu.memory_space<vmem>>
        %dma_start3A_98 = tpu.memref_squeeze %dma_start3A_97 : memref<1x128xi32, #tpu.memory_space<vmem>> -> memref<128xi32, #tpu.memory_space<vmem>>
        %dma_start3A_99 = tpu.memref_slice %arg4[%add3A_48] : memref<320000xi32, #tpu.memory_space<hbm>> -> memref<128xi32, #tpu.memory_space<hbm>>
        %dma_start3A_100 = arith.constant 0 : i32
        %dma_start3A_101 = tpu.memref_slice %arg8[%run_scoped3A_50, %dma_start3A_100] : memref<2x128xi32, #tpu.memory_space<vmem>> -> memref<1x128xi32, #tpu.memory_space<vmem>>
        %dma_start3A_102 = tpu.memref_squeeze %dma_start3A_101 : memref<1x128xi32, #tpu.memory_space<vmem>> -> memref<128xi32, #tpu.memory_space<vmem>>
        %dma_start3A_103 = tpu.memref_slice %arg4[%add3A_48] : memref<320000xi32, #tpu.memory_space<hbm>> -> memref<128xi32, #tpu.memory_space<hbm>>
        tpu.enqueue_dma source(%dma_start3A_103 : memref<128xi32, #tpu.memory_space<hbm>>) target(%dma_start3A_102 : memref<128xi32, #tpu.memory_space<vmem>>) target_semaphore(%run_scoped3A_95 : memref<!tpu.dma_semaphore, #tpu.memory_space<semaphore_mem>>)
        %dma_wait3A_104 = arith.constant 0 : i32
        %dma_wait3A_105 = tpu.memref_slice %arg8[%run_scoped3A_50, %dma_wait3A_104] : memref<2x128xi32, #tpu.memory_space<vmem>> -> memref<1x128xi32, #tpu.memory_space<vmem>>
        %dma_wait3A_106 = tpu.memref_squeeze %dma_wait3A_105 : memref<1x128xi32, #tpu.memory_space<vmem>> -> memref<128xi32, #tpu.memory_space<vmem>>
        %dma_wait3A_107 = tpu.memref_slice %arg4[%add3A_48] : memref<320000xi32, #tpu.memory_space<hbm>> -> memref<128xi32, #tpu.memory_space<hbm>>
        %dma_wait3A_108 = arith.constant 0 : i32
        %dma_wait3A_109 = tpu.memref_slice %arg8[%run_scoped3A_50, %dma_wait3A_108] : memref<2x128xi32, #tpu.memory_space<vmem>> -> memref<1x128xi32, #tpu.memory_space<vmem>>
        %dma_wait3A_110 = tpu.memref_squeeze %dma_wait3A_109 : memref<1x128xi32, #tpu.memory_space<vmem>> -> memref<128xi32, #tpu.memory_space<vmem>>
        %dma_wait3A_111 = tpu.memref_slice %arg4[%add3A_48] : memref<320000xi32, #tpu.memory_space<hbm>> -> memref<128xi32, #tpu.memory_space<hbm>>
        tpu.wait_dma2 semaphore(%run_scoped3A_95 : memref<!tpu.dma_semaphore, #tpu.memory_space<semaphore_mem>>) src(%dma_wait3A_111 : memref<128xi32, #tpu.memory_space<hbm>>) dst(%dma_wait3A_110 : memref<128xi32, #tpu.memory_space<vmem>>)
        tpu.yield
      }) : () -> ()
      %dma_start3A_51 = arith.constant 1 : i32
      %dma_start3A_52 = arith.constant 1 : i32
      %dma_start3A_53 = arith.constant 0 : i32
      %dma_start3A_54 = arith.constant 0 : i32
      %dma_start3A_55 = tpu.memref_slice %arg9[%dma_start3A_52, %dma_start3A_53, %dma_start3A_54] : memref<2x128x128xf32, #tpu.memory_space<vmem>> -> memref<1x128x128xf32, #tpu.memory_space<vmem>>
      %dma_start3A_56 = tpu.memref_squeeze %dma_start3A_55 : memref<1x128x128xf32, #tpu.memory_space<vmem>> -> memref<128x128xf32, #tpu.memory_space<vmem>>
      %dma_start3A_57 = arith.constant 0 : i32
      %dma_start3A_58 = tpu.memref_slice %arg7[%dma_start3A_51, %dma_start3A_57] : memref<2x128xi32, #tpu.memory_space<vmem>> -> memref<1x128xi32, #tpu.memory_space<vmem>>
      %dma_start3A_59 = tpu.memref_squeeze %dma_start3A_58 : memref<1x128xi32, #tpu.memory_space<vmem>> -> memref<128xi32, #tpu.memory_space<vmem>>
      %dma_start3A_60 = arith.constant 0 : i32
      %dma_start3A_61 = arith.constant 0 : i32
      %dma_start3A_62 = tpu.memref_slice %arg2[%dma_start3A_60, %dma_start3A_61] : memref<10000x128xf32, #tpu.memory_space<hbm>> -> memref<10000x128xf32, #tpu.memory_space<hbm>>
      tpu.enqueue_indirect_dma source(%dma_start3A_62 : memref<10000x128xf32, #tpu.memory_space<hbm>>) target(%dma_start3A_56 : memref<128x128xf32, #tpu.memory_space<vmem>>) offsets(%dma_start3A_59 : memref<128xi32, #tpu.memory_space<vmem>>) semaphore(%arg15 : memref<!tpu.dma_semaphore, #tpu.memory_space<semaphore_mem>>)
      %dma_wait3A_63 = arith.constant 0 : i32
      %dma_wait3A_64 = arith.constant 0 : i32
      %dma_wait3A_65 = arith.constant 0 : i32
      %dma_wait3A_66 = arith.constant 0 : i32
      %dma_wait3A_67 = tpu.memref_slice %arg9[%dma_wait3A_64, %dma_wait3A_65, %dma_wait3A_66] : memref<2x128x128xf32, #tpu.memory_space<vmem>> -> memref<1x128x128xf32, #tpu.memory_space<vmem>>
      %dma_wait3A_68 = tpu.memref_squeeze %dma_wait3A_67 : memref<1x128x128xf32, #tpu.memory_space<vmem>> -> memref<128x128xf32, #tpu.memory_space<vmem>>
      %dma_wait3A_69 = arith.constant 0 : i32
      %dma_wait3A_70 = tpu.memref_slice %arg7[%dma_wait3A_63, %dma_wait3A_69] : memref<2x128xi32, #tpu.memory_space<vmem>> -> memref<1x128xi32, #tpu.memory_space<vmem>>
      %dma_wait3A_71 = tpu.memref_squeeze %dma_wait3A_70 : memref<1x128xi32, #tpu.memory_space<vmem>> -> memref<128xi32, #tpu.memory_space<vmem>>
      %dma_wait3A_72 = arith.constant 0 : i32
      %dma_wait3A_73 = arith.constant 0 : i32
      %dma_wait3A_74 = tpu.memref_slice %arg2[%dma_wait3A_72, %dma_wait3A_73] : memref<10000x128xf32, #tpu.memory_space<hbm>> -> memref<10000x128xf32, #tpu.memory_space<hbm>>
      tpu.wait_indirect_dma semaphore(%arg14 : memref<!tpu.dma_semaphore, #tpu.memory_space<semaphore_mem>>) src(%dma_wait3A_74 : memref<10000x128xf32, #tpu.memory_space<hbm>>) dst(%dma_wait3A_68 : memref<128x128xf32, #tpu.memory_space<vmem>>)
      %run_scoped3A_75 = arith.constant 0 : i32
      %run_scoped3A_76 = arith.constant 0 : i32
      "tpu.region"() ({
        %run_scoped3A_95 = tpu.sem_alloc : memref<!tpu.dma_semaphore, #tpu.memory_space<semaphore_mem>>
        %dma_start3A_96 = arith.constant 0 : i32
        %dma_start3A_97 = arith.constant 0 : i32
        %dma_start3A_98 = tpu.memref_slice %arg9[%run_scoped3A_75, %dma_start3A_96, %dma_start3A_97] : memref<2x128x128xf32, #tpu.memory_space<vmem>> -> memref<1x128x128xf32, #tpu.memory_space<vmem>>
        %dma_start3A_99 = tpu.memref_squeeze %dma_start3A_98 : memref<1x128x128xf32, #tpu.memory_space<vmem>> -> memref<128x128xf32, #tpu.memory_space<vmem>>
        %dma_start3A_100 = arith.constant 0 : i32
        %dma_start3A_101 = tpu.memref_slice %arg8[%run_scoped3A_76, %dma_start3A_100] : memref<2x128xi32, #tpu.memory_space<vmem>> -> memref<1x128xi32, #tpu.memory_space<vmem>>
        %dma_start3A_102 = tpu.memref_squeeze %dma_start3A_101 : memref<1x128xi32, #tpu.memory_space<vmem>> -> memref<128xi32, #tpu.memory_space<vmem>>
        %dma_start3A_103 = arith.constant 0 : i32
        %dma_start3A_104 = arith.constant 0 : i32
        %dma_start3A_105 = tpu.memref_slice %arg13[%dma_start3A_103, %dma_start3A_104] : memref<10000x128xf32, #tpu.memory_space<vmem_shared>> -> memref<10000x128xf32, #tpu.memory_space<vmem_shared>>
        tpu.enqueue_indirect_dma source(%dma_start3A_99 : memref<128x128xf32, #tpu.memory_space<vmem>>) target(%dma_start3A_105 : memref<10000x128xf32, #tpu.memory_space<vmem_shared>>) offsets(%dma_start3A_102 : memref<128xi32, #tpu.memory_space<vmem>>) semaphore(%run_scoped3A_95 : memref<!tpu.dma_semaphore, #tpu.memory_space<semaphore_mem>>) {add = true}
        %dma_wait3A_106 = arith.constant 0 : i32
        %dma_wait3A_107 = arith.constant 0 : i32
        %dma_wait3A_108 = tpu.memref_slice %arg9[%run_scoped3A_75, %dma_wait3A_106, %dma_wait3A_107] : memref<2x128x128xf32, #tpu.memory_space<vmem>> -> memref<1x128x128xf32, #tpu.memory_space<vmem>>
        %dma_wait3A_109 = tpu.memref_squeeze %dma_wait3A_108 : memref<1x128x128xf32, #tpu.memory_space<vmem>> -> memref<128x128xf32, #tpu.memory_space<vmem>>
        %dma_wait3A_110 = arith.constant 0 : i32
        %dma_wait3A_111 = tpu.memref_slice %arg8[%run_scoped3A_76, %dma_wait3A_110] : memref<2x128xi32, #tpu.memory_space<vmem>> -> memref<1x128xi32, #tpu.memory_space<vmem>>
        %dma_wait3A_112 = tpu.memref_squeeze %dma_wait3A_111 : memref<1x128xi32, #tpu.memory_space<vmem>> -> memref<128xi32, #tpu.memory_space<vmem>>
        %dma_wait3A_113 = arith.constant 0 : i32
        %dma_wait3A_114 = arith.constant 0 : i32
        %dma_wait3A_115 = tpu.memref_slice %arg13[%dma_wait3A_113, %dma_wait3A_114] : memref<10000x128xf32, #tpu.memory_space<vmem_shared>> -> memref<10000x128xf32, #tpu.memory_space<vmem_shared>>
        tpu.wait_indirect_dma semaphore(%run_scoped3A_95 : memref<!tpu.dma_semaphore, #tpu.memory_space<semaphore_mem>>) src(%dma_wait3A_109 : memref<128x128xf32, #tpu.memory_space<vmem>>) dst(%dma_wait3A_115 : memref<10000x128xf32, #tpu.memory_space<vmem_shared>>)
        tpu.yield
      }) : () -> ()
      %lt3A = arith.constant 38 : i32
      %lt3A_77 = arith.cmpi slt, %scan3A_41, %lt3A : i32
      %convert_element_type3A_78 = arith.extui %lt3A_77 : i1 to i32
      %cond3A_79 = arith.constant 0 : i32
      %cond3A_80 = arith.cmpi ne, %convert_element_type3A_78, %cond3A_79 : i32
      scf.if %cond3A_80 {
        %mul3A_95 = arith.constant 2 : i32
        %mul3A_96 = arith.muli %mul3A_95, %scan3A_41 : i32
        %add3A_97 = arith.constant 2 : i32
        %add3A_98 = arith.addi %mul3A_96, %add3A_97 : i32
        %mul3A_99 = arith.constant 128 : i32
        %mul3A_100 = arith.muli %add3A_98, %mul3A_99 : i32
        %add3A_101 = arith.addi %mul3A_4, %mul3A_100 : i32
        %run_scoped3A_102 = arith.constant 0 : i32
        "tpu.region"() ({
          %run_scoped3A_116 = tpu.sem_alloc : memref<!tpu.dma_semaphore, #tpu.memory_space<semaphore_mem>>
          %dma_start3A_117 = arith.constant 0 : i32
          %dma_start3A_118 = tpu.memref_slice %arg7[%run_scoped3A_102, %dma_start3A_117] : memref<2x128xi32, #tpu.memory_space<vmem>> -> memref<1x128xi32, #tpu.memory_space<vmem>>
          %dma_start3A_119 = tpu.memref_squeeze %dma_start3A_118 : memref<1x128xi32, #tpu.memory_space<vmem>> -> memref<128xi32, #tpu.memory_space<vmem>>
          %dma_start3A_120 = tpu.memref_slice %arg3[%add3A_101] : memref<320000xi32, #tpu.memory_space<hbm>> -> memref<128xi32, #tpu.memory_space<hbm>>
          %dma_start3A_121 = arith.constant 0 : i32
          %dma_start3A_122 = tpu.memref_slice %arg7[%run_scoped3A_102, %dma_start3A_121] : memref<2x128xi32, #tpu.memory_space<vmem>> -> memref<1x128xi32, #tpu.memory_space<vmem>>
          %dma_start3A_123 = tpu.memref_squeeze %dma_start3A_122 : memref<1x128xi32, #tpu.memory_space<vmem>> -> memref<128xi32, #tpu.memory_space<vmem>>
          %dma_start3A_124 = tpu.memref_slice %arg3[%add3A_101] : memref<320000xi32, #tpu.memory_space<hbm>> -> memref<128xi32, #tpu.memory_space<hbm>>
          tpu.enqueue_dma source(%dma_start3A_124 : memref<128xi32, #tpu.memory_space<hbm>>) target(%dma_start3A_123 : memref<128xi32, #tpu.memory_space<vmem>>) target_semaphore(%run_scoped3A_116 : memref<!tpu.dma_semaphore, #tpu.memory_space<semaphore_mem>>)
          %dma_wait3A_125 = arith.constant 0 : i32
          %dma_wait3A_126 = tpu.memref_slice %arg7[%run_scoped3A_102, %dma_wait3A_125] : memref<2x128xi32, #tpu.memory_space<vmem>> -> memref<1x128xi32, #tpu.memory_space<vmem>>
          %dma_wait3A_127 = tpu.memref_squeeze %dma_wait3A_126 : memref<1x128xi32, #tpu.memory_space<vmem>> -> memref<128xi32, #tpu.memory_space<vmem>>
          %dma_wait3A_128 = tpu.memref_slice %arg3[%add3A_101] : memref<320000xi32, #tpu.memory_space<hbm>> -> memref<128xi32, #tpu.memory_space<hbm>>
          %dma_wait3A_129 = arith.constant 0 : i32
          %dma_wait3A_130 = tpu.memref_slice %arg7[%run_scoped3A_102, %dma_wait3A_129] : memref<2x128xi32, #tpu.memory_space<vmem>> -> memref<1x128xi32, #tpu.memory_space<vmem>>
          %dma_wait3A_131 = tpu.memref_squeeze %dma_wait3A_130 : memref<1x128xi32, #tpu.memory_space<vmem>> -> memref<128xi32, #tpu.memory_space<vmem>>
          %dma_wait3A_132 = tpu.memref_slice %arg3[%add3A_101] : memref<320000xi32, #tpu.memory_space<hbm>> -> memref<128xi32, #tpu.memory_space<hbm>>
          tpu.wait_dma2 semaphore(%run_scoped3A_116 : memref<!tpu.dma_semaphore, #tpu.memory_space<semaphore_mem>>) src(%dma_wait3A_132 : memref<128xi32, #tpu.memory_space<hbm>>) dst(%dma_wait3A_131 : memref<128xi32, #tpu.memory_space<vmem>>)
          tpu.yield
        }) : () -> ()
        %run_scoped3A_103 = arith.constant 0 : i32
        "tpu.region"() ({
          %run_scoped3A_116 = tpu.sem_alloc : memref<!tpu.dma_semaphore, #tpu.memory_space<semaphore_mem>>
          %dma_start3A_117 = arith.constant 0 : i32
          %dma_start3A_118 = tpu.memref_slice %arg8[%run_scoped3A_103, %dma_start3A_117] : memref<2x128xi32, #tpu.memory_space<vmem>> -> memref<1x128xi32, #tpu.memory_space<vmem>>
          %dma_start3A_119 = tpu.memref_squeeze %dma_start3A_118 : memref<1x128xi32, #tpu.memory_space<vmem>> -> memref<128xi32, #tpu.memory_space<vmem>>
          %dma_start3A_120 = tpu.memref_slice %arg4[%add3A_101] : memref<320000xi32, #tpu.memory_space<hbm>> -> memref<128xi32, #tpu.memory_space<hbm>>
          %dma_start3A_121 = arith.constant 0 : i32
          %dma_start3A_122 = tpu.memref_slice %arg8[%run_scoped3A_103, %dma_start3A_121] : memref<2x128xi32, #tpu.memory_space<vmem>> -> memref<1x128xi32, #tpu.memory_space<vmem>>
          %dma_start3A_123 = tpu.memref_squeeze %dma_start3A_122 : memref<1x128xi32, #tpu.memory_space<vmem>> -> memref<128xi32, #tpu.memory_space<vmem>>
          %dma_start3A_124 = tpu.memref_slice %arg4[%add3A_101] : memref<320000xi32, #tpu.memory_space<hbm>> -> memref<128xi32, #tpu.memory_space<hbm>>
          tpu.enqueue_dma source(%dma_start3A_124 : memref<128xi32, #tpu.memory_space<hbm>>) target(%dma_start3A_123 : memref<128xi32, #tpu.memory_space<vmem>>) target_semaphore(%run_scoped3A_116 : memref<!tpu.dma_semaphore, #tpu.memory_space<semaphore_mem>>)
          %dma_wait3A_125 = arith.constant 0 : i32
          %dma_wait3A_126 = tpu.memref_slice %arg8[%run_scoped3A_103, %dma_wait3A_125] : memref<2x128xi32, #tpu.memory_space<vmem>> -> memref<1x128xi32, #tpu.memory_space<vmem>>
          %dma_wait3A_127 = tpu.memref_squeeze %dma_wait3A_126 : memref<1x128xi32, #tpu.memory_space<vmem>> -> memref<128xi32, #tpu.memory_space<vmem>>
          %dma_wait3A_128 = tpu.memref_slice %arg4[%add3A_101] : memref<320000xi32, #tpu.memory_space<hbm>> -> memref<128xi32, #tpu.memory_space<hbm>>
          %dma_wait3A_129 = arith.constant 0 : i32
          %dma_wait3A_130 = tpu.memref_slice %arg8[%run_scoped3A_103, %dma_wait3A_129] : memref<2x128xi32, #tpu.memory_space<vmem>> -> memref<1x128xi32, #tpu.memory_space<vmem>>
          %dma_wait3A_131 = tpu.memref_squeeze %dma_wait3A_130 : memref<1x128xi32, #tpu.memory_space<vmem>> -> memref<128xi32, #tpu.memory_space<vmem>>
          %dma_wait3A_132 = tpu.memref_slice %arg4[%add3A_101] : memref<320000xi32, #tpu.memory_space<hbm>> -> memref<128xi32, #tpu.memory_space<hbm>>
          tpu.wait_dma2 semaphore(%run_scoped3A_116 : memref<!tpu.dma_semaphore, #tpu.memory_space<semaphore_mem>>) src(%dma_wait3A_132 : memref<128xi32, #tpu.memory_space<hbm>>) dst(%dma_wait3A_131 : memref<128xi32, #tpu.memory_space<vmem>>)
          tpu.yield
        }) : () -> ()
        %dma_start3A_104 = arith.constant 0 : i32
        %dma_start3A_105 = arith.constant 0 : i32
        %dma_start3A_106 = arith.constant 0 : i32
        %dma_start3A_107 = arith.constant 0 : i32
        %dma_start3A_108 = tpu.memref_slice %arg9[%dma_start3A_105, %dma_start3A_106, %dma_start3A_107] : memref<2x128x128xf32, #tpu.memory_space<vmem>> -> memref<1x128x128xf32, #tpu.memory_space<vmem>>
        %dma_start3A_109 = tpu.memref_squeeze %dma_start3A_108 : memref<1x128x128xf32, #tpu.memory_space<vmem>> -> memref<128x128xf32, #tpu.memory_space<vmem>>
        %dma_start3A_110 = arith.constant 0 : i32
        %dma_start3A_111 = tpu.memref_slice %arg7[%dma_start3A_104, %dma_start3A_110] : memref<2x128xi32, #tpu.memory_space<vmem>> -> memref<1x128xi32, #tpu.memory_space<vmem>>
        %dma_start3A_112 = tpu.memref_squeeze %dma_start3A_111 : memref<1x128xi32, #tpu.memory_space<vmem>> -> memref<128xi32, #tpu.memory_space<vmem>>
        %dma_start3A_113 = arith.constant 0 : i32
        %dma_start3A_114 = arith.constant 0 : i32
        %dma_start3A_115 = tpu.memref_slice %arg2[%dma_start3A_113, %dma_start3A_114] : memref<10000x128xf32, #tpu.memory_space<hbm>> -> memref<10000x128xf32, #tpu.memory_space<hbm>>
        tpu.enqueue_indirect_dma source(%dma_start3A_115 : memref<10000x128xf32, #tpu.memory_space<hbm>>) target(%dma_start3A_109 : memref<128x128xf32, #tpu.memory_space<vmem>>) offsets(%dma_start3A_112 : memref<128xi32, #tpu.memory_space<vmem>>) semaphore(%arg14 : memref<!tpu.dma_semaphore, #tpu.memory_space<semaphore_mem>>)
      } else {
      }
      %dma_wait3A_81 = arith.constant 1 : i32
      %dma_wait3A_82 = arith.constant 1 : i32
      %dma_wait3A_83 = arith.constant 0 : i32
      %dma_wait3A_84 = arith.constant 0 : i32
      %dma_wait3A_85 = tpu.memref_slice %arg9[%dma_wait3A_82, %dma_wait3A_83, %dma_wait3A_84] : memref<2x128x128xf32, #tpu.memory_space<vmem>> -> memref<1x128x128xf32, #tpu.memory_space<vmem>>
      %dma_wait3A_86 = tpu.memref_squeeze %dma_wait3A_85 : memref<1x128x128xf32, #tpu.memory_space<vmem>> -> memref<128x128xf32, #tpu.memory_space<vmem>>
      %dma_wait3A_87 = arith.constant 0 : i32
      %dma_wait3A_88 = tpu.memref_slice %arg7[%dma_wait3A_81, %dma_wait3A_87] : memref<2x128xi32, #tpu.memory_space<vmem>> -> memref<1x128xi32, #tpu.memory_space<vmem>>
      %dma_wait3A_89 = tpu.memref_squeeze %dma_wait3A_88 : memref<1x128xi32, #tpu.memory_space<vmem>> -> memref<128xi32, #tpu.memory_space<vmem>>
      %dma_wait3A_90 = arith.constant 0 : i32
      %dma_wait3A_91 = arith.constant 0 : i32
      %dma_wait3A_92 = tpu.memref_slice %arg2[%dma_wait3A_90, %dma_wait3A_91] : memref<10000x128xf32, #tpu.memory_space<hbm>> -> memref<10000x128xf32, #tpu.memory_space<hbm>>
      tpu.wait_indirect_dma semaphore(%arg15 : memref<!tpu.dma_semaphore, #tpu.memory_space<semaphore_mem>>) src(%dma_wait3A_92 : memref<10000x128xf32, #tpu.memory_space<hbm>>) dst(%dma_wait3A_86 : memref<128x128xf32, #tpu.memory_space<vmem>>)
      %run_scoped3A_93 = arith.constant 1 : i32
      %run_scoped3A_94 = arith.constant 1 : i32
      "tpu.region"() ({
        %run_scoped3A_95 = tpu.sem_alloc : memref<!tpu.dma_semaphore, #tpu.memory_space<semaphore_mem>>
        %dma_start3A_96 = arith.constant 0 : i32
        %dma_start3A_97 = arith.constant 0 : i32
        %dma_start3A_98 = tpu.memref_slice %arg9[%run_scoped3A_93, %dma_start3A_96, %dma_start3A_97] : memref<2x128x128xf32, #tpu.memory_space<vmem>> -> memref<1x128x128xf32, #tpu.memory_space<vmem>>
        %dma_start3A_99 = tpu.memref_squeeze %dma_start3A_98 : memref<1x128x128xf32, #tpu.memory_space<vmem>> -> memref<128x128xf32, #tpu.memory_space<vmem>>
        %dma_start3A_100 = arith.constant 0 : i32
        %dma_start3A_101 = tpu.memref_slice %arg8[%run_scoped3A_94, %dma_start3A_100] : memref<2x128xi32, #tpu.memory_space<vmem>> -> memref<1x128xi32, #tpu.memory_space<vmem>>
        %dma_start3A_102 = tpu.memref_squeeze %dma_start3A_101 : memref<1x128xi32, #tpu.memory_space<vmem>> -> memref<128xi32, #tpu.memory_space<vmem>>
        %dma_start3A_103 = arith.constant 0 : i32
        %dma_start3A_104 = arith.constant 0 : i32
        %dma_start3A_105 = tpu.memref_slice %arg13[%dma_start3A_103, %dma_start3A_104] : memref<10000x128xf32, #tpu.memory_space<vmem_shared>> -> memref<10000x128xf32, #tpu.memory_space<vmem_shared>>
        tpu.enqueue_indirect_dma source(%dma_start3A_99 : memref<128x128xf32, #tpu.memory_space<vmem>>) target(%dma_start3A_105 : memref<10000x128xf32, #tpu.memory_space<vmem_shared>>) offsets(%dma_start3A_102 : memref<128xi32, #tpu.memory_space<vmem>>) semaphore(%run_scoped3A_95 : memref<!tpu.dma_semaphore, #tpu.memory_space<semaphore_mem>>) {add = true}
        %dma_wait3A_106 = arith.constant 0 : i32
        %dma_wait3A_107 = arith.constant 0 : i32
        %dma_wait3A_108 = tpu.memref_slice %arg9[%run_scoped3A_93, %dma_wait3A_106, %dma_wait3A_107] : memref<2x128x128xf32, #tpu.memory_space<vmem>> -> memref<1x128x128xf32, #tpu.memory_space<vmem>>
        %dma_wait3A_109 = tpu.memref_squeeze %dma_wait3A_108 : memref<1x128x128xf32, #tpu.memory_space<vmem>> -> memref<128x128xf32, #tpu.memory_space<vmem>>
        %dma_wait3A_110 = arith.constant 0 : i32
        %dma_wait3A_111 = tpu.memref_slice %arg8[%run_scoped3A_94, %dma_wait3A_110] : memref<2x128xi32, #tpu.memory_space<vmem>> -> memref<1x128xi32, #tpu.memory_space<vmem>>
        %dma_wait3A_112 = tpu.memref_squeeze %dma_wait3A_111 : memref<1x128xi32, #tpu.memory_space<vmem>> -> memref<128xi32, #tpu.memory_space<vmem>>
        %dma_wait3A_113 = arith.constant 0 : i32
        %dma_wait3A_114 = arith.constant 0 : i32
        %dma_wait3A_115 = tpu.memref_slice %arg13[%dma_wait3A_113, %dma_wait3A_114] : memref<10000x128xf32, #tpu.memory_space<vmem_shared>> -> memref<10000x128xf32, #tpu.memory_space<vmem_shared>>
        tpu.wait_indirect_dma semaphore(%run_scoped3A_95 : memref<!tpu.dma_semaphore, #tpu.memory_space<semaphore_mem>>) src(%dma_wait3A_109 : memref<128x128xf32, #tpu.memory_space<vmem>>) dst(%dma_wait3A_115 : memref<10000x128xf32, #tpu.memory_space<vmem_shared>>)
        tpu.yield
      }) : () -> ()
    }
    %scan3A_25 = arith.constant 39 : i32
    %add3A_26 = arith.constant 9984 : i32
    %add3A_27 = arith.addi %mul3A_4, %add3A_26 : i32
    "tpu.region"() ({
      %run_scoped3A_41 = tpu.sem_alloc : memref<!tpu.dma_semaphore, #tpu.memory_space<semaphore_mem>>
      %dma_start3A_42 = tpu.memref_slice %arg3[%add3A_27] : memref<320000xi32, #tpu.memory_space<hbm>> -> memref<16xi32, #tpu.memory_space<hbm>>
      %dma_start3A_43 = tpu.memref_slice %arg3[%add3A_27] : memref<320000xi32, #tpu.memory_space<hbm>> -> memref<16xi32, #tpu.memory_space<hbm>>
      tpu.enqueue_dma source(%dma_start3A_43 : memref<16xi32, #tpu.memory_space<hbm>>) target(%arg10 : memref<16xi32, #tpu.memory_space<vmem>>) target_semaphore(%run_scoped3A_41 : memref<!tpu.dma_semaphore, #tpu.memory_space<semaphore_mem>>)
      %dma_wait3A_44 = tpu.memref_slice %arg3[%add3A_27] : memref<320000xi32, #tpu.memory_space<hbm>> -> memref<16xi32, #tpu.memory_space<hbm>>
      %dma_wait3A_45 = tpu.memref_slice %arg3[%add3A_27] : memref<320000xi32, #tpu.memory_space<hbm>> -> memref<16xi32, #tpu.memory_space<hbm>>
      tpu.wait_dma2 semaphore(%run_scoped3A_41 : memref<!tpu.dma_semaphore, #tpu.memory_space<semaphore_mem>>) src(%dma_wait3A_45 : memref<16xi32, #tpu.memory_space<hbm>>) dst(%arg10 : memref<16xi32, #tpu.memory_space<vmem>>)
      tpu.yield
    }) : () -> ()
    %dma_start3A_28 = arith.constant 0 : i32
    %dma_start3A_29 = arith.constant 0 : i32
    %dma_start3A_30 = tpu.memref_slice %arg2[%dma_start3A_28, %dma_start3A_29] : memref<10000x128xf32, #tpu.memory_space<hbm>> -> memref<10000x128xf32, #tpu.memory_space<hbm>>
    tpu.enqueue_indirect_dma source(%dma_start3A_30 : memref<10000x128xf32, #tpu.memory_space<hbm>>) target(%arg12 : memref<16x128xf32, #tpu.memory_space<vmem>>) offsets(%arg10 : memref<16xi32, #tpu.memory_space<vmem>>) semaphore(%arg14 : memref<!tpu.dma_semaphore, #tpu.memory_space<semaphore_mem>>)
    %dma_wait3A = arith.constant 0 : i32
    %dma_wait3A_31 = arith.constant 0 : i32
    %dma_wait3A_32 = tpu.memref_slice %arg2[%dma_wait3A, %dma_wait3A_31] : memref<10000x128xf32, #tpu.memory_space<hbm>> -> memref<10000x128xf32, #tpu.memory_space<hbm>>
    tpu.wait_indirect_dma semaphore(%arg14 : memref<!tpu.dma_semaphore, #tpu.memory_space<semaphore_mem>>) src(%dma_wait3A_32 : memref<10000x128xf32, #tpu.memory_space<hbm>>) dst(%arg12 : memref<16x128xf32, #tpu.memory_space<vmem>>)
    %run_scoped3A_33 = arith.constant 0 : i32
    "tpu.region"() ({
      %run_scoped3A_41 = tpu.sem_alloc : memref<!tpu.dma_semaphore, #tpu.memory_space<semaphore_mem>>
      %dma_start3A_42 = arith.constant 0 : i32
      %dma_start3A_43 = tpu.memref_slice %arg11[%run_scoped3A_33, %dma_start3A_42] : memref<1x16xi32, #tpu.memory_space<vmem>> -> memref<1x16xi32, #tpu.memory_space<vmem>>
      %dma_start3A_44 = tpu.memref_squeeze %dma_start3A_43 : memref<1x16xi32, #tpu.memory_space<vmem>> -> memref<16xi32, #tpu.memory_space<vmem>>
      %dma_start3A_45 = tpu.memref_slice %arg4[%add3A_27] : memref<320000xi32, #tpu.memory_space<hbm>> -> memref<16xi32, #tpu.memory_space<hbm>>
      %dma_start3A_46 = arith.constant 0 : i32
      %dma_start3A_47 = tpu.memref_slice %arg11[%run_scoped3A_33, %dma_start3A_46] : memref<1x16xi32, #tpu.memory_space<vmem>> -> memref<1x16xi32, #tpu.memory_space<vmem>>
      %dma_start3A_48 = tpu.memref_squeeze %dma_start3A_47 : memref<1x16xi32, #tpu.memory_space<vmem>> -> memref<16xi32, #tpu.memory_space<vmem>>
      %dma_start3A_49 = tpu.memref_slice %arg4[%add3A_27] : memref<320000xi32, #tpu.memory_space<hbm>> -> memref<16xi32, #tpu.memory_space<hbm>>
      tpu.enqueue_dma source(%dma_start3A_49 : memref<16xi32, #tpu.memory_space<hbm>>) target(%dma_start3A_48 : memref<16xi32, #tpu.memory_space<vmem>>) target_semaphore(%run_scoped3A_41 : memref<!tpu.dma_semaphore, #tpu.memory_space<semaphore_mem>>)
      %dma_wait3A_50 = arith.constant 0 : i32
      %dma_wait3A_51 = tpu.memref_slice %arg11[%run_scoped3A_33, %dma_wait3A_50] : memref<1x16xi32, #tpu.memory_space<vmem>> -> memref<1x16xi32, #tpu.memory_space<vmem>>
      %dma_wait3A_52 = tpu.memref_squeeze %dma_wait3A_51 : memref<1x16xi32, #tpu.memory_space<vmem>> -> memref<16xi32, #tpu.memory_space<vmem>>
      %dma_wait3A_53 = tpu.memref_slice %arg4[%add3A_27] : memref<320000xi32, #tpu.memory_space<hbm>> -> memref<16xi32, #tpu.memory_space<hbm>>
      %dma_wait3A_54 = arith.constant 0 : i32
      %dma_wait3A_55 = tpu.memref_slice %arg11[%run_scoped3A_33, %dma_wait3A_54] : memref<1x16xi32, #tpu.memory_space<vmem>> -> memref<1x16xi32, #tpu.memory_space<vmem>>
      %dma_wait3A_56 = tpu.memref_squeeze %dma_wait3A_55 : memref<1x16xi32, #tpu.memory_space<vmem>> -> memref<16xi32, #tpu.memory_space<vmem>>
      %dma_wait3A_57 = tpu.memref_slice %arg4[%add3A_27] : memref<320000xi32, #tpu.memory_space<hbm>> -> memref<16xi32, #tpu.memory_space<hbm>>
      tpu.wait_dma2 semaphore(%run_scoped3A_41 : memref<!tpu.dma_semaphore, #tpu.memory_space<semaphore_mem>>) src(%dma_wait3A_57 : memref<16xi32, #tpu.memory_space<hbm>>) dst(%dma_wait3A_56 : memref<16xi32, #tpu.memory_space<vmem>>)
      tpu.yield
    }) : () -> ()
    %run_scoped3A_34 = arith.constant 0 : i32
    "tpu.region"() ({
      %run_scoped3A_41 = tpu.sem_alloc : memref<!tpu.dma_semaphore, #tpu.memory_space<semaphore_mem>>
      %dma_start3A_42 = arith.constant 0 : i32
      %dma_start3A_43 = tpu.memref_slice %arg11[%run_scoped3A_34, %dma_start3A_42] : memref<1x16xi32, #tpu.memory_space<vmem>> -> memref<1x16xi32, #tpu.memory_space<vmem>>
      %dma_start3A_44 = tpu.memref_squeeze %dma_start3A_43 : memref<1x16xi32, #tpu.memory_space<vmem>> -> memref<16xi32, #tpu.memory_space<vmem>>
      %dma_start3A_45 = arith.constant 0 : i32
      %dma_start3A_46 = arith.constant 0 : i32
      %dma_start3A_47 = tpu.memref_slice %arg13[%dma_start3A_45, %dma_start3A_46] : memref<10000x128xf32, #tpu.memory_space<vmem_shared>> -> memref<10000x128xf32, #tpu.memory_space<vmem_shared>>
      tpu.enqueue_indirect_dma source(%arg12 : memref<16x128xf32, #tpu.memory_space<vmem>>) target(%dma_start3A_47 : memref<10000x128xf32, #tpu.memory_space<vmem_shared>>) offsets(%dma_start3A_44 : memref<16xi32, #tpu.memory_space<vmem>>) semaphore(%run_scoped3A_41 : memref<!tpu.dma_semaphore, #tpu.memory_space<semaphore_mem>>) {add = true}
      %dma_wait3A_48 = arith.constant 0 : i32
      %dma_wait3A_49 = tpu.memref_slice %arg11[%run_scoped3A_34, %dma_wait3A_48] : memref<1x16xi32, #tpu.memory_space<vmem>> -> memref<1x16xi32, #tpu.memory_space<vmem>>
      %dma_wait3A_50 = tpu.memref_squeeze %dma_wait3A_49 : memref<1x16xi32, #tpu.memory_space<vmem>> -> memref<16xi32, #tpu.memory_space<vmem>>
      %dma_wait3A_51 = arith.constant 0 : i32
      %dma_wait3A_52 = arith.constant 0 : i32
      %dma_wait3A_53 = tpu.memref_slice %arg13[%dma_wait3A_51, %dma_wait3A_52] : memref<10000x128xf32, #tpu.memory_space<vmem_shared>> -> memref<10000x128xf32, #tpu.memory_space<vmem_shared>>
      tpu.wait_indirect_dma semaphore(%run_scoped3A_41 : memref<!tpu.dma_semaphore, #tpu.memory_space<semaphore_mem>>) src(%arg12 : memref<16x128xf32, #tpu.memory_space<vmem>>) dst(%dma_wait3A_53 : memref<10000x128xf32, #tpu.memory_space<vmem_shared>>)
      tpu.yield
    }) : () -> ()
    %barrier3A_35 = arith.constant 0 : index
    tpu.barrier barrier_id(%barrier3A_35)
    "tpu.region"() ({
      %run_scoped3A_41 = tpu.sem_alloc : memref<!tpu.dma_semaphore, #tpu.memory_space<semaphore_mem>>
      %dma_start3A_42 = arith.constant 0 : i32
      %dma_start3A_43 = arith.constant 0 : i32
      %dma_start3A_44 = tpu.memref_slice %arg6[%arg0, %dma_start3A_42, %dma_start3A_43] : memref<2x10000x128xf32, #tpu.memory_space<hbm>> -> memref<1x10000x128xf32, #tpu.memory_space<hbm>>
      %dma_start3A_45 = tpu.memref_squeeze %dma_start3A_44 : memref<1x10000x128xf32, #tpu.memory_space<hbm>> -> memref<10000x128xf32, #tpu.memory_space<hbm>>
      %dma_start3A_46 = arith.constant 0 : i32
      %dma_start3A_47 = tpu.memref_slice %dma_start3A_45[%mul3A_2, %dma_start3A_46] : memref<10000x128xf32, #tpu.memory_space<hbm>> -> memref<624x128xf32, #tpu.memory_space<hbm>>
      %dma_start3A_48 = arith.constant 0 : i32
      %dma_start3A_49 = tpu.memref_slice %arg13[%mul3A_2, %dma_start3A_48] : memref<10000x128xf32, #tpu.memory_space<vmem_shared>> -> memref<624x128xf32, #tpu.memory_space<vmem_shared>>
      tpu.enqueue_dma source(%dma_start3A_49 : memref<624x128xf32, #tpu.memory_space<vmem_shared>>) target(%dma_start3A_47 : memref<624x128xf32, #tpu.memory_space<hbm>>) target_semaphore(%run_scoped3A_41 : memref<!tpu.dma_semaphore, #tpu.memory_space<semaphore_mem>>)
      %dma_wait3A_50 = arith.constant 0 : i32
      %dma_wait3A_51 = arith.constant 0 : i32
      %dma_wait3A_52 = tpu.memref_slice %arg6[%arg0, %dma_wait3A_50, %dma_wait3A_51] : memref<2x10000x128xf32, #tpu.memory_space<hbm>> -> memref<1x10000x128xf32, #tpu.memory_space<hbm>>
      %dma_wait3A_53 = tpu.memref_squeeze %dma_wait3A_52 : memref<1x10000x128xf32, #tpu.memory_space<hbm>> -> memref<10000x128xf32, #tpu.memory_space<hbm>>
      %dma_wait3A_54 = arith.constant 0 : i32
      %dma_wait3A_55 = tpu.memref_slice %dma_wait3A_53[%mul3A_2, %dma_wait3A_54] : memref<10000x128xf32, #tpu.memory_space<hbm>> -> memref<624x128xf32, #tpu.memory_space<hbm>>
      %dma_wait3A_56 = arith.constant 0 : i32
      %dma_wait3A_57 = tpu.memref_slice %arg13[%mul3A_2, %dma_wait3A_56] : memref<10000x128xf32, #tpu.memory_space<vmem_shared>> -> memref<624x128xf32, #tpu.memory_space<vmem_shared>>
      tpu.wait_dma2 semaphore(%run_scoped3A_41 : memref<!tpu.dma_semaphore, #tpu.memory_space<semaphore_mem>>) src(%dma_wait3A_57 : memref<624x128xf32, #tpu.memory_space<vmem_shared>>) dst(%dma_wait3A_55 : memref<624x128xf32, #tpu.memory_space<hbm>>)
      tpu.yield
    }) : () -> ()
    %eq3A_36 = arith.constant 15 : i32
    %eq3A_37 = arith.cmpi eq, %arg1, %eq3A_36 : i32
    %convert_element_type3A_38 = arith.extui %eq3A_37 : i1 to i32
    %cond3A_39 = arith.constant 0 : i32
    %cond3A_40 = arith.cmpi ne, %convert_element_type3A_38, %cond3A_39 : i32
    scf.if %cond3A_40 {
      "tpu.region"() ({
        %run_scoped3A_41 = tpu.sem_alloc : memref<!tpu.dma_semaphore, #tpu.memory_space<semaphore_mem>>
        %dma_start3A_42 = arith.constant 0 : i32
        %dma_start3A_43 = arith.constant 0 : i32
        %dma_start3A_44 = tpu.memref_slice %arg6[%arg0, %dma_start3A_42, %dma_start3A_43] : memref<2x10000x128xf32, #tpu.memory_space<hbm>> -> memref<1x10000x128xf32, #tpu.memory_space<hbm>>
        %dma_start3A_45 = tpu.memref_squeeze %dma_start3A_44 : memref<1x10000x128xf32, #tpu.memory_space<hbm>> -> memref<10000x128xf32, #tpu.memory_space<hbm>>
        %dma_start3A_46 = arith.constant 9984 : i32
        %dma_start3A_47 = arith.constant 0 : i32
        %dma_start3A_48 = tpu.memref_slice %dma_start3A_45[%dma_start3A_46, %dma_start3A_47] : memref<10000x128xf32, #tpu.memory_space<hbm>> -> memref<16x128xf32, #tpu.memory_space<hbm>>
        %dma_start3A_49 = arith.constant 9984 : i32
        %dma_start3A_50 = arith.constant 0 : i32
        %dma_start3A_51 = tpu.memref_slice %arg13[%dma_start3A_49, %dma_start3A_50] : memref<10000x128xf32, #tpu.memory_space<vmem_shared>> -> memref<16x128xf32, #tpu.memory_space<vmem_shared>>
        tpu.enqueue_dma source(%dma_start3A_51 : memref<16x128xf32, #tpu.memory_space<vmem_shared>>) target(%dma_start3A_48 : memref<16x128xf32, #tpu.memory_space<hbm>>) target_semaphore(%run_scoped3A_41 : memref<!tpu.dma_semaphore, #tpu.memory_space<semaphore_mem>>)
        %dma_wait3A_52 = arith.constant 0 : i32
        %dma_wait3A_53 = arith.constant 0 : i32
        %dma_wait3A_54 = tpu.memref_slice %arg6[%arg0, %dma_wait3A_52, %dma_wait3A_53] : memref<2x10000x128xf32, #tpu.memory_space<hbm>> -> memref<1x10000x128xf32, #tpu.memory_space<hbm>>
        %dma_wait3A_55 = tpu.memref_squeeze %dma_wait3A_54 : memref<1x10000x128xf32, #tpu.memory_space<hbm>> -> memref<10000x128xf32, #tpu.memory_space<hbm>>
        %dma_wait3A_56 = arith.constant 9984 : i32
        %dma_wait3A_57 = arith.constant 0 : i32
        %dma_wait3A_58 = tpu.memref_slice %dma_wait3A_55[%dma_wait3A_56, %dma_wait3A_57] : memref<10000x128xf32, #tpu.memory_space<hbm>> -> memref<16x128xf32, #tpu.memory_space<hbm>>
        %dma_wait3A_59 = arith.constant 9984 : i32
        %dma_wait3A_60 = arith.constant 0 : i32
        %dma_wait3A_61 = tpu.memref_slice %arg13[%dma_wait3A_59, %dma_wait3A_60] : memref<10000x128xf32, #tpu.memory_space<vmem_shared>> -> memref<16x128xf32, #tpu.memory_space<vmem_shared>>
        tpu.wait_dma2 semaphore(%run_scoped3A_41 : memref<!tpu.dma_semaphore, #tpu.memory_space<semaphore_mem>>) src(%dma_wait3A_61 : memref<16x128xf32, #tpu.memory_space<vmem_shared>>) dst(%dma_wait3A_58 : memref<16x128xf32, #tpu.memory_space<hbm>>)
        tpu.yield
      }) : () -> ()
    } else {
    }
    return
  }
}

module attributes {stable_mosaic.version = 14 : i64} {
  func.func @body(%arg0: i32, %arg1: memref<1000x128xf32, #tpu.memory_space<vmem>>, %arg2: memref<128x128xf32, #tpu.memory_space<vmem>>, %arg3: memref<2x1000x16xf32, #tpu.memory_space<vmem>>, %arg4: memref<1000x128xf32, #tpu.memory_space<vmem>>) attributes {dimension_semantics = [#tpu.dimension_semantics<arbitrary>], iteration_bounds = array<i64: 10>, scalar_prefetch = 0 : i64, scratch_operands = 0 : i64, tpu.core_type = #tpu.core_type<tc>, window_params = [{transform_indices = @transform_0, window_bounds = array<i64: 1000, 128>}, {pipeline_mode = #tpu.pipeline_mode<synchronous>, transform_indices = @transform_1, window_bounds = array<i64: 128, 128>}, {transform_indices = @transform_2, window_bounds = array<i64: 2, 1000, 16>}, {transform_indices = @transform_3, window_bounds = array<i64: 1000, 128>}]} {
    %get3A = arith.constant 0 : index
    %get3A_0 = arith.constant 0 : index
    %get3A_1 = vector.load %arg1[%get3A, %get3A_0] : memref<1000x128xf32, #tpu.memory_space<vmem>>, vector<1000x128xf32>
    %get3A_2 = arith.constant 0 : index
    %get3A_3 = arith.constant 0 : index
    %get3A_4 = vector.load %arg2[%get3A_2, %get3A_3] : memref<128x128xf32, #tpu.memory_space<vmem>>, vector<128x128xf32>
    %dot_general3A = arith.constant dense<0.000000e+00> : vector<1000x128xf32>
    %dot_general3A_5 = tpu.matmul %get3A_1, %get3A_4, %dot_general3A {dimension_numbers = #tpu.dot_dimension_numbers<[1], [0], [0], [1], [0, 0, 1, 1], [], []>, transpose_lhs_hint = false} : vector<1000x128xf32>, vector<128x128xf32>, vector<1000x128xf32> -> vector<1000x128xf32>
    %get3A_6 = arith.constant 0 : index
    %get3A_7 = arith.constant 0 : index
    %get3A_8 = arith.constant 0 : index
    %get3A_9 = vector.load %arg3[%get3A_6, %get3A_7, %get3A_8] : memref<2x1000x16xf32, #tpu.memory_space<vmem>>, vector<1x1000x1xf32>
    %get3A_10 = vector.shape_cast %get3A_9 : vector<1x1000x1xf32> to vector<1000x1xf32>
    %get3A_11 = arith.constant 1 : index
    %get3A_12 = arith.constant 0 : index
    %get3A_13 = arith.constant 0 : index
    %get3A_14 = vector.load %arg3[%get3A_11, %get3A_12, %get3A_13] : memref<2x1000x16xf32, #tpu.memory_space<vmem>>, vector<1x1000x1xf32>
    %get3A_15 = vector.shape_cast %get3A_14 : vector<1x1000x1xf32> to vector<1000x1xf32>
    %add3A = arith.addf %get3A_10, %get3A_15 : vector<1000x1xf32>
    %add3A_16 = arith.constant 1.000000e+00 : f32
    %add3A_17 = vector.broadcast %add3A_16 : f32 to vector<1000x1xf32>
    %add3A_18 = arith.addf %add3A, %add3A_17 : vector<1000x1xf32>
    %rsqrt3A = math.rsqrt %add3A_18 : vector<1000x1xf32>
    %mul3A = vector.broadcast %rsqrt3A : vector<1000x1xf32> to vector<1000x128xf32>
    %mul3A_19 = arith.mulf %dot_general3A_5, %mul3A : vector<1000x128xf32>
    %swap3A = arith.constant 0 : index
    %swap3A_20 = arith.constant 0 : index
    %swap3A_21 = vector.load %arg4[%swap3A, %swap3A_20] : memref<1000x128xf32, #tpu.memory_space<vmem>>, vector<1000x128xf32>
    tpu.vector_store %arg4[%swap3A, %swap3A_20], %mul3A_19 {strides = array<i32>} : memref<1000x128xf32, #tpu.memory_space<vmem>>, vector<1000x128xf32>,
    return
  }
  func.func @transform_0(%arg0: i32) -> (i32, i32) {
    %c0_i32 = arith.constant 0 : i32
    %c0_i32_0 = arith.constant 0 : i32
    return %arg0, %c0_i32 : i32, i32
  }
  func.func @transform_1(%arg0: i32) -> (i32, i32) {
    %c0_i32 = arith.constant 0 : i32
    %c0_i32_0 = arith.constant 0 : i32
    %c0_i32_1 = arith.constant 0 : i32
    return %c0_i32, %c0_i32_0 : i32, i32
  }
  func.func @transform_2(%arg0: i32) -> (i32, i32, i32) {
    %c0_i32 = arith.constant 0 : i32
    %c0_i32_0 = arith.constant 0 : i32
    %c0_i32_1 = arith.constant 0 : i32
    return %c0_i32, %arg0, %c0_i32_0 : i32, i32, i32
  }
  func.func @transform_3(%arg0: i32) -> (i32, i32) {
    %c0_i32 = arith.constant 0 : i32
    %c0_i32_0 = arith.constant 0 : i32
    return %arg0, %c0_i32 : i32, i32
  }
}

module attributes {stable_mosaic.version = 14 : i64} {
  func.func @body(%arg0: i32, %arg1: memref<2x1000x128xf32, #tpu.memory_space<vmem>>, %arg2: memref<1000x128xf32, #tpu.memory_space<vmem>>, %arg3: memref<2x1000x16xf32, #tpu.memory_space<vmem>>, %arg4: memref<128x128xf32, #tpu.memory_space<vmem>>, %arg5: memref<1000x128xf32, #tpu.memory_space<vmem>>) attributes {dimension_semantics = [#tpu.dimension_semantics<arbitrary>], iteration_bounds = array<i64: 10>, scalar_prefetch = 0 : i64, scratch_operands = 0 : i64, tpu.core_type = #tpu.core_type<tc>, window_params = [{transform_indices = @transform_0, window_bounds = array<i64: 2, 1000, 128>}, {transform_indices = @transform_1, window_bounds = array<i64: 1000, 128>}, {transform_indices = @transform_2, window_bounds = array<i64: 2, 1000, 16>}, {pipeline_mode = #tpu.pipeline_mode<synchronous>, transform_indices = @transform_3, window_bounds = array<i64: 128, 128>}, {transform_indices = @transform_4, window_bounds = array<i64: 1000, 128>}]} {
    %get3A = arith.constant 0 : index
    %get3A_0 = arith.constant 0 : index
    %get3A_1 = arith.constant 0 : index
    %get3A_2 = vector.load %arg3[%get3A, %get3A_0, %get3A_1] : memref<2x1000x16xf32, #tpu.memory_space<vmem>>, vector<1x1000x1xf32>
    %get3A_3 = vector.shape_cast %get3A_2 : vector<1x1000x1xf32> to vector<1000x1xf32>
    %get3A_4 = arith.constant 1 : index
    %get3A_5 = arith.constant 0 : index
    %get3A_6 = arith.constant 0 : index
    %get3A_7 = vector.load %arg3[%get3A_4, %get3A_5, %get3A_6] : memref<2x1000x16xf32, #tpu.memory_space<vmem>>, vector<1x1000x1xf32>
    %get3A_8 = vector.shape_cast %get3A_7 : vector<1x1000x1xf32> to vector<1000x1xf32>
    %add3A = arith.addf %get3A_3, %get3A_8 : vector<1000x1xf32>
    %add3A_9 = arith.constant 1.000000e+00 : f32
    %add3A_10 = vector.broadcast %add3A_9 : f32 to vector<1000x1xf32>
    %add3A_11 = arith.addf %add3A, %add3A_10 : vector<1000x1xf32>
    %rsqrt3A = math.rsqrt %add3A_11 : vector<1000x1xf32>
    %get3A_12 = arith.constant 0 : index
    %get3A_13 = arith.constant 0 : index
    %get3A_14 = arith.constant 0 : index
    %get3A_15 = vector.load %arg1[%get3A_12, %get3A_13, %get3A_14] : memref<2x1000x128xf32, #tpu.memory_space<vmem>>, vector<1x1000x128xf32>
    %get3A_16 = vector.shape_cast %get3A_15 : vector<1x1000x128xf32> to vector<1000x128xf32>
    %get3A_17 = arith.constant 1 : index
    %get3A_18 = arith.constant 0 : index
    %get3A_19 = arith.constant 0 : index
    %get3A_20 = vector.load %arg1[%get3A_17, %get3A_18, %get3A_19] : memref<2x1000x128xf32, #tpu.memory_space<vmem>>, vector<1x1000x128xf32>
    %get3A_21 = vector.shape_cast %get3A_20 : vector<1x1000x128xf32> to vector<1000x128xf32>
    %add3A_22 = arith.addf %get3A_16, %get3A_21 : vector<1000x128xf32>
    %get3A_23 = arith.constant 0 : index
    %get3A_24 = arith.constant 0 : index
    %get3A_25 = vector.load %arg2[%get3A_23, %get3A_24] : memref<1000x128xf32, #tpu.memory_space<vmem>>, vector<1000x128xf32>
    %add3A_26 = arith.addf %add3A_22, %get3A_25 : vector<1000x128xf32>
    %mul3A = vector.broadcast %rsqrt3A : vector<1000x1xf32> to vector<1000x128xf32>
    %mul3A_27 = arith.mulf %mul3A, %add3A_26 : vector<1000x128xf32>
    %max3A = arith.constant 0.000000e+00 : f32
    %max3A_28 = vector.broadcast %max3A : f32 to vector<1000x128xf32>
    %max3A_29 = arith.maximumf %mul3A_27, %max3A_28 : vector<1000x128xf32>
    %get3A_30 = arith.constant 0 : index
    %get3A_31 = arith.constant 0 : index
    %get3A_32 = vector.load %arg4[%get3A_30, %get3A_31] : memref<128x128xf32, #tpu.memory_space<vmem>>, vector<128x128xf32>
    %dot_general3A = arith.constant dense<0.000000e+00> : vector<1000x128xf32>
    %dot_general3A_33 = tpu.matmul %max3A_29, %get3A_32, %dot_general3A {dimension_numbers = #tpu.dot_dimension_numbers<[1], [0], [0], [1], [0, 0, 1, 1], [], []>, transpose_lhs_hint = false} : vector<1000x128xf32>, vector<128x128xf32>, vector<1000x128xf32> -> vector<1000x128xf32>
    %mul3A_34 = vector.broadcast %rsqrt3A : vector<1000x1xf32> to vector<1000x128xf32>
    %mul3A_35 = arith.mulf %dot_general3A_33, %mul3A_34 : vector<1000x128xf32>
    %swap3A = arith.constant 0 : index
    %swap3A_36 = arith.constant 0 : index
    %swap3A_37 = vector.load %arg5[%swap3A, %swap3A_36] : memref<1000x128xf32, #tpu.memory_space<vmem>>, vector<1000x128xf32>
    tpu.vector_store %arg5[%swap3A, %swap3A_36], %mul3A_35 {strides = array<i32>} : memref<1000x128xf32, #tpu.memory_space<vmem>>, vector<1000x128xf32>,
    return
  }
  func.func @transform_0(%arg0: i32) -> (i32, i32, i32) {
    %c0_i32 = arith.constant 0 : i32
    %c0_i32_0 = arith.constant 0 : i32
    %c0_i32_1 = arith.constant 0 : i32
    return %c0_i32, %arg0, %c0_i32_0 : i32, i32, i32
  }
  func.func @transform_1(%arg0: i32) -> (i32, i32) {
    %c0_i32 = arith.constant 0 : i32
    %c0_i32_0 = arith.constant 0 : i32
    return %arg0, %c0_i32 : i32, i32
  }
  func.func @transform_2(%arg0: i32) -> (i32, i32, i32) {
    %c0_i32 = arith.constant 0 : i32
    %c0_i32_0 = arith.constant 0 : i32
    %c0_i32_1 = arith.constant 0 : i32
    return %c0_i32, %arg0, %c0_i32_0 : i32, i32, i32
  }
  func.func @transform_3(%arg0: i32) -> (i32, i32) {
    %c0_i32 = arith.constant 0 : i32
    %c0_i32_0 = arith.constant 0 : i32
    %c0_i32_1 = arith.constant 0 : i32
    return %c0_i32, %c0_i32_0 : i32, i32
  }
  func.func @transform_4(%arg0: i32) -> (i32, i32) {
    %c0_i32 = arith.constant 0 : i32
    %c0_i32_0 = arith.constant 0 : i32
    return %arg0, %c0_i32 : i32, i32
  }
}

module attributes {stable_mosaic.version = 14 : i64} {
  func.func @body(%arg0: i32, %arg1: memref<2x1000x128xf32, #tpu.memory_space<vmem>>, %arg2: memref<1000x128xf32, #tpu.memory_space<vmem>>, %arg3: memref<2x1000x16xf32, #tpu.memory_space<vmem>>, %arg4: memref<1x1x1000xi32, #tpu.memory_space<vmem>>, %arg5: memref<128x128xf32, #tpu.memory_space<vmem>>, %arg6: memref<1x128xf32, #tpu.memory_space<vmem>>, %arg7: memref<128x128xf32, #tpu.memory_space<vmem>>, %arg8: memref<1x128xf32, #tpu.memory_space<vmem>>, %arg9: memref<64x128xf32, #tpu.memory_space<vmem>>, %arg10: memref<64x128xf32, #tpu.memory_space<vmem>>, %arg11: memref<64x1xf32, #tpu.memory_space<vmem>>) attributes {dimension_semantics = [#tpu.dimension_semantics<arbitrary>], iteration_bounds = array<i64: 10>, scalar_prefetch = 0 : i64, scratch_operands = 2 : i64, tpu.core_type = #tpu.core_type<tc>, window_params = [{transform_indices = @transform_0, window_bounds = array<i64: 2, 1000, 128>}, {transform_indices = @transform_1, window_bounds = array<i64: 1000, 128>}, {transform_indices = @transform_2, window_bounds = array<i64: 2, 1000, 16>}, {transform_indices = @transform_3, window_bounds = array<i64: 1, 1, 1000>}, {pipeline_mode = #tpu.pipeline_mode<synchronous>, transform_indices = @transform_4, window_bounds = array<i64: 128, 128>}, {pipeline_mode = #tpu.pipeline_mode<synchronous>, transform_indices = @transform_5, window_bounds = array<i64: 1, 128>}, {pipeline_mode = #tpu.pipeline_mode<synchronous>, transform_indices = @transform_6, window_bounds = array<i64: 128, 128>}, {pipeline_mode = #tpu.pipeline_mode<synchronous>, transform_indices = @transform_7, window_bounds = array<i64: 1, 128>}, {pipeline_mode = #tpu.pipeline_mode<synchronous>, transform_indices = @transform_8, window_bounds = array<i64: 64, 128>}]} {
    %eq3A = arith.constant 0 : i32
    %eq3A_0 = arith.cmpi eq, %arg0, %eq3A : i32
    %convert_element_type3A = arith.extui %eq3A_0 : i1 to i32
    %cond3A = arith.constant 0 : i32
    %cond3A_1 = arith.cmpi ne, %convert_element_type3A, %cond3A : i32
    scf.if %cond3A_1 {
      %broadcast_in_dim3A_60 = arith.constant 0.000000e+00 : f32
      %broadcast_in_dim3A_61 = vector.broadcast %broadcast_in_dim3A_60 : f32 to vector<64x128xf32>
      %swap3A_62 = arith.constant 0 : index
      %swap3A_63 = arith.constant 0 : index
      %swap3A_64 = vector.load %arg10[%swap3A_62, %swap3A_63] : memref<64x128xf32, #tpu.memory_space<vmem>>, vector<64x128xf32>
      tpu.vector_store %arg10[%swap3A_62, %swap3A_63], %broadcast_in_dim3A_61 {strides = array<i32>} : memref<64x128xf32, #tpu.memory_space<vmem>>, vector<64x128xf32>,
      %broadcast_in_dim3A_65 = arith.constant 0.000000e+00 : f32
      %broadcast_in_dim3A_66 = vector.broadcast %broadcast_in_dim3A_65 : f32 to vector<64x1xf32>
      %swap3A_67 = arith.constant 0 : index
      %swap3A_68 = arith.constant 0 : index
      %swap3A_69 = vector.load %arg11[%swap3A_67, %swap3A_68] : memref<64x1xf32, #tpu.memory_space<vmem>>, vector<64x1xf32>
      tpu.vector_store %arg11[%swap3A_67, %swap3A_68], %broadcast_in_dim3A_66 {strides = array<i32>} : memref<64x1xf32, #tpu.memory_space<vmem>>, vector<64x1xf32>,
    } else {
    }
    %get3A = arith.constant 0 : index
    %get3A_2 = arith.constant 0 : index
    %get3A_3 = arith.constant 0 : index
    %get3A_4 = vector.load %arg3[%get3A, %get3A_2, %get3A_3] : memref<2x1000x16xf32, #tpu.memory_space<vmem>>, vector<1x1000x1xf32>
    %get3A_5 = vector.shape_cast %get3A_4 : vector<1x1000x1xf32> to vector<1000x1xf32>
    %get3A_6 = arith.constant 1 : index
    %get3A_7 = arith.constant 0 : index
    %get3A_8 = arith.constant 0 : index
    %get3A_9 = vector.load %arg3[%get3A_6, %get3A_7, %get3A_8] : memref<2x1000x16xf32, #tpu.memory_space<vmem>>, vector<1x1000x1xf32>
    %get3A_10 = vector.shape_cast %get3A_9 : vector<1x1000x1xf32> to vector<1000x1xf32>
    %add3A = arith.addf %get3A_5, %get3A_10 : vector<1000x1xf32>
    %add3A_11 = arith.constant 1.000000e+00 : f32
    %add3A_12 = vector.broadcast %add3A_11 : f32 to vector<1000x1xf32>
    %add3A_13 = arith.addf %add3A, %add3A_12 : vector<1000x1xf32>
    %rsqrt3A = math.rsqrt %add3A_13 : vector<1000x1xf32>
    %get3A_14 = arith.constant 0 : index
    %get3A_15 = arith.constant 0 : index
    %get3A_16 = arith.constant 0 : index
    %get3A_17 = vector.load %arg1[%get3A_14, %get3A_15, %get3A_16] : memref<2x1000x128xf32, #tpu.memory_space<vmem>>, vector<1x1000x128xf32>
    %get3A_18 = vector.shape_cast %get3A_17 : vector<1x1000x128xf32> to vector<1000x128xf32>
    %get3A_19 = arith.constant 1 : index
    %get3A_20 = arith.constant 0 : index
    %get3A_21 = arith.constant 0 : index
    %get3A_22 = vector.load %arg1[%get3A_19, %get3A_20, %get3A_21] : memref<2x1000x128xf32, #tpu.memory_space<vmem>>, vector<1x1000x128xf32>
    %get3A_23 = vector.shape_cast %get3A_22 : vector<1x1000x128xf32> to vector<1000x128xf32>
    %add3A_24 = arith.addf %get3A_18, %get3A_23 : vector<1000x128xf32>
    %get3A_25 = arith.constant 0 : index
    %get3A_26 = arith.constant 0 : index
    %get3A_27 = vector.load %arg2[%get3A_25, %get3A_26] : memref<1000x128xf32, #tpu.memory_space<vmem>>, vector<1000x128xf32>
    %add3A_28 = arith.addf %add3A_24, %get3A_27 : vector<1000x128xf32>
    %mul3A = vector.broadcast %rsqrt3A : vector<1000x1xf32> to vector<1000x128xf32>
    %mul3A_29 = arith.mulf %mul3A, %add3A_28 : vector<1000x128xf32>
    %get3A_30 = arith.constant 0 : index
    %get3A_31 = arith.constant 0 : index
    %get3A_32 = arith.constant 0 : index
    %get3A_33 = vector.load %arg4[%get3A_30, %get3A_31, %get3A_32] : memref<1x1x1000xi32, #tpu.memory_space<vmem>>, vector<1x1x1000xi32>
    %get3A_34 = vector.shape_cast %get3A_33 : vector<1x1x1000xi32> to vector<1000xi32>
    %iota3A = tpu.iota {dimensions = array<i32: 0>} : vector<64x1000xi32>
    %broadcast_in_dim3A = vector.shape_cast %get3A_34 : vector<1000xi32> to vector<1x1000xi32>
    %eq3A_35 = vector.broadcast %broadcast_in_dim3A : vector<1x1000xi32> to vector<64x1000xi32>
    %eq3A_36 = arith.cmpi eq, %iota3A, %eq3A_35 : vector<64x1000xi32>
    %convert_element_type3A_37 = arith.extui %eq3A_36 : vector<64x1000xi1> to vector<64x1000xi32>
    %convert_element_type3A_38 = arith.sitofp %convert_element_type3A_37 : vector<64x1000xi32> to vector<64x1000xf32>
    %get3A_39 = arith.constant 0 : index
    %get3A_40 = arith.constant 0 : index
    %get3A_41 = vector.load %arg10[%get3A_39, %get3A_40] : memref<64x128xf32, #tpu.memory_space<vmem>>, vector<64x128xf32>
    %dot_general3A = arith.constant dense<0.000000e+00> : vector<64x128xf32>
    %dot_general3A_42 = tpu.matmul %convert_element_type3A_38, %mul3A_29, %dot_general3A {dimension_numbers = #tpu.dot_dimension_numbers<[1], [0], [0], [1], [0, 0, 1, 1], [], []>, transpose_lhs_hint = false} : vector<64x1000xf32>, vector<1000x128xf32>, vector<64x128xf32> -> vector<64x128xf32>
    %add3A_43 = arith.addf %get3A_41, %dot_general3A_42 : vector<64x128xf32>
    %swap3A = arith.constant 0 : index
    %swap3A_44 = arith.constant 0 : index
    %swap3A_45 = vector.load %arg10[%swap3A, %swap3A_44] : memref<64x128xf32, #tpu.memory_space<vmem>>, vector<64x128xf32>
    tpu.vector_store %arg10[%swap3A, %swap3A_44], %add3A_43 {strides = array<i32>} : memref<64x128xf32, #tpu.memory_space<vmem>>, vector<64x128xf32>,
    %get3A_46 = arith.constant 0 : index
    %get3A_47 = arith.constant 0 : index
    %get3A_48 = vector.load %arg11[%get3A_46, %get3A_47] : memref<64x1xf32, #tpu.memory_space<vmem>>, vector<64x1xf32>
    %reduce_sum3A = arith.constant dense<0.000000e+00> : vector<64xf32>
    %reduce_sum3A_49 = vector.multi_reduction <add>, %convert_element_type3A_38, %reduce_sum3A [1] : vector<64x1000xf32> to vector<64xf32>
    %broadcast_in_dim3A_50 = vector.shape_cast %reduce_sum3A_49 : vector<64xf32> to vector<64x1xf32>
    %add3A_51 = arith.addf %get3A_48, %broadcast_in_dim3A_50 : vector<64x1xf32>
    %swap3A_52 = arith.constant 0 : index
    %swap3A_53 = arith.constant 0 : index
    %swap3A_54 = vector.load %arg11[%swap3A_52, %swap3A_53] : memref<64x1xf32, #tpu.memory_space<vmem>>, vector<64x1xf32>
    tpu.vector_store %arg11[%swap3A_52, %swap3A_53], %add3A_51 {strides = array<i32>} : memref<64x1xf32, #tpu.memory_space<vmem>>, vector<64x1xf32>,
    %eq3A_55 = arith.constant 9 : i32
    %eq3A_56 = arith.cmpi eq, %arg0, %eq3A_55 : i32
    %convert_element_type3A_57 = arith.extui %eq3A_56 : i1 to i32
    %cond3A_58 = arith.constant 0 : i32
    %cond3A_59 = arith.cmpi ne, %convert_element_type3A_57, %cond3A_58 : i32
    scf.if %cond3A_59 {
      %get3A_60 = arith.constant 0 : index
      %get3A_61 = arith.constant 0 : index
      %get3A_62 = vector.load %arg10[%get3A_60, %get3A_61] : memref<64x128xf32, #tpu.memory_space<vmem>>, vector<64x128xf32>
      %get3A_63 = arith.constant 0 : index
      %get3A_64 = arith.constant 0 : index
      %get3A_65 = vector.load %arg11[%get3A_63, %get3A_64] : memref<64x1xf32, #tpu.memory_space<vmem>>, vector<64x1xf32>
      %max3A = arith.constant 1.000000e+00 : f32
      %max3A_66 = vector.broadcast %max3A : f32 to vector<64x1xf32>
      %max3A_67 = arith.maximumf %get3A_65, %max3A_66 : vector<64x1xf32>
      %div3A = vector.broadcast %max3A_67 : vector<64x1xf32> to vector<64x128xf32>
      %div3A_68 = arith.divf %get3A_62, %div3A : vector<64x128xf32>
      %get3A_69 = arith.constant 0 : index
      %get3A_70 = arith.constant 0 : index
      %get3A_71 = vector.load %arg5[%get3A_69, %get3A_70] : memref<128x128xf32, #tpu.memory_space<vmem>>, vector<128x128xf32>
      %dot_general3A_72 = arith.constant dense<0.000000e+00> : vector<64x128xf32>
      %dot_general3A_73 = tpu.matmul %div3A_68, %get3A_71, %dot_general3A_72 {dimension_numbers = #tpu.dot_dimension_numbers<[1], [0], [0], [1], [0, 0, 1, 1], [], []>, transpose_lhs_hint = false} : vector<64x128xf32>, vector<128x128xf32>, vector<64x128xf32> -> vector<64x128xf32>
      %get3A_74 = arith.constant 0 : index
      %get3A_75 = arith.constant 0 : index
      %get3A_76 = vector.load %arg6[%get3A_74, %get3A_75] : memref<1x128xf32, #tpu.memory_space<vmem>>, vector<1x128xf32>
      %add3A_77 = vector.broadcast %get3A_76 : vector<1x128xf32> to vector<64x128xf32>
      %add3A_78 = arith.addf %dot_general3A_73, %add3A_77 : vector<64x128xf32>
      %max3A_79 = arith.constant 0.000000e+00 : f32
      %max3A_80 = vector.broadcast %max3A_79 : f32 to vector<64x128xf32>
      %max3A_81 = arith.maximumf %add3A_78, %max3A_80 : vector<64x128xf32>
      %get3A_82 = arith.constant 0 : index
      %get3A_83 = arith.constant 0 : index
      %get3A_84 = vector.load %arg7[%get3A_82, %get3A_83] : memref<128x128xf32, #tpu.memory_space<vmem>>, vector<128x128xf32>
      %dot_general3A_85 = arith.constant dense<0.000000e+00> : vector<64x128xf32>
      %dot_general3A_86 = tpu.matmul %max3A_81, %get3A_84, %dot_general3A_85 {dimension_numbers = #tpu.dot_dimension_numbers<[1], [0], [0], [1], [0, 0, 1, 1], [], []>, transpose_lhs_hint = false} : vector<64x128xf32>, vector<128x128xf32>, vector<64x128xf32> -> vector<64x128xf32>
      %get3A_87 = arith.constant 0 : index
      %get3A_88 = arith.constant 0 : index
      %get3A_89 = vector.load %arg8[%get3A_87, %get3A_88] : memref<1x128xf32, #tpu.memory_space<vmem>>, vector<1x128xf32>
      %add3A_90 = vector.broadcast %get3A_89 : vector<1x128xf32> to vector<64x128xf32>
      %add3A_91 = arith.addf %dot_general3A_86, %add3A_90 : vector<64x128xf32>
      %swap3A_92 = arith.constant 0 : index
      %swap3A_93 = arith.constant 0 : index
      %swap3A_94 = vector.load %arg9[%swap3A_92, %swap3A_93] : memref<64x128xf32, #tpu.memory_space<vmem>>, vector<64x128xf32>
      tpu.vector_store %arg9[%swap3A_92, %swap3A_93], %add3A_91 {strides = array<i32>} : memref<64x128xf32, #tpu.memory_space<vmem>>, vector<64x128xf32>,
    } else {
    }
    return
  }
  func.func @transform_0(%arg0: i32) -> (i32, i32, i32) {
    %c0_i32 = arith.constant 0 : i32
    %c0_i32_0 = arith.constant 0 : i32
    %c0_i32_1 = arith.constant 0 : i32
    return %c0_i32, %arg0, %c0_i32_0 : i32, i32, i32
  }
  func.func @transform_1(%arg0: i32) -> (i32, i32) {
    %c0_i32 = arith.constant 0 : i32
    %c0_i32_0 = arith.constant 0 : i32
    return %arg0, %c0_i32 : i32, i32
  }
  func.func @transform_2(%arg0: i32) -> (i32, i32, i32) {
    %c0_i32 = arith.constant 0 : i32
    %c0_i32_0 = arith.constant 0 : i32
    %c0_i32_1 = arith.constant 0 : i32
    return %c0_i32, %arg0, %c0_i32_0 : i32, i32, i32
  }
  func.func @transform_3(%arg0: i32) -> (i32, i32, i32) {
    %c0_i32 = arith.constant 0 : i32
    %c0_i32_0 = arith.constant 0 : i32
    %c0_i32_1 = arith.constant 0 : i32
    return %arg0, %c0_i32, %c0_i32_0 : i32, i32, i32
  }
  func.func @transform_4(%arg0: i32) -> (i32, i32) {
    %c0_i32 = arith.constant 0 : i32
    %c0_i32_0 = arith.constant 0 : i32
    %c0_i32_1 = arith.constant 0 : i32
    return %c0_i32, %c0_i32_0 : i32, i32
  }
  func.func @transform_5(%arg0: i32) -> (i32, i32) {
    %c0_i32 = arith.constant 0 : i32
    %c0_i32_0 = arith.constant 0 : i32
    %c0_i32_1 = arith.constant 0 : i32
    return %c0_i32, %c0_i32_0 : i32, i32
  }
  func.func @transform_6(%arg0: i32) -> (i32, i32) {
    %c0_i32 = arith.constant 0 : i32
    %c0_i32_0 = arith.constant 0 : i32
    %c0_i32_1 = arith.constant 0 : i32
    return %c0_i32, %c0_i32_0 : i32, i32
  }
  func.func @transform_7(%arg0: i32) -> (i32, i32) {
    %c0_i32 = arith.constant 0 : i32
    %c0_i32_0 = arith.constant 0 : i32
    %c0_i32_1 = arith.constant 0 : i32
    return %c0_i32, %c0_i32_0 : i32, i32
  }
  func.func @transform_8(%arg0: i32) -> (i32, i32) {
    %c0_i32 = arith.constant 0 : i32
    %c0_i32_0 = arith.constant 0 : i32
    %c0_i32_1 = arith.constant 0 : i32
    return %c0_i32, %c0_i32_0 : i32, i32
  }
}

</mosaic_0001>

<sc_bundles>
// kernel: kernel.11.cloned.1.call-start
scs
__scs_entry_jumppad:
0x0: {  	(pc) =	sbr.rel $0x88, $3  }
0x1: {  	(tag) =	ssettag $0x0;
	lr =	simm.s32 $0x1  }
0x2: {  	[smem:$0x3F98] =	sst lr;
	_ =	strace $0xD0000000  }
0x3: {  	_ = 	snop  }
0x4: {  	_ = 	snop  }
0x5: {  	_ = 	snop  }
0x6: {  	_ = 	snop  }
0x7: {  	_ = 	snop  }
__scs_overlays_trampoline_lowered:
0x8: {  	[smem:$0x3FA7] =	sst s0  }
0x9: {  	[smem:$0x3FA8] =	sst s1  }
0xa: {  	[smem:$0x3FA9] =	sst s2  }
0xb: {  	[smem:$0x3FAA] =	sst s3  }
0xc: {  	[smem:$0x3FAB] =	sst s4  }
0xd: {  	[smem:$0x3FAC] =	sst s5  }
0xe: {  	[smem:$0x3FAD] =	sst s6  }
0xf: {  	[smem:$0x3FAE] =	sst s7  }
0x10: {  	[smem:$0x3FAF] =	sst s8  }
0x11: {  	[smem:$0x3FB0] =	sst s9;
	s0 =	simm.s32 @!p0 $0x0  }
0x12: {  	s1 =	sld [smem:$0x3F96];
	s0 =	simm.s32 @p0 $0x1  }
0x13: {  	[smem:$0x3FB1] =	sst s0;
	s0 =	simm.s32 @!p1 $0x0  }
0x14: {  	s2 =	sld [smem:$0x3F95];
	s0 =	simm.s32 @p1 $0x1  }
0x15: {  	[smem:$0x3FB2] =	sst s0;
	s0 =	simm.s32 @!p2 $0x0  }
0x16: {  	s3 =	sld [smem:$0x3FDB];
	s0 =	simm.s32 @p2 $0x1  }
0x17: {  	s4 =	simm.s32 $0x1BF5;
	[smem:$0x3FB4] =	sst s0  }
0x18: {  	s0 =	sld [smem:$0x3F97];
	_ =	swait.ge [sflag:s4], $0x0  }
0x19: {  	s7 =	sld [smem:$0x3F98]  }
0x1a: {  	s8 =	sadd.s32 $0xFFFFE003, lr  }
0x1b: {  	s9 =	sadd.s32 $0xFFFFFEF7, lr;
	s5 =	simm.s32 $0xFFFFFFFF;
	p2 =	slt.u32 s8, $0xFFFFF086  }
0x1c: {  	p1 =	slt.u32 s9, $0xF7A;
	s5 =	simm.s32 @!p2 $0x0  }
0x1d: {  	s5 =	simm.s32 @p1 $0x1;
	p0 =	seq.s32 s7, s2  }
0x1e: {  	s7 =	smul.u32 @!p0 $0xF7A, s2;
	p2 =	seq.s32 @!p0 s5, $0x0  }
0x1f: {  	s9 =	smul.u32 $0xF7A, s1;
	s8 =	simm.s32 @!p0 $0x1BF5;
	p2 =	por !p2, p0  }
0x20: {  	[sflag:s8] =	ssyncset.s32 @!p0 $0xFFFFF086;
	s6 =	sadd.s32 @!p0 s3, s7;
	s7 =	simm.s32 @!p0 $0x108  }
0x21: {  	s3 =	sadd.s32 s3, s9;
	s6 =	sadd.s32 @!p0 $0x88, s6;
	s7 =	simm.s32 @p2 $0x1082  }
0x22: {  	[simem:s7], [sflag:s8] =	dma.local @!p0 [hbm:s6], $0xF7A  }
0x23: {  	s9 =	sor.u32 $0xD0000000, s2;
	s6 =	simm.s32 $0x108;
	_ =	swait.ge @!p0 [sflag:s8], $0x0  }
0x24: {  	s3 =	sadd.s32 $0x88, s3;
	s6 =	simm.s32 @!p1 $0x1082;
	[sflag:s4] =	ssyncset.s32 $0xFFFFF086  }
0x25: {  	[simem:s6], [sflag:s4] =	dma.local [hbm:s3], $0xF7A  }
0x26: {  	[smem:$0x3F98] =	sst s1;
	(tag) =	ssettag s2;
	_ =	strace s9  }
0x27: {  	s1 =	sld [smem:$0x3FA8]  }
0x28: {  	s2 =	sld [smem:$0x3FA9]  }
0x29: {  	s4 =	sld [smem:$0x3FAB]  }
0x2a: {  	p0 =	seq.s32 s5, $0x0;
	s5 =	sld [smem:$0x3FAC]  }
0x2b: {  	s6 =	sld [smem:$0x3FAD]  }
0x2c: {  	s7 =	sld [smem:$0x3FAE]  }
0x2d: {  	s3 =	simm.s32 $0x108;
	s8 =	sld [smem:$0x3FAF]  }
0x2e: {  	s3 =	simm.s32 @!p0 $0x1082;
	s9 =	sld [smem:$0x3FB0]  }
0x2f: {  	lr =	sadd.s32 s0, s3;
	s0 =	sld [smem:$0x3FA7]  }
0x30: {  	s3 =	sld [smem:$0x3FAA]  }
0x31: {  	[smem:$0x3FB3] =	sst s10  }
0x32: {  	s10 =	sld [smem:$0x3FB1];
	_ =	sdelay $0x3  }
0x33: {  	p0 =	seq.s32 s10, $0x1;
	s10 =	sld [smem:$0x3FB3];
	_ =	sdelay $0x3  }
0x34: {  	[smem:$0x3FB3] =	sst s10  }
0x35: {  	s10 =	sld [smem:$0x3FB2];
	_ =	sdelay $0x3  }
0x36: {  	p1 =	seq.s32 s10, $0x1;
	s10 =	sld [smem:$0x3FB3];
	_ =	sdelay $0x3  }
0x37: {  	[smem:$0x3FB3] =	sst s10  }
0x38: {  	s10 =	sld [smem:$0x3FB4]  }
0x39: {  	_ = 	snop;
	(pc) =	sbr.ind lr, $3  }
0x3a: {  	_ = 	snop  }
0x3b: {  	_ = 	snop  }
0x3c: {  	p2 =	seq.s32 s10, $0x1;
	s10 =	sld [smem:$0x3FB3]  }
0x3d: {  	_ =	shalt  }
0x3e: {  	_ =	shalt  }
0x3f: {  	_ =	shalt  }
0x40: {  	_ =	shalt  }
0x41: {  	_ =	shalt  }
0x42: {  	_ =	shalt  }
0x43: {  	_ =	shalt  }
0x44: {  	_ =	shalt  }
0x45: {  	_ =	shalt  }
0x46: {  	_ =	shalt  }
0x47: {  	_ =	shalt  }
0x48: {  	_ =	shalt  }
0x49: {  	_ =	shalt  }
0x4a: {  	_ =	shalt  }
0x4b: {  	_ =	shalt  }
0x4c: {  	_ =	shalt  }
0x4d: {  	_ =	shalt  }
0x4e: {  	_ =	shalt  }
0x4f: {  	_ =	shalt  }
0x50: {  	_ =	shalt  }
0x51: {  	_ =	shalt  }
0x52: {  	_ =	shalt  }
0x53: {  	_ =	shalt  }
0x54: {  	_ =	shalt  }
0x55: {  	_ =	shalt  }
0x56: {  	_ =	shalt  }
0x57: {  	_ =	shalt  }
0x58: {  	_ =	shalt  }
0x59: {  	_ =	shalt  }
0x5a: {  	_ =	shalt  }
0x5b: {  	_ =	shalt  }
0x5c: {  	_ =	shalt  }
0x5d: {  	_ =	shalt  }
0x5e: {  	_ =	shalt  }
0x5f: {  	_ =	shalt  }
0x60: {  	_ =	shalt  }
0x61: {  	_ =	shalt  }
0x62: {  	_ =	shalt  }
0x63: {  	_ =	shalt  }
0x64: {  	_ =	shalt  }
0x65: {  	_ =	shalt  }
0x66: {  	_ =	shalt  }
0x67: {  	_ =	shalt  }
0x68: {  	_ =	shalt  }
0x69: {  	_ =	shalt  }
0x6a: {  	_ =	shalt  }
0x6b: {  	_ =	shalt  }
0x6c: {  	_ =	shalt  }
0x6d: {  	_ =	shalt  }
0x6e: {  	_ =	shalt  }
0x6f: {  	_ =	shalt  }
0x70: {  	_ =	shalt  }
0x71: {  	_ =	shalt  }
0x72: {  	_ =	shalt  }
0x73: {  	_ =	shalt  }
0x74: {  	_ =	shalt  }
0x75: {  	_ =	shalt  }
0x76: {  	_ =	shalt  }
0x77: {  	_ =	shalt  }
0x78: {  	_ =	shalt  }
0x79: {  	_ =	shalt  }
0x7a: {  	_ =	shalt  }
0x7b: {  	_ =	shalt  }
0x7c: {  	_ =	shalt  }
0x7d: {  	_ =	shalt  }
0x7e: {  	_ =	shalt  }
0x7f: {  	_ =	shalt  }
0x80: {  	_ =	shalt  }
0x81: {  	_ =	shalt  }
0x82: {  	_ =	shalt  }
0x83: {  	_ =	shalt  }
0x84: {  	_ =	shalt  }
0x85: {  	_ =	shalt  }
0x86: {  	_ =	shalt  }
0x87: {  	_ =	shalt  }
.Lfunc_end0:
.L_simem_size_0:
called_computation.1_lowered:
.L_overlay_start_0:
0x88: {  	s2 =	sld [smem:$0x3FD9]  }
0x89: {  	s3 =	sld [smem:$0x3FFE];
	_ =	sdelay $0x1  }
0x8a: {  	s1 =	srdreg.scid  }
0x8b: {  	s0 =	sand.u32 $0x1, s1  }
0x8c: {  	s16 =	sshll.u32 s0, $0xA;
	s2 =	sadd.s32 s3, s2  }
0x8d: {  	s2 =	sadd.s32 s2, s16  }
0x8e: {  	[smem:$0x3FBF] =	sst s2  }
0x8f: {  	_ = 	snop  }
0x90: {  	(tm) =	ssettm $0x1  }
0x91: {  	s17 =	sld [smem:$0x3FFB];
	_ =	sdelay $0x3  }
0x92: {  	_ =	strace s17  }
0x93: {  	s2 =	sld [smem:$0x3FFC];
	_ =	sdelay $0x3  }
0x94: {  	_ =	strace s2  }
0x95: {  	s2 =	sld [smem:$0x3FFD];
	_ =	sdelay $0x3  }
0x96: {  	_ =	strace s2  }
0x97: {  	_ =	strace $0x8FFFFFFF  }
0x98: {  	s18 =	sld [smem:$0x3FDB];
	_ =	sdelay $0x1  }
0x99: {  	s19 =	simm.s32 $_scs_section_size  }
0x9a: {  	s4 =	simm.s32 $_size__tile_overlayer_lowered;
	s5 =	simm.s32 $_tile_overlayer_lowered  }
0x9b: {  	s22 =	simm.s32 $0x1BFF;
	s21 =	sshll.u32 s5, $0x1;
	s2 =	sadd.s32 s19, s18  }
0x9c: {  	s6 =	simm.s32 $0x0;
	s20 =	sshll.u32 s4, $0x1;
	s4 =	sadd.s32 s21, s2  }
0x9d: {  	[timem:s6], [sflag:s22] =	dma.local [hbm:s4], s20  }
0x9e: {  	_ =	swait.ge [sflag:s22], s20  }
0x9f: {  	s3 =	ssub.s32 $0x0, s20;
	[sflag:s22] =	ssyncset.done $0x0  }
0xa0: {  	[sflag:s22] =	ssyncadd.s32 s3;
	_ =	sdelay $0x1  }
0xa1: {  	s23 =	simm.s32 $0x1B8B  }
0xa2: {  	_ =	swait.ge [sflag:s23], $0x1  }
0xa3: {  	[sflag:s23] =	ssyncset.done $0x0  }
0xa4: {  	s25 =	simm.s32 $0x1B8E;
	s24 =	sld [smem:$0x3FFE];
	[sflag:s23] =	ssyncadd.s32 $0xFFFFFFFF  }
0xa5: {  	s26 =	simm.s32 $execute0_lowered;
	[smem:$0x3FD2] =	sst s25  }
0xa6: {  	s4 =	sshll.u32 s26, $0x1;
	_ =	strace $0x80000049;
	[dreg:$0x1] =	wrdreg $0xFFFFFFFF  }
0xa7: {  	s28 =	simm.s32 $_size_execute0_lowered;
	s2 =	sadd.s32 s2, s4;
	[dreg:$0x0] =	wrdreg $0x0  }
0xa8: {  	s4 =	sshll.u32 s28, $0x1;
	[dreg:$0x2] =	wrdreg s2  }
0xa9: {  	[dreg:$0x3] =	wrdreg s4  }
0xaa: {  	[dreg:$0x4] =	wrdreg $0xC0  }
0xab: {  	_ =	task [dreg:s6], $0x5FFFF  }
0xac: {  	[dreg:$0x1] =	wrdreg $0xFFFFFFFF  }
0xad: {  	[dreg:$0x0] =	wrdreg $0x60  }
0xae: {  	[dreg:$0x2] =	wrdreg s24  }
0xaf: {  	[dreg:$0x3] =	wrdreg $0x8B000  }
0xb0: {  	[dreg:$0x4] =	wrdreg $0x9  }
0xb1: {  	_ =	task.clear_ibuf [dreg:s6], $0x5FFFF;
	_ =	strace $0x90000049  }
0xb2: {  	s29 =	simm.s32 $0x9;
	_ =	strace $0x8000004B  }
0xb3: {  	_ =	swait.ge [sflag:s29], $0x1  }
0xb4: {  	[sflag:s29] =	ssyncadd.s32 $0xFFFFFFFF  }
0xb5: {  	_ =	strace $0x9000004B  }
0xb6: {  	_ =	sfence  }
0xb7: {  	s30 =	sld [smem:$0x0];
	_ =	sdelay $0x2  }
0xb8: {  	s31 =	sshll.u32 s1, $0xD;
	s1 =	sshrl.u32 s1, $0x2  }
0xb9: {  	s3 =	sand.u32 $0x4000, s31;
	s1 =	sadd.s32 s1, s30  }
0xba: {  	s0 =	sor.u32 s3, s0;
	s1 =	sshll.u32 s1, $0x11  }
0xbb: {  	s0 =	sor.u32 s1, s0  }
0xbc: {  	s0 =	sadd.s32 $0x8F2B, s0  }
0xbd: {  	[sflag:s0] =	ssyncadd.remote.s32 $0x1  }
0xbe: {  	_ =	sfence.sel $0xFFFF  }
0xbf: {  	[dreg:$0x0] =	wrdreg $0xFFFFFFFF;
	(pc) =	sbr.abs _section_cstart, $3  }
0xc0: {  	[dreg:$0x1] =	wrdreg $0xFFFFFFFF  }
0xc1: {  	_ =	task.clear_ibuf [dreg:s6], $0x2FFFF;
	_ =	strace $0x9FFFFFFF  }
0xc2: {  	(tm) =	ssettm $0x7FFFFFFF  }
0xc3: {  	_ =	shalt  }
tec
execute0_lowered:
.L_overlay_start_1:
0x0: {  	(tag) =	ssettag $0x1  }
0x1: {  	s0 =	rddreg [dreg:$0x0]  }
0x2: {  	s1 =	rddreg [dreg:$0x1];
	s3 =	simm.s32 $0x0;
	s13 =	stileid.u32  }
0x3: {  	s2 =	srdreg.scid;
	s28 =	simm.s32 $0x200;
	s29 =	simm.s32 $0x180  }
0x4: {  	s30 =	simm.s32 $0x4200;
	s31 =	simm.s32 $0x1;
	[smem:$0x7FF] =	sst s3  }
0x5: {  	s4 =	sadd.s32 $0x64600, s0;
	s8 =	smul.u32 $0x2700, s13;
	s2 =	sand.u32 $0x1, s2  }
0x6: {  	s6 =	sadd.s32 $0x2800, s0;
	s7 =	sadd.s32 $0xC600, s0;
	s10 =	smul.u32 $0x4E000, s13  }
0x7: {  	s17 =	sshll.u32 s13, $0x6;
	s18 =	sadd.s32 $0x138000, s1;
	s20 =	smul.u32 $0x2710, s13  }
0x8: {  	p0 =	sne.s32 s13, $0xF;
	_ =	strace $0x8000004A;
	s5 =	smul.u32 $0x27100, s2  }
0x9: {  	s9 =	ssub.s32 $0x2, s2;
	s2 =	sshll.u32 s2, $0x4;
	[dreg:$0x6] =	wrdreg s18  }
0xa: {  	[dreg:$0x3] =	wrdreg s8;
	s8 =	sadd.s32 s8, s0;
	s10 =	sshrl.u32 s10, $0x2  }
0xb: {  	s12 =	sshrl.u32 s9, $0x1;
	s2 =	sor.u32 s13, s2;
	s10 =	sadd.s32 s10, s1  }
0xc: {  	s11 =	sadd.s32 s5, s0;
	s8 =	sadd.s32 $0x8B800, s8;
	[dreg:$0x4] =	wrdreg s10  }
0xd: {  	s9 =	ssub.s32 s9, s12;
	s0 =	sadd.s32 $0xB2800, s0;
	[dreg:$0x5] =	wrdreg s8  }
0xe: {  	s2 =	smul.u32 $0x2710, s2;
	s10 =	sor.u32 $0x1C03, s17;
	[dreg:$0x7] =	wrdreg s0  }
0xf: {  	s17 =	sadd.s32 $0xB2A00, s11;
	s25 =	smax.u32 s9, $0x1;
	s9 =	simm.s32 $0x8280  }
0x10: {  	s11 =	simm.s32 $0x0;
	s19 =	sshrl.u32 s2, $0x3;
	s2 =	sadd.s32 s20, s5  }
0x11: {  	[dreg:$0xc] =	wrdreg s25;
	s25 =	simm.s32 $0x100;
	s21 =	sadd.s32 s6, s19  }
0x12: {  	s22 =	sadd.s32 s7, s19;
	s23 =	sadd.s32 $0x4E0, s19;
	[dreg:$0x8] =	wrdreg s21  }
0x13: {  	s0 =	sadd.s32 $0x4D0, s19;
	[dreg:$0x9] =	wrdreg s22;
	s24 =	sadd.s32 s6, s23  }
0x14: {  	s5 =	sadd.s32 $0x80, s2;
	s8 =	sadd.s32 s7, s23;
	[dreg:$0xa] =	wrdreg s24  }
0x15: {  	s26 =	sadd.s32 s6, s0;
	s5 =	sshrl.u32 s5, $0x3;
	[dreg:$0xb] =	wrdreg s8  }
0x16: {  	s0 =	sadd.s32 s7, s0;
	s21 =	sadd.s32 $0x100, s2;
	[dreg:$0xd] =	wrdreg s26  }
0x17: {  	s2 =	simm.s32 $0x8200;
	[dreg:$0xe] =	wrdreg s0;
	s22 =	sadd.s32 s5, s7  }
0x18: {  	s23 =	sadd.s32 s5, s6;
	s24 =	simm.s32 $0x3;
	s26 =	simm.s32 $0x80  }
0x19: {  	s0 =	simm.s32 $0x2;
	s5 =	simm.s32 $0x10;
	s8 =	simm.s32 $0x8300  }
.LBB2_1:
0x1a: {  	s12 =	rddreg [dreg:$0x4]  }
0x1b: {  	s13 =	rddreg [dreg:$0x5];
	s12 =	sshrl.u32 s12, $0x3  }
0x1c: {  	[spmem:s12], [sflag:s10] =	dma.local [hbm:s13], $0x2700  }
0x1d: {  	_ =	swait.ge [sflag:s24], $0x2700  }
0x1e: {  	[sflag:s24] =	ssyncset.done $0x0;
	s13 =	rddreg [dreg:$0x6]  }
0x1f: {  	s14 =	rddreg [dreg:$0x7];
	[sflag:s24] =	ssyncadd.s32 $0xFFFFD900;
	s13 =	sshrl.u32 @!p0 s13, $0x3  }
0x20: {  	[spmem:s13], [sflag:s10] =	dma.local @!p0 [hbm:s14], $0x100  }
0x21: {  	s14 =	simm.s32 @!p0 $0x3  }
0x22: {  	_ =	swait.ge @!p0 [sflag:s14], $0x100  }
0x23: {  	[sflag:s14] =	ssyncset.done @!p0 $0x0  }
0x24: {  	[sflag:s14] =	ssyncadd.s32 @!p0 $0xFFFFFF00  }
0x25: {  	[bflag:$0x0] =	sbarrier.arrive $0xFFFF  }
0x26: {  	s15 =	rddreg [dreg:$0x8]  }
0x27: {  	[tilespmem:s3], [sflag:$0x3] =	stream.linear.gather [hbm4b:s15+s3], $0x80, $0x38;
	[tilespmem:$0x1C380] =	vst v63  }
0x28: {  	_ =	swait.ge [sflag:s24], $0x80  }
0x29: {  	[sflag:s24] =	ssyncset.done $0x0  }
0x2a: {  	s16 =	rddreg [dreg:$0x9];
	[sflag:s24] =	ssyncadd.s32 $0xFFFFFF80  }
0x2b: {  	[tilespmem:s25], [sflag:$0x3] =	stream.linear.gather [hbm4b:s16+s3], $0x80, $0x38;
	[tilespmem:$0x1C380] =	vst v63  }
0x2c: {  	_ =	swait.ge [sflag:s24], $0x80  }
0x2d: {  	[sflag:s24] =	ssyncset.done $0x0  }
0x2e: {  	[sflag:s24] =	ssyncadd.s32 $0xFFFFFF80  }
0x2f: {  	[tilespmem:s28], [sflag:$0x1] =	stream.indirect.gather [hbm4b:s4+s26], $0x80, s3, s26, $0xb8;
	[tilespmem:$0x1C380] =	vst v63  }
0x30: {  	s18 =	sadd.s32 $0x0, s23  }
0x31: {  	[tilespmem:s26], [sflag:$0x3] =	stream.linear.gather [hbm4b:s18+s3], $0x80, $0x38;
	[tilespmem:$0x1C380] =	vst v63  }
0x32: {  	_ =	swait.ge [sflag:s24], $0x80  }
0x33: {  	[sflag:s24] =	ssyncset.done $0x0  }
0x34: {  	s19 =	sadd.s32 $0x0, s22;
	[sflag:s24] =	ssyncadd.s32 $0xFFFFFF80  }
0x35: {  	[tilespmem:s29], [sflag:$0x3] =	stream.linear.gather [hbm4b:s19+s3], $0x80, $0x38;
	[tilespmem:$0x1C380] =	vst v63  }
0x36: {  	_ =	swait.ge [sflag:s24], $0x80  }
0x37: {  	[sflag:s24] =	ssyncset.done $0x0  }
0x38: {  	[sflag:s24] =	ssyncadd.s32 $0xFFFFFF80  }
0x39: {  	[tilespmem:s30], [sflag:$0x2] =	stream.indirect.gather [hbm4b:s4+s26], $0x80, s26, s26, $0xb8;
	[tilespmem:$0x1C380] =	vst v63  }
0x3a: {  	_ =	swait.ge [sflag:s31], $0x4000  }
0x3b: {  	[sflag:s31] =	ssyncset.done $0x0  }
0x3c: {  	[sflag:s31] =	ssyncadd.s32 $0xFFFFC000  }
0x3d: {  	[spmem:s1] =	stream.indirect.scatter.add.f32 [tilespmem:s28], [sflag:$0x3], $0x80, s25, s26, $0xb8;
	[tilespmem:$0x1C380] =	vst v63  }
0x3e: {  	_ =	swait.ge [sflag:s24], $0x4000  }
0x3f: {  	s20 =	sshrl.u32 s21, $0x3;
	[sflag:s24] =	ssyncset.done $0x0  }
0x40: {  	s15 =	sadd.s32 s6, s20;
	[sflag:s24] =	ssyncadd.s32 $0xFFFFC000  }
0x41: {  	[tilespmem:s3], [sflag:$0x3] =	stream.linear.gather [hbm4b:s15+s3], $0x80, $0x38;
	[tilespmem:$0x1C380] =	vst v63  }
0x42: {  	_ =	swait.ge [sflag:s24], $0x80  }
0x43: {  	[sflag:s24] =	ssyncset.done $0x0  }
0x44: {  	s14 =	sadd.s32 s7, s20;
	[sflag:s24] =	ssyncadd.s32 $0xFFFFFF80  }
0x45: {  	[tilespmem:s25], [sflag:$0x3] =	stream.linear.gather [hbm4b:s14+s3], $0x80, $0x38;
	[tilespmem:$0x1C380] =	vst v63  }
0x46: {  	_ =	swait.ge [sflag:s24], $0x80  }
0x47: {  	[sflag:s24] =	ssyncset.done $0x0  }
0x48: {  	[sflag:s24] =	ssyncadd.s32 $0xFFFFFF80  }
0x49: {  	[tilespmem:s28], [sflag:$0x1] =	stream.indirect.gather [hbm4b:s4+s26], $0x80, s3, s26, $0xb8;
	[tilespmem:$0x1C380] =	vst v63  }
0x4a: {  	_ =	swait.ge [sflag:s0], $0x4000  }
0x4b: {  	[sflag:s0] =	ssyncset.done $0x0  }
0x4c: {  	[sflag:s0] =	ssyncadd.s32 $0xFFFFC000  }
0x4d: {  	[spmem:s1] =	stream.indirect.scatter.add.f32 [tilespmem:s30], [sflag:$0x3], $0x80, s29, s26, $0xb8;
	[tilespmem:$0x1C380] =	vst v63  }
0x4e: {  	s16 =	simm.s32 $0x40;
	_ =	swait.ge [sflag:s24], $0x4000  }
0x4f: {  	s15 =	simm.s32 $0x20;
	s14 =	sadd.s32 $0x100, s21;
	[sflag:s24] =	ssyncset.done $0x0  }
.LBB2_2:
0x50: {  	s19 =	sadd.s32 s15, s23  }
0x51: {  	[sflag:s24] =	ssyncadd.s32 $0xFFFFC000;
	s20 =	smov.u32 s16;
	s18 =	sadd.s32 $0x20, s16  }
0x52: {  	[tilespmem:s26], [sflag:$0x3] =	stream.linear.gather [hbm4b:s19+s3], $0x80, $0x38;
	[tilespmem:$0x1C380] =	vst v63  }
0x53: {  	p1 =	sne.s32 s16, $0x4A0;
	_ =	swait.ge [sflag:s24], $0x80  }
0x54: {  	[sflag:s24] =	ssyncset.done $0x0  }
0x55: {  	s16 =	sadd.s32 s15, s22;
	s15 =	smov.u32 s20;
	[sflag:s24] =	ssyncadd.s32 $0xFFFFFF80  }
0x56: {  	[tilespmem:s29], [sflag:$0x3] =	stream.linear.gather [hbm4b:s16+s3], $0x80, $0x38;
	[tilespmem:$0x1C380] =	vst v63  }
0x57: {  	_ =	swait.ge [sflag:s24], $0x80  }
0x58: {  	[sflag:s24] =	ssyncset.done $0x0  }
0x59: {  	[sflag:s24] =	ssyncadd.s32 $0xFFFFFF80  }
0x5a: {  	[tilespmem:s30], [sflag:$0x2] =	stream.indirect.gather [hbm4b:s4+s26], $0x80, s26, s26, $0xb8;
	[tilespmem:$0x1C380] =	vst v63  }
0x5b: {  	_ =	swait.ge [sflag:s31], $0x4000  }
0x5c: {  	[sflag:s31] =	ssyncset.done $0x0  }
0x5d: {  	[sflag:s31] =	ssyncadd.s32 $0xFFFFC000  }
0x5e: {  	[spmem:s1] =	stream.indirect.scatter.add.f32 [tilespmem:s28], [sflag:$0x3], $0x80, s25, s26, $0xb8;
	[tilespmem:$0x1C380] =	vst v63  }
0x5f: {  	_ =	swait.ge [sflag:s24], $0x4000  }
0x60: {  	s16 =	sshrl.u32 s14, $0x3;
	[sflag:s24] =	ssyncset.done $0x0  }
0x61: {  	s19 =	sadd.s32 s6, s16;
	[sflag:s24] =	ssyncadd.s32 $0xFFFFC000  }
0x62: {  	[tilespmem:s3], [sflag:$0x3] =	stream.linear.gather [hbm4b:s19+s3], $0x80, $0x38;
	[tilespmem:$0x1C380] =	vst v63  }
0x63: {  	_ =	swait.ge [sflag:s24], $0x80  }
0x64: {  	[sflag:s24] =	ssyncset.done $0x0  }
0x65: {  	s16 =	sadd.s32 s7, s16;
	[sflag:s24] =	ssyncadd.s32 $0xFFFFFF80  }
0x66: {  	[tilespmem:s25], [sflag:$0x3] =	stream.linear.gather [hbm4b:s16+s3], $0x80, $0x38;
	[tilespmem:$0x1C380] =	vst v63  }
0x67: {  	_ =	swait.ge [sflag:s24], $0x80  }
0x68: {  	[sflag:s24] =	ssyncset.done $0x0  }
0x69: {  	[sflag:s24] =	ssyncadd.s32 $0xFFFFFF80  }
0x6a: {  	[tilespmem:s28], [sflag:$0x1] =	stream.indirect.gather [hbm4b:s4+s26], $0x80, s3, s26, $0xb8;
	[tilespmem:$0x1C380] =	vst v63  }
0x6b: {  	_ =	swait.ge [sflag:s0], $0x4000  }
.Ltmp0:
0x6c: {  	[sflag:s0] =	ssyncset.done $0x0;
	(pc) =	sbr.rel @p1 .LBB2_2-.Ltmp0, $4  }
0x6d: {  	[sflag:s0] =	ssyncadd.s32 $0xFFFFC000  }
0x6e: {  	[spmem:s1] =	stream.indirect.scatter.add.f32 [tilespmem:s30], [sflag:$0x3], $0x80, s29, s26, $0xb8;
	[tilespmem:$0x1C380] =	vst v63  }
0x6f: {  	_ =	swait.ge [sflag:s24], $0x4000  }
0x70: {  	s14 =	sadd.s32 $0x100, s14;
	s16 =	smov.u32 s18;
	[sflag:s24] =	ssyncset.done $0x0  }
0x71: {  	s16 =	sadd.s32 s15, s23;
	[sflag:s24] =	ssyncadd.s32 $0xFFFFC000  }
0x72: {  	[tilespmem:s26], [sflag:$0x3] =	stream.linear.gather [hbm4b:s16+s3], $0x80, $0x38;
	[tilespmem:$0x1C380] =	vst v63  }
0x73: {  	_ =	swait.ge [sflag:s24], $0x80  }
0x74: {  	[sflag:s24] =	ssyncset.done $0x0  }
0x75: {  	s18 =	sadd.s32 s15, s22;
	[sflag:s24] =	ssyncadd.s32 $0xFFFFFF80  }
0x76: {  	[tilespmem:s29], [sflag:$0x3] =	stream.linear.gather [hbm4b:s18+s3], $0x80, $0x38;
	[tilespmem:$0x1C380] =	vst v63  }
0x77: {  	_ =	swait.ge [sflag:s24], $0x80  }
0x78: {  	[sflag:s24] =	ssyncset.done $0x0  }
0x79: {  	[sflag:s24] =	ssyncadd.s32 $0xFFFFFF80  }
0x7a: {  	[tilespmem:s30], [sflag:$0x2] =	stream.indirect.gather [hbm4b:s4+s26], $0x80, s26, s26, $0xb8;
	[tilespmem:$0x1C380] =	vst v63  }
0x7b: {  	_ =	swait.ge [sflag:s31], $0x4000  }
0x7c: {  	[sflag:s31] =	ssyncset.done $0x0  }
0x7d: {  	[sflag:s31] =	ssyncadd.s32 $0xFFFFC000  }
0x7e: {  	[spmem:s1] =	stream.indirect.scatter.add.f32 [tilespmem:s28], [sflag:$0x3], $0x80, s25, s26, $0xb8;
	[tilespmem:$0x1C380] =	vst v63  }
0x7f: {  	_ =	swait.ge [sflag:s24], $0x4000  }
0x80: {  	s14 =	sshrl.u32 s14, $0x3;
	[sflag:s24] =	ssyncset.done $0x0  }
0x81: {  	s19 =	sadd.s32 s6, s14;
	[sflag:s24] =	ssyncadd.s32 $0xFFFFC000  }
0x82: {  	[tilespmem:s3], [sflag:$0x3] =	stream.linear.gather [hbm4b:s19+s3], $0x80, $0x38;
	[tilespmem:$0x1C380] =	vst v63  }
0x83: {  	_ =	swait.ge [sflag:s24], $0x80  }
0x84: {  	[sflag:s24] =	ssyncset.done $0x0  }
0x85: {  	s14 =	sadd.s32 s7, s14;
	[sflag:s24] =	ssyncadd.s32 $0xFFFFFF80  }
0x86: {  	[tilespmem:s25], [sflag:$0x3] =	stream.linear.gather [hbm4b:s14+s3], $0x80, $0x38;
	[tilespmem:$0x1C380] =	vst v63  }
0x87: {  	_ =	swait.ge [sflag:s24], $0x80  }
0x88: {  	[sflag:s24] =	ssyncset.done $0x0  }
0x89: {  	[sflag:s24] =	ssyncadd.s32 $0xFFFFFF80  }
0x8a: {  	[tilespmem:s28], [sflag:$0x1] =	stream.indirect.gather [hbm4b:s4+s26], $0x80, s3, s26, $0xb8;
	[tilespmem:$0x1C380] =	vst v63  }
0x8b: {  	_ =	swait.ge [sflag:s0], $0x4000  }
0x8c: {  	[sflag:s0] =	ssyncset.done $0x0  }
0x8d: {  	[sflag:s0] =	ssyncadd.s32 $0xFFFFC000  }
0x8e: {  	[spmem:s1] =	stream.indirect.scatter.add.f32 [tilespmem:s30], [sflag:$0x3], $0x80, s29, s26, $0xb8;
	[tilespmem:$0x1C380] =	vst v63  }
0x8f: {  	_ =	swait.ge [sflag:s24], $0x4000  }
0x90: {  	[sflag:s24] =	ssyncset.done $0x0  }
0x91: {  	s20 =	rddreg [dreg:$0xd];
	[sflag:s24] =	ssyncadd.s32 $0xFFFFC000  }
0x92: {  	[tilespmem:s26], [sflag:$0x3] =	stream.linear.gather [hbm4b:s20+s3], $0x80, $0x38;
	[tilespmem:$0x1C380] =	vst v63  }
0x93: {  	_ =	swait.ge [sflag:s24], $0x80  }
0x94: {  	[sflag:s24] =	ssyncset.done $0x0  }
0x95: {  	s15 =	rddreg [dreg:$0xe];
	[sflag:s24] =	ssyncadd.s32 $0xFFFFFF80  }
0x96: {  	[tilespmem:s29], [sflag:$0x3] =	stream.linear.gather [hbm4b:s15+s3], $0x80, $0x38;
	[tilespmem:$0x1C380] =	vst v63  }
0x97: {  	_ =	swait.ge [sflag:s24], $0x80  }
0x98: {  	[sflag:s24] =	ssyncset.done $0x0  }
0x99: {  	[sflag:s24] =	ssyncadd.s32 $0xFFFFFF80  }
0x9a: {  	[tilespmem:s30], [sflag:$0x2] =	stream.indirect.gather [hbm4b:s4+s26], $0x80, s26, s26, $0xb8;
	[tilespmem:$0x1C380] =	vst v63  }
0x9b: {  	_ =	swait.ge [sflag:s31], $0x4000  }
0x9c: {  	[sflag:s31] =	ssyncset.done $0x0  }
0x9d: {  	[sflag:s31] =	ssyncadd.s32 $0xFFFFC000  }
0x9e: {  	[spmem:s1] =	stream.indirect.scatter.add.f32 [tilespmem:s28], [sflag:$0x3], $0x80, s25, s26, $0xb8;
	[tilespmem:$0x1C380] =	vst v63  }
0x9f: {  	_ =	swait.ge [sflag:s24], $0x4000  }
0xa0: {  	[sflag:s24] =	ssyncset.done $0x0  }
0xa1: {  	[sflag:s24] =	ssyncadd.s32 $0xFFFFC000  }
0xa2: {  	_ =	swait.ge [sflag:s0], $0x4000  }
0xa3: {  	[sflag:s0] =	ssyncset.done $0x0  }
0xa4: {  	[sflag:s0] =	ssyncadd.s32 $0xFFFFC000  }
0xa5: {  	[spmem:s1] =	stream.indirect.scatter.add.f32 [tilespmem:s30], [sflag:$0x3], $0x80, s29, s26, $0xb8;
	[tilespmem:$0x1C380] =	vst v63  }
0xa6: {  	_ =	swait.ge [sflag:s24], $0x4000  }
0xa7: {  	[sflag:s24] =	ssyncset.done $0x0  }
0xa8: {  	s16 =	rddreg [dreg:$0xa];
	[sflag:s24] =	ssyncadd.s32 $0xFFFFC000  }
0xa9: {  	[tilespmem:s2], [sflag:$0x3] =	stream.linear.gather [hbm4b:s16+s3], $0x10, $0x38;
	[tilespmem:$0x1C380] =	vst v63  }
0xaa: {  	_ =	swait.ge [sflag:s24], $0x10  }
0xab: {  	[sflag:s24] =	ssyncset.done $0x0  }
0xac: {  	[sflag:s24] =	ssyncadd.s32 $0xFFFFFFF0  }
0xad: {  	[tilespmem:s8], [sflag:$0x1] =	stream.indirect.gather [hbm4b:s4+s5], $0x80, s2, s5, $0xb8;
	[tilespmem:$0x1C380] =	vst v63  }
0xae: {  	_ =	swait.ge [sflag:s31], $0x800  }
0xaf: {  	[sflag:s31] =	ssyncset.done $0x0  }
0xb0: {  	s18 =	rddreg [dreg:$0xb];
	[sflag:s31] =	ssyncadd.s32 $0xFFFFF800  }
0xb1: {  	[tilespmem:s9], [sflag:$0x3] =	stream.linear.gather [hbm4b:s18+s3], $0x10, $0x38;
	[tilespmem:$0x1C380] =	vst v63  }
0xb2: {  	_ =	swait.ge [sflag:s24], $0x10  }
0xb3: {  	[sflag:s24] =	ssyncset.done $0x0  }
0xb4: {  	[sflag:s24] =	ssyncadd.s32 $0xFFFFFFF0  }
0xb5: {  	[spmem:s1] =	stream.indirect.scatter.add.f32 [tilespmem:s8], [sflag:$0x3], $0x80, s9, s5, $0xb8;
	[tilespmem:$0x1C380] =	vst v63  }
0xb6: {  	_ =	swait.ge [sflag:s24], $0x800  }
0xb7: {  	[sflag:s24] =	ssyncset.done $0x0  }
0xb8: {  	[sflag:s24] =	ssyncadd.s32 $0xFFFFF800  }
0xb9: {  	[bflag:$0x0] =	sbarrier.arrive $0xFFFF  }
0xba: {  	s19 =	rddreg [dreg:$0x3]  }
0xbb: {  	s14 =	sadd.s32 s19, s17  }
0xbc: {  	[hbm:s14], [sflag:s10] =	dma.local [spmem:s12], $0x2700  }
0xbd: {  	_ =	swait.ge [sflag:s24], $0x2700  }
0xbe: {  	[sflag:s24] =	ssyncset.done $0x0  }
0xbf: {  	s12 =	sadd.s32 @!p0 $0x27000, s17;
	[sflag:s24] =	ssyncadd.s32 $0xFFFFD900  }
0xc0: {  	[hbm:s12], [sflag:s10] =	dma.local @!p0 [spmem:s13], $0x100  }
0xc1: {  	s12 =	simm.s32 @!p0 $0x3  }
0xc2: {  	_ =	swait.ge @!p0 [sflag:s12], $0x100  }
0xc3: {  	s11 =	sadd.s32 $0x1, s11;
	s20 =	rddreg [dreg:$0xc]  }
0xc4: {  	p1 =	sne.s32 s11, s20  }
.Ltmp1:
0xc5: {  	_ = 	snop;
	(pc) =	sbr.rel @p1 .LBB2_1-.Ltmp1, $3  }
0xc6: {  	_ =	sdelay $0x1  }
0xc7: {  	[sflag:s12] =	ssyncset.done @!p0 $0x0  }
0xc8: {  	[sflag:s12] =	ssyncadd.s32 @!p0 $0xFFFFFF00  }
0xc9: {  	_ =	sfence.sel $0x180000  }
0xca: {  	[bflag:$0x0] =	sbarrier.arrive $0xFFFF  }
0xcb: {  	_ =	strace $0x9000004A  }
0xcc: {  	s0 =	stileid.u32;
	[bflag:$0x2] =	sbarrier.arrive $0xFFFF  }
0xcd: {  	p0 =	sne.s32 s0, $0x0;
	s0 =	rddreg [dreg:$0x2]  }
0xce: {  	s0 =	sadd.s32 @!p0 $0x100000, s0  }
0xcf: {  	[sflag:s0] =	ssyncadd.tile.s32 @!p0 $0x1;
	_ =	shalt  }
.Lfunc_end2:
_tile_overlayer_lowered:
.L_overlay_start_2:
0xd0: {  	(tag) =	ssettag $0x2  }
0xd1: {  	s0 =	rddreg [dreg:$0x0];
	s2 =	stileid.u32  }
0xd2: {  	s1 =	rddreg [dreg:$0x1];
	p0 =	sne.s32 s2, $0x0  }
0xd3: {  	s3 =	rddreg [dreg:$0x2];
	[bflag:$0x3] =	sbarrier.arrive $0xFFFF;
	s2 =	simm.s32 @!p0 $0x1C03  }
0xd4: {  	[timem:s3], [sflag:s2] =	dma.local @!p0 [hbm:s0], s1  }
0xd5: {  	s0 =	simm.s32 @!p0 $0x3  }
0xd6: {  	_ =	swait.ge @!p0 [sflag:s0], s1  }
0xd7: {  	s1 =	ssub.s32 @!p0 $0x0, s1;
	[sflag:s0] =	ssyncset.done @!p0 $0x0  }
0xd8: {  	[sflag:s0] =	ssyncadd.s32 @!p0 s1  }
0xd9: {  	[bflag:$0x3] =	sbarrier.arrive $0xFFFF  }
0xda: {  	_ =	shalt  }

// kernel: kernel.14.cloned.1.call-start
scs
__scs_entry_jumppad:
0x0: {  	(pc) =	sbr.rel $0x88, $3  }
0x1: {  	(tag) =	ssettag $0x0;
	lr =	simm.s32 $0x1  }
0x2: {  	[smem:$0x3F98] =	sst lr;
	_ =	strace $0xD0000000  }
0x3: {  	_ = 	snop  }
0x4: {  	_ = 	snop  }
0x5: {  	_ = 	snop  }
0x6: {  	_ = 	snop  }
0x7: {  	_ = 	snop  }
__scs_overlays_trampoline_lowered:
0x8: {  	[smem:$0x3FA7] =	sst s0  }
0x9: {  	[smem:$0x3FA8] =	sst s1  }
0xa: {  	[smem:$0x3FA9] =	sst s2  }
0xb: {  	[smem:$0x3FAA] =	sst s3  }
0xc: {  	[smem:$0x3FAB] =	sst s4  }
0xd: {  	[smem:$0x3FAC] =	sst s5  }
0xe: {  	[smem:$0x3FAD] =	sst s6  }
0xf: {  	[smem:$0x3FAE] =	sst s7  }
0x10: {  	[smem:$0x3FAF] =	sst s8  }
0x11: {  	[smem:$0x3FB0] =	sst s9;
	s0 =	simm.s32 @!p0 $0x0  }
0x12: {  	s1 =	sld [smem:$0x3F96];
	s0 =	simm.s32 @p0 $0x1  }
0x13: {  	[smem:$0x3FB1] =	sst s0;
	s0 =	simm.s32 @!p1 $0x0  }
0x14: {  	s2 =	sld [smem:$0x3F95];
	s0 =	simm.s32 @p1 $0x1  }
0x15: {  	[smem:$0x3FB2] =	sst s0;
	s0 =	simm.s32 @!p2 $0x0  }
0x16: {  	s3 =	sld [smem:$0x3FDB];
	s0 =	simm.s32 @p2 $0x1  }
0x17: {  	s4 =	simm.s32 $0x1BF5;
	[smem:$0x3FB4] =	sst s0  }
0x18: {  	s0 =	sld [smem:$0x3F97];
	_ =	swait.ge [sflag:s4], $0x0  }
0x19: {  	s7 =	sld [smem:$0x3F98]  }
0x1a: {  	s8 =	sadd.s32 $0xFFFFE003, lr  }
0x1b: {  	s9 =	sadd.s32 $0xFFFFFEF7, lr;
	s5 =	simm.s32 $0xFFFFFFFF;
	p2 =	slt.u32 s8, $0xFFFFF086  }
0x1c: {  	p1 =	slt.u32 s9, $0xF7A;
	s5 =	simm.s32 @!p2 $0x0  }
0x1d: {  	s5 =	simm.s32 @p1 $0x1;
	p0 =	seq.s32 s7, s2  }
0x1e: {  	s7 =	smul.u32 @!p0 $0xF7A, s2;
	p2 =	seq.s32 @!p0 s5, $0x0  }
0x1f: {  	s9 =	smul.u32 $0xF7A, s1;
	s8 =	simm.s32 @!p0 $0x1BF5;
	p2 =	por !p2, p0  }
0x20: {  	[sflag:s8] =	ssyncset.s32 @!p0 $0xFFFFF086;
	s6 =	sadd.s32 @!p0 s3, s7;
	s7 =	simm.s32 @!p0 $0x108  }
0x21: {  	s3 =	sadd.s32 s3, s9;
	s6 =	sadd.s32 @!p0 $0x88, s6;
	s7 =	simm.s32 @p2 $0x1082  }
0x22: {  	[simem:s7], [sflag:s8] =	dma.local @!p0 [hbm:s6], $0xF7A  }
0x23: {  	s9 =	sor.u32 $0xD0000000, s2;
	s6 =	simm.s32 $0x108;
	_ =	swait.ge @!p0 [sflag:s8], $0x0  }
0x24: {  	s3 =	sadd.s32 $0x88, s3;
	s6 =	simm.s32 @!p1 $0x1082;
	[sflag:s4] =	ssyncset.s32 $0xFFFFF086  }
0x25: {  	[simem:s6], [sflag:s4] =	dma.local [hbm:s3], $0xF7A  }
0x26: {  	[smem:$0x3F98] =	sst s1;
	(tag) =	ssettag s2;
	_ =	strace s9  }
0x27: {  	s1 =	sld [smem:$0x3FA8]  }
0x28: {  	s2 =	sld [smem:$0x3FA9]  }
0x29: {  	s4 =	sld [smem:$0x3FAB]  }
0x2a: {  	p0 =	seq.s32 s5, $0x0;
	s5 =	sld [smem:$0x3FAC]  }
0x2b: {  	s6 =	sld [smem:$0x3FAD]  }
0x2c: {  	s7 =	sld [smem:$0x3FAE]  }
0x2d: {  	s3 =	simm.s32 $0x108;
	s8 =	sld [smem:$0x3FAF]  }
0x2e: {  	s3 =	simm.s32 @!p0 $0x1082;
	s9 =	sld [smem:$0x3FB0]  }
0x2f: {  	lr =	sadd.s32 s0, s3;
	s0 =	sld [smem:$0x3FA7]  }
0x30: {  	s3 =	sld [smem:$0x3FAA]  }
0x31: {  	[smem:$0x3FB3] =	sst s10  }
0x32: {  	s10 =	sld [smem:$0x3FB1];
	_ =	sdelay $0x3  }
0x33: {  	p0 =	seq.s32 s10, $0x1;
	s10 =	sld [smem:$0x3FB3];
	_ =	sdelay $0x3  }
0x34: {  	[smem:$0x3FB3] =	sst s10  }
0x35: {  	s10 =	sld [smem:$0x3FB2];
	_ =	sdelay $0x3  }
0x36: {  	p1 =	seq.s32 s10, $0x1;
	s10 =	sld [smem:$0x3FB3];
	_ =	sdelay $0x3  }
0x37: {  	[smem:$0x3FB3] =	sst s10  }
0x38: {  	s10 =	sld [smem:$0x3FB4]  }
0x39: {  	_ = 	snop;
	(pc) =	sbr.ind lr, $3  }
0x3a: {  	_ = 	snop  }
0x3b: {  	_ = 	snop  }
0x3c: {  	p2 =	seq.s32 s10, $0x1;
	s10 =	sld [smem:$0x3FB3]  }
0x3d: {  	_ =	shalt  }
0x3e: {  	_ =	shalt  }
0x3f: {  	_ =	shalt  }
0x40: {  	_ =	shalt  }
0x41: {  	_ =	shalt  }
0x42: {  	_ =	shalt  }
0x43: {  	_ =	shalt  }
0x44: {  	_ =	shalt  }
0x45: {  	_ =	shalt  }
0x46: {  	_ =	shalt  }
0x47: {  	_ =	shalt  }
0x48: {  	_ =	shalt  }
0x49: {  	_ =	shalt  }
0x4a: {  	_ =	shalt  }
0x4b: {  	_ =	shalt  }
0x4c: {  	_ =	shalt  }
0x4d: {  	_ =	shalt  }
0x4e: {  	_ =	shalt  }
0x4f: {  	_ =	shalt  }
0x50: {  	_ =	shalt  }
0x51: {  	_ =	shalt  }
0x52: {  	_ =	shalt  }
0x53: {  	_ =	shalt  }
0x54: {  	_ =	shalt  }
0x55: {  	_ =	shalt  }
0x56: {  	_ =	shalt  }
0x57: {  	_ =	shalt  }
0x58: {  	_ =	shalt  }
0x59: {  	_ =	shalt  }
0x5a: {  	_ =	shalt  }
0x5b: {  	_ =	shalt  }
0x5c: {  	_ =	shalt  }
0x5d: {  	_ =	shalt  }
0x5e: {  	_ =	shalt  }
0x5f: {  	_ =	shalt  }
0x60: {  	_ =	shalt  }
0x61: {  	_ =	shalt  }
0x62: {  	_ =	shalt  }
0x63: {  	_ =	shalt  }
0x64: {  	_ =	shalt  }
0x65: {  	_ =	shalt  }
0x66: {  	_ =	shalt  }
0x67: {  	_ =	shalt  }
0x68: {  	_ =	shalt  }
0x69: {  	_ =	shalt  }
0x6a: {  	_ =	shalt  }
0x6b: {  	_ =	shalt  }
0x6c: {  	_ =	shalt  }
0x6d: {  	_ =	shalt  }
0x6e: {  	_ =	shalt  }
0x6f: {  	_ =	shalt  }
0x70: {  	_ =	shalt  }
0x71: {  	_ =	shalt  }
0x72: {  	_ =	shalt  }
0x73: {  	_ =	shalt  }
0x74: {  	_ =	shalt  }
0x75: {  	_ =	shalt  }
0x76: {  	_ =	shalt  }
0x77: {  	_ =	shalt  }
0x78: {  	_ =	shalt  }
0x79: {  	_ =	shalt  }
0x7a: {  	_ =	shalt  }
0x7b: {  	_ =	shalt  }
0x7c: {  	_ =	shalt  }
0x7d: {  	_ =	shalt  }
0x7e: {  	_ =	shalt  }
0x7f: {  	_ =	shalt  }
0x80: {  	_ =	shalt  }
0x81: {  	_ =	shalt  }
0x82: {  	_ =	shalt  }
0x83: {  	_ =	shalt  }
0x84: {  	_ =	shalt  }
0x85: {  	_ =	shalt  }
0x86: {  	_ =	shalt  }
0x87: {  	_ =	shalt  }
.Lfunc_end0:
.L_simem_size_0:
called_computation.2_lowered:
.L_overlay_start_0:
0x88: {  	s2 =	sld [smem:$0x3FD9]  }
0x89: {  	s3 =	sld [smem:$0x3FFE];
	_ =	sdelay $0x1  }
0x8a: {  	s1 =	srdreg.scid  }
0x8b: {  	s0 =	sand.u32 $0x1, s1  }
0x8c: {  	s16 =	sshll.u32 s0, $0xA;
	s2 =	sadd.s32 s3, s2  }
0x8d: {  	s2 =	sadd.s32 s2, s16  }
0x8e: {  	[smem:$0x3FBF] =	sst s2  }
0x8f: {  	_ = 	snop  }
0x90: {  	(tm) =	ssettm $0x1  }
0x91: {  	s17 =	sld [smem:$0x3FFB];
	_ =	sdelay $0x3  }
0x92: {  	_ =	strace s17  }
0x93: {  	s2 =	sld [smem:$0x3FFC];
	_ =	sdelay $0x3  }
0x94: {  	_ =	strace s2  }
0x95: {  	s2 =	sld [smem:$0x3FFD];
	_ =	sdelay $0x3  }
0x96: {  	_ =	strace s2  }
0x97: {  	_ =	strace $0x8FFFFFFF  }
0x98: {  	s18 =	sld [smem:$0x3FDB];
	_ =	sdelay $0x1  }
0x99: {  	s19 =	simm.s32 $_scs_section_size  }
0x9a: {  	s4 =	simm.s32 $_size__tile_overlayer_lowered;
	s5 =	simm.s32 $_tile_overlayer_lowered  }
0x9b: {  	s22 =	simm.s32 $0x1BFF;
	s21 =	sshll.u32 s5, $0x1;
	s2 =	sadd.s32 s19, s18  }
0x9c: {  	s6 =	simm.s32 $0x0;
	s20 =	sshll.u32 s4, $0x1;
	s4 =	sadd.s32 s21, s2  }
0x9d: {  	[timem:s6], [sflag:s22] =	dma.local [hbm:s4], s20  }
0x9e: {  	_ =	swait.ge [sflag:s22], s20  }
0x9f: {  	s3 =	ssub.s32 $0x0, s20;
	[sflag:s22] =	ssyncset.done $0x0  }
0xa0: {  	[sflag:s22] =	ssyncadd.s32 s3;
	_ =	sdelay $0x1  }
0xa1: {  	s23 =	simm.s32 $0x1B8B  }
0xa2: {  	_ =	swait.ge [sflag:s23], $0x1  }
0xa3: {  	[sflag:s23] =	ssyncset.done $0x0  }
0xa4: {  	s25 =	simm.s32 $0x1B8E;
	s24 =	sld [smem:$0x3FFE];
	[sflag:s23] =	ssyncadd.s32 $0xFFFFFFFF  }
0xa5: {  	s26 =	simm.s32 $execute0_lowered;
	[smem:$0x3FD2] =	sst s25  }
0xa6: {  	s4 =	sshll.u32 s26, $0x1;
	_ =	strace $0x8000004C;
	[dreg:$0x1] =	wrdreg $0xFFFFFFFF  }
0xa7: {  	s28 =	simm.s32 $_size_execute0_lowered;
	s2 =	sadd.s32 s2, s4;
	[dreg:$0x0] =	wrdreg $0x0  }
0xa8: {  	s4 =	sshll.u32 s28, $0x1;
	[dreg:$0x2] =	wrdreg s2  }
0xa9: {  	[dreg:$0x3] =	wrdreg s4  }
0xaa: {  	[dreg:$0x4] =	wrdreg $0xC0  }
0xab: {  	_ =	task [dreg:s6], $0x5FFFF  }
0xac: {  	[dreg:$0x1] =	wrdreg $0xFFFFFFFF  }
0xad: {  	[dreg:$0x0] =	wrdreg $0x60  }
0xae: {  	[dreg:$0x2] =	wrdreg s24  }
0xaf: {  	[dreg:$0x3] =	wrdreg $0x8B000  }
0xb0: {  	[dreg:$0x4] =	wrdreg $0x9  }
0xb1: {  	_ =	task.clear_ibuf [dreg:s6], $0x5FFFF;
	_ =	strace $0x9000004C  }
0xb2: {  	s29 =	simm.s32 $0x9;
	_ =	strace $0x8000004E  }
0xb3: {  	_ =	swait.ge [sflag:s29], $0x1  }
0xb4: {  	[sflag:s29] =	ssyncadd.s32 $0xFFFFFFFF  }
0xb5: {  	_ =	strace $0x9000004E  }
0xb6: {  	_ =	sfence  }
0xb7: {  	s30 =	sld [smem:$0x0];
	_ =	sdelay $0x2  }
0xb8: {  	s31 =	sshll.u32 s1, $0xD;
	s1 =	sshrl.u32 s1, $0x2  }
0xb9: {  	s3 =	sand.u32 $0x4000, s31;
	s1 =	sadd.s32 s1, s30  }
0xba: {  	s0 =	sor.u32 s3, s0;
	s1 =	sshll.u32 s1, $0x11  }
0xbb: {  	s0 =	sor.u32 s1, s0  }
0xbc: {  	s0 =	sadd.s32 $0x8F2B, s0  }
0xbd: {  	[sflag:s0] =	ssyncadd.remote.s32 $0x1  }
0xbe: {  	_ =	sfence.sel $0xFFFF  }
0xbf: {  	[dreg:$0x0] =	wrdreg $0xFFFFFFFF;
	(pc) =	sbr.abs _section_cstart, $3  }
0xc0: {  	[dreg:$0x1] =	wrdreg $0xFFFFFFFF  }
0xc1: {  	_ =	task.clear_ibuf [dreg:s6], $0x2FFFF;
	_ =	strace $0x9FFFFFFF  }
0xc2: {  	(tm) =	ssettm $0x7FFFFFFF  }
0xc3: {  	_ =	shalt  }
tec
execute0_lowered:
.L_overlay_start_1:
0x0: {  	(tag) =	ssettag $0x1  }
0x1: {  	s0 =	rddreg [dreg:$0x0]  }
0x2: {  	s1 =	rddreg [dreg:$0x1];
	s3 =	simm.s32 $0x0;
	s13 =	stileid.u32  }
0x3: {  	s2 =	srdreg.scid;
	s28 =	simm.s32 $0x200;
	s29 =	simm.s32 $0x180  }
0x4: {  	s30 =	simm.s32 $0x4200;
	s31 =	simm.s32 $0x1;
	[smem:$0x7FF] =	sst s3  }
0x5: {  	s4 =	sadd.s32 $0x64600, s0;
	s8 =	smul.u32 $0x2700, s13;
	s2 =	sand.u32 $0x1, s2  }
0x6: {  	s6 =	sadd.s32 $0x2800, s0;
	s7 =	sadd.s32 $0xC600, s0;
	s10 =	smul.u32 $0x4E000, s13  }
0x7: {  	s17 =	sshll.u32 s13, $0x6;
	s18 =	sadd.s32 $0x138000, s1;
	s20 =	smul.u32 $0x2710, s13  }
0x8: {  	p0 =	sne.s32 s13, $0xF;
	_ =	strace $0x8000004D;
	s5 =	smul.u32 $0x27100, s2  }
0x9: {  	s9 =	ssub.s32 $0x2, s2;
	s2 =	sshll.u32 s2, $0x4;
	[dreg:$0x6] =	wrdreg s18  }
0xa: {  	[dreg:$0x3] =	wrdreg s8;
	s8 =	sadd.s32 s8, s0;
	s10 =	sshrl.u32 s10, $0x2  }
0xb: {  	s12 =	sshrl.u32 s9, $0x1;
	s2 =	sor.u32 s13, s2;
	s10 =	sadd.s32 s10, s1  }
0xc: {  	s11 =	sadd.s32 s5, s0;
	s8 =	sadd.s32 $0x8B800, s8;
	[dreg:$0x4] =	wrdreg s10  }
0xd: {  	s9 =	ssub.s32 s9, s12;
	s0 =	sadd.s32 $0xB2800, s0;
	[dreg:$0x5] =	wrdreg s8  }
0xe: {  	s2 =	smul.u32 $0x2710, s2;
	s10 =	sor.u32 $0x1C03, s17;
	[dreg:$0x7] =	wrdreg s0  }
0xf: {  	s17 =	sadd.s32 $0xB2A00, s11;
	s25 =	smax.u32 s9, $0x1;
	s9 =	simm.s32 $0x8280  }
0x10: {  	s11 =	simm.s32 $0x0;
	s19 =	sshrl.u32 s2, $0x3;
	s2 =	sadd.s32 s20, s5  }
0x11: {  	[dreg:$0xc] =	wrdreg s25;
	s25 =	simm.s32 $0x100;
	s21 =	sadd.s32 s6, s19  }
0x12: {  	s22 =	sadd.s32 s7, s19;
	s23 =	sadd.s32 $0x4E0, s19;
	[dreg:$0x8] =	wrdreg s21  }
0x13: {  	s0 =	sadd.s32 $0x4D0, s19;
	[dreg:$0x9] =	wrdreg s22;
	s24 =	sadd.s32 s6, s23  }
0x14: {  	s5 =	sadd.s32 $0x80, s2;
	s8 =	sadd.s32 s7, s23;
	[dreg:$0xa] =	wrdreg s24  }
0x15: {  	s26 =	sadd.s32 s6, s0;
	s5 =	sshrl.u32 s5, $0x3;
	[dreg:$0xb] =	wrdreg s8  }
0x16: {  	s0 =	sadd.s32 s7, s0;
	s21 =	sadd.s32 $0x100, s2;
	[dreg:$0xd] =	wrdreg s26  }
0x17: {  	s2 =	simm.s32 $0x8200;
	[dreg:$0xe] =	wrdreg s0;
	s22 =	sadd.s32 s5, s7  }
0x18: {  	s23 =	sadd.s32 s5, s6;
	s24 =	simm.s32 $0x3;
	s26 =	simm.s32 $0x80  }
0x19: {  	s0 =	simm.s32 $0x2;
	s5 =	simm.s32 $0x10;
	s8 =	simm.s32 $0x8300  }
.LBB2_1:
0x1a: {  	s12 =	rddreg [dreg:$0x4]  }
0x1b: {  	s13 =	rddreg [dreg:$0x5];
	s12 =	sshrl.u32 s12, $0x3  }
0x1c: {  	[spmem:s12], [sflag:s10] =	dma.local [hbm:s13], $0x2700  }
0x1d: {  	_ =	swait.ge [sflag:s24], $0x2700  }
0x1e: {  	[sflag:s24] =	ssyncset.done $0x0;
	s13 =	rddreg [dreg:$0x6]  }
0x1f: {  	s14 =	rddreg [dreg:$0x7];
	[sflag:s24] =	ssyncadd.s32 $0xFFFFD900;
	s13 =	sshrl.u32 @!p0 s13, $0x3  }
0x20: {  	[spmem:s13], [sflag:s10] =	dma.local @!p0 [hbm:s14], $0x100  }
0x21: {  	s14 =	simm.s32 @!p0 $0x3  }
0x22: {  	_ =	swait.ge @!p0 [sflag:s14], $0x100  }
0x23: {  	[sflag:s14] =	ssyncset.done @!p0 $0x0  }
0x24: {  	[sflag:s14] =	ssyncadd.s32 @!p0 $0xFFFFFF00  }
0x25: {  	[bflag:$0x0] =	sbarrier.arrive $0xFFFF  }
0x26: {  	s15 =	rddreg [dreg:$0x8]  }
0x27: {  	[tilespmem:s3], [sflag:$0x3] =	stream.linear.gather [hbm4b:s15+s3], $0x80, $0x38;
	[tilespmem:$0x1C380] =	vst v63  }
0x28: {  	_ =	swait.ge [sflag:s24], $0x80  }
0x29: {  	[sflag:s24] =	ssyncset.done $0x0  }
0x2a: {  	s16 =	rddreg [dreg:$0x9];
	[sflag:s24] =	ssyncadd.s32 $0xFFFFFF80  }
0x2b: {  	[tilespmem:s25], [sflag:$0x3] =	stream.linear.gather [hbm4b:s16+s3], $0x80, $0x38;
	[tilespmem:$0x1C380] =	vst v63  }
0x2c: {  	_ =	swait.ge [sflag:s24], $0x80  }
0x2d: {  	[sflag:s24] =	ssyncset.done $0x0  }
0x2e: {  	[sflag:s24] =	ssyncadd.s32 $0xFFFFFF80  }
0x2f: {  	[tilespmem:s28], [sflag:$0x1] =	stream.indirect.gather [hbm4b:s4+s26], $0x80, s3, s26, $0xb8;
	[tilespmem:$0x1C380] =	vst v63  }
0x30: {  	s18 =	sadd.s32 $0x0, s23  }
0x31: {  	[tilespmem:s26], [sflag:$0x3] =	stream.linear.gather [hbm4b:s18+s3], $0x80, $0x38;
	[tilespmem:$0x1C380] =	vst v63  }
0x32: {  	_ =	swait.ge [sflag:s24], $0x80  }
0x33: {  	[sflag:s24] =	ssyncset.done $0x0  }
0x34: {  	s19 =	sadd.s32 $0x0, s22;
	[sflag:s24] =	ssyncadd.s32 $0xFFFFFF80  }
0x35: {  	[tilespmem:s29], [sflag:$0x3] =	stream.linear.gather [hbm4b:s19+s3], $0x80, $0x38;
	[tilespmem:$0x1C380] =	vst v63  }
0x36: {  	_ =	swait.ge [sflag:s24], $0x80  }
0x37: {  	[sflag:s24] =	ssyncset.done $0x0  }
0x38: {  	[sflag:s24] =	ssyncadd.s32 $0xFFFFFF80  }
0x39: {  	[tilespmem:s30], [sflag:$0x2] =	stream.indirect.gather [hbm4b:s4+s26], $0x80, s26, s26, $0xb8;
	[tilespmem:$0x1C380] =	vst v63  }
0x3a: {  	_ =	swait.ge [sflag:s31], $0x4000  }
0x3b: {  	[sflag:s31] =	ssyncset.done $0x0  }
0x3c: {  	[sflag:s31] =	ssyncadd.s32 $0xFFFFC000  }
0x3d: {  	[spmem:s1] =	stream.indirect.scatter.add.f32 [tilespmem:s28], [sflag:$0x3], $0x80, s25, s26, $0xb8;
	[tilespmem:$0x1C380] =	vst v63  }
0x3e: {  	_ =	swait.ge [sflag:s24], $0x4000  }
0x3f: {  	s20 =	sshrl.u32 s21, $0x3;
	[sflag:s24] =	ssyncset.done $0x0  }
0x40: {  	s15 =	sadd.s32 s6, s20;
	[sflag:s24] =	ssyncadd.s32 $0xFFFFC000  }
0x41: {  	[tilespmem:s3], [sflag:$0x3] =	stream.linear.gather [hbm4b:s15+s3], $0x80, $0x38;
	[tilespmem:$0x1C380] =	vst v63  }
0x42: {  	_ =	swait.ge [sflag:s24], $0x80  }
0x43: {  	[sflag:s24] =	ssyncset.done $0x0  }
0x44: {  	s14 =	sadd.s32 s7, s20;
	[sflag:s24] =	ssyncadd.s32 $0xFFFFFF80  }
0x45: {  	[tilespmem:s25], [sflag:$0x3] =	stream.linear.gather [hbm4b:s14+s3], $0x80, $0x38;
	[tilespmem:$0x1C380] =	vst v63  }
0x46: {  	_ =	swait.ge [sflag:s24], $0x80  }
0x47: {  	[sflag:s24] =	ssyncset.done $0x0  }
0x48: {  	[sflag:s24] =	ssyncadd.s32 $0xFFFFFF80  }
0x49: {  	[tilespmem:s28], [sflag:$0x1] =	stream.indirect.gather [hbm4b:s4+s26], $0x80, s3, s26, $0xb8;
	[tilespmem:$0x1C380] =	vst v63  }
0x4a: {  	_ =	swait.ge [sflag:s0], $0x4000  }
0x4b: {  	[sflag:s0] =	ssyncset.done $0x0  }
0x4c: {  	[sflag:s0] =	ssyncadd.s32 $0xFFFFC000  }
0x4d: {  	[spmem:s1] =	stream.indirect.scatter.add.f32 [tilespmem:s30], [sflag:$0x3], $0x80, s29, s26, $0xb8;
	[tilespmem:$0x1C380] =	vst v63  }
0x4e: {  	s16 =	simm.s32 $0x40;
	_ =	swait.ge [sflag:s24], $0x4000  }
0x4f: {  	s15 =	simm.s32 $0x20;
	s14 =	sadd.s32 $0x100, s21;
	[sflag:s24] =	ssyncset.done $0x0  }
.LBB2_2:
0x50: {  	s19 =	sadd.s32 s15, s23  }
0x51: {  	[sflag:s24] =	ssyncadd.s32 $0xFFFFC000;
	s20 =	smov.u32 s16;
	s18 =	sadd.s32 $0x20, s16  }
0x52: {  	[tilespmem:s26], [sflag:$0x3] =	stream.linear.gather [hbm4b:s19+s3], $0x80, $0x38;
	[tilespmem:$0x1C380] =	vst v63  }
0x53: {  	p1 =	sne.s32 s16, $0x4A0;
	_ =	swait.ge [sflag:s24], $0x80  }
0x54: {  	[sflag:s24] =	ssyncset.done $0x0  }
0x55: {  	s16 =	sadd.s32 s15, s22;
	s15 =	smov.u32 s20;
	[sflag:s24] =	ssyncadd.s32 $0xFFFFFF80  }
0x56: {  	[tilespmem:s29], [sflag:$0x3] =	stream.linear.gather [hbm4b:s16+s3], $0x80, $0x38;
	[tilespmem:$0x1C380] =	vst v63  }
0x57: {  	_ =	swait.ge [sflag:s24], $0x80  }
0x58: {  	[sflag:s24] =	ssyncset.done $0x0  }
0x59: {  	[sflag:s24] =	ssyncadd.s32 $0xFFFFFF80  }
0x5a: {  	[tilespmem:s30], [sflag:$0x2] =	stream.indirect.gather [hbm4b:s4+s26], $0x80, s26, s26, $0xb8;
	[tilespmem:$0x1C380] =	vst v63  }
0x5b: {  	_ =	swait.ge [sflag:s31], $0x4000  }
0x5c: {  	[sflag:s31] =	ssyncset.done $0x0  }
0x5d: {  	[sflag:s31] =	ssyncadd.s32 $0xFFFFC000  }
0x5e: {  	[spmem:s1] =	stream.indirect.scatter.add.f32 [tilespmem:s28], [sflag:$0x3], $0x80, s25, s26, $0xb8;
	[tilespmem:$0x1C380] =	vst v63  }
0x5f: {  	_ =	swait.ge [sflag:s24], $0x4000  }
0x60: {  	s16 =	sshrl.u32 s14, $0x3;
	[sflag:s24] =	ssyncset.done $0x0  }
0x61: {  	s19 =	sadd.s32 s6, s16;
	[sflag:s24] =	ssyncadd.s32 $0xFFFFC000  }
0x62: {  	[tilespmem:s3], [sflag:$0x3] =	stream.linear.gather [hbm4b:s19+s3], $0x80, $0x38;
	[tilespmem:$0x1C380] =	vst v63  }
0x63: {  	_ =	swait.ge [sflag:s24], $0x80  }
0x64: {  	[sflag:s24] =	ssyncset.done $0x0  }
0x65: {  	s16 =	sadd.s32 s7, s16;
	[sflag:s24] =	ssyncadd.s32 $0xFFFFFF80  }
0x66: {  	[tilespmem:s25], [sflag:$0x3] =	stream.linear.gather [hbm4b:s16+s3], $0x80, $0x38;
	[tilespmem:$0x1C380] =	vst v63  }
0x67: {  	_ =	swait.ge [sflag:s24], $0x80  }
0x68: {  	[sflag:s24] =	ssyncset.done $0x0  }
0x69: {  	[sflag:s24] =	ssyncadd.s32 $0xFFFFFF80  }
0x6a: {  	[tilespmem:s28], [sflag:$0x1] =	stream.indirect.gather [hbm4b:s4+s26], $0x80, s3, s26, $0xb8;
	[tilespmem:$0x1C380] =	vst v63  }
0x6b: {  	_ =	swait.ge [sflag:s0], $0x4000  }
.Ltmp0:
0x6c: {  	[sflag:s0] =	ssyncset.done $0x0;
	(pc) =	sbr.rel @p1 .LBB2_2-.Ltmp0, $4  }
0x6d: {  	[sflag:s0] =	ssyncadd.s32 $0xFFFFC000  }
0x6e: {  	[spmem:s1] =	stream.indirect.scatter.add.f32 [tilespmem:s30], [sflag:$0x3], $0x80, s29, s26, $0xb8;
	[tilespmem:$0x1C380] =	vst v63  }
0x6f: {  	_ =	swait.ge [sflag:s24], $0x4000  }
0x70: {  	s14 =	sadd.s32 $0x100, s14;
	s16 =	smov.u32 s18;
	[sflag:s24] =	ssyncset.done $0x0  }
0x71: {  	s16 =	sadd.s32 s15, s23;
	[sflag:s24] =	ssyncadd.s32 $0xFFFFC000  }
0x72: {  	[tilespmem:s26], [sflag:$0x3] =	stream.linear.gather [hbm4b:s16+s3], $0x80, $0x38;
	[tilespmem:$0x1C380] =	vst v63  }
0x73: {  	_ =	swait.ge [sflag:s24], $0x80  }
0x74: {  	[sflag:s24] =	ssyncset.done $0x0  }
0x75: {  	s18 =	sadd.s32 s15, s22;
	[sflag:s24] =	ssyncadd.s32 $0xFFFFFF80  }
0x76: {  	[tilespmem:s29], [sflag:$0x3] =	stream.linear.gather [hbm4b:s18+s3], $0x80, $0x38;
	[tilespmem:$0x1C380] =	vst v63  }
0x77: {  	_ =	swait.ge [sflag:s24], $0x80  }
0x78: {  	[sflag:s24] =	ssyncset.done $0x0  }
0x79: {  	[sflag:s24] =	ssyncadd.s32 $0xFFFFFF80  }
0x7a: {  	[tilespmem:s30], [sflag:$0x2] =	stream.indirect.gather [hbm4b:s4+s26], $0x80, s26, s26, $0xb8;
	[tilespmem:$0x1C380] =	vst v63  }
0x7b: {  	_ =	swait.ge [sflag:s31], $0x4000  }
0x7c: {  	[sflag:s31] =	ssyncset.done $0x0  }
0x7d: {  	[sflag:s31] =	ssyncadd.s32 $0xFFFFC000  }
0x7e: {  	[spmem:s1] =	stream.indirect.scatter.add.f32 [tilespmem:s28], [sflag:$0x3], $0x80, s25, s26, $0xb8;
	[tilespmem:$0x1C380] =	vst v63  }
0x7f: {  	_ =	swait.ge [sflag:s24], $0x4000  }
0x80: {  	s14 =	sshrl.u32 s14, $0x3;
	[sflag:s24] =	ssyncset.done $0x0  }
0x81: {  	s19 =	sadd.s32 s6, s14;
	[sflag:s24] =	ssyncadd.s32 $0xFFFFC000  }
0x82: {  	[tilespmem:s3], [sflag:$0x3] =	stream.linear.gather [hbm4b:s19+s3], $0x80, $0x38;
	[tilespmem:$0x1C380] =	vst v63  }
0x83: {  	_ =	swait.ge [sflag:s24], $0x80  }
0x84: {  	[sflag:s24] =	ssyncset.done $0x0  }
0x85: {  	s14 =	sadd.s32 s7, s14;
	[sflag:s24] =	ssyncadd.s32 $0xFFFFFF80  }
0x86: {  	[tilespmem:s25], [sflag:$0x3] =	stream.linear.gather [hbm4b:s14+s3], $0x80, $0x38;
	[tilespmem:$0x1C380] =	vst v63  }
0x87: {  	_ =	swait.ge [sflag:s24], $0x80  }
0x88: {  	[sflag:s24] =	ssyncset.done $0x0  }
0x89: {  	[sflag:s24] =	ssyncadd.s32 $0xFFFFFF80  }
0x8a: {  	[tilespmem:s28], [sflag:$0x1] =	stream.indirect.gather [hbm4b:s4+s26], $0x80, s3, s26, $0xb8;
	[tilespmem:$0x1C380] =	vst v63  }
0x8b: {  	_ =	swait.ge [sflag:s0], $0x4000  }
0x8c: {  	[sflag:s0] =	ssyncset.done $0x0  }
0x8d: {  	[sflag:s0] =	ssyncadd.s32 $0xFFFFC000  }
0x8e: {  	[spmem:s1] =	stream.indirect.scatter.add.f32 [tilespmem:s30], [sflag:$0x3], $0x80, s29, s26, $0xb8;
	[tilespmem:$0x1C380] =	vst v63  }
0x8f: {  	_ =	swait.ge [sflag:s24], $0x4000  }
0x90: {  	[sflag:s24] =	ssyncset.done $0x0  }
0x91: {  	s20 =	rddreg [dreg:$0xd];
	[sflag:s24] =	ssyncadd.s32 $0xFFFFC000  }
0x92: {  	[tilespmem:s26], [sflag:$0x3] =	stream.linear.gather [hbm4b:s20+s3], $0x80, $0x38;
	[tilespmem:$0x1C380] =	vst v63  }
0x93: {  	_ =	swait.ge [sflag:s24], $0x80  }
0x94: {  	[sflag:s24] =	ssyncset.done $0x0  }
0x95: {  	s15 =	rddreg [dreg:$0xe];
	[sflag:s24] =	ssyncadd.s32 $0xFFFFFF80  }
0x96: {  	[tilespmem:s29], [sflag:$0x3] =	stream.linear.gather [hbm4b:s15+s3], $0x80, $0x38;
	[tilespmem:$0x1C380] =	vst v63  }
0x97: {  	_ =	swait.ge [sflag:s24], $0x80  }
0x98: {  	[sflag:s24] =	ssyncset.done $0x0  }
0x99: {  	[sflag:s24] =	ssyncadd.s32 $0xFFFFFF80  }
0x9a: {  	[tilespmem:s30], [sflag:$0x2] =	stream.indirect.gather [hbm4b:s4+s26], $0x80, s26, s26, $0xb8;
	[tilespmem:$0x1C380] =	vst v63  }
0x9b: {  	_ =	swait.ge [sflag:s31], $0x4000  }
0x9c: {  	[sflag:s31] =	ssyncset.done $0x0  }
0x9d: {  	[sflag:s31] =	ssyncadd.s32 $0xFFFFC000  }
0x9e: {  	[spmem:s1] =	stream.indirect.scatter.add.f32 [tilespmem:s28], [sflag:$0x3], $0x80, s25, s26, $0xb8;
	[tilespmem:$0x1C380] =	vst v63  }
0x9f: {  	_ =	swait.ge [sflag:s24], $0x4000  }
0xa0: {  	[sflag:s24] =	ssyncset.done $0x0  }
0xa1: {  	[sflag:s24] =	ssyncadd.s32 $0xFFFFC000  }
0xa2: {  	_ =	swait.ge [sflag:s0], $0x4000  }
0xa3: {  	[sflag:s0] =	ssyncset.done $0x0  }
0xa4: {  	[sflag:s0] =	ssyncadd.s32 $0xFFFFC000  }
0xa5: {  	[spmem:s1] =	stream.indirect.scatter.add.f32 [tilespmem:s30], [sflag:$0x3], $0x80, s29, s26, $0xb8;
	[tilespmem:$0x1C380] =	vst v63  }
0xa6: {  	_ =	swait.ge [sflag:s24], $0x4000  }
0xa7: {  	[sflag:s24] =	ssyncset.done $0x0  }
0xa8: {  	s16 =	rddreg [dreg:$0xa];
	[sflag:s24] =	ssyncadd.s32 $0xFFFFC000  }
0xa9: {  	[tilespmem:s2], [sflag:$0x3] =	stream.linear.gather [hbm4b:s16+s3], $0x10, $0x38;
	[tilespmem:$0x1C380] =	vst v63  }
0xaa: {  	_ =	swait.ge [sflag:s24], $0x10  }
0xab: {  	[sflag:s24] =	ssyncset.done $0x0  }
0xac: {  	[sflag:s24] =	ssyncadd.s32 $0xFFFFFFF0  }
0xad: {  	[tilespmem:s8], [sflag:$0x1] =	stream.indirect.gather [hbm4b:s4+s5], $0x80, s2, s5, $0xb8;
	[tilespmem:$0x1C380] =	vst v63  }
0xae: {  	_ =	swait.ge [sflag:s31], $0x800  }
0xaf: {  	[sflag:s31] =	ssyncset.done $0x0  }
0xb0: {  	s18 =	rddreg [dreg:$0xb];
	[sflag:s31] =	ssyncadd.s32 $0xFFFFF800  }
0xb1: {  	[tilespmem:s9], [sflag:$0x3] =	stream.linear.gather [hbm4b:s18+s3], $0x10, $0x38;
	[tilespmem:$0x1C380] =	vst v63  }
0xb2: {  	_ =	swait.ge [sflag:s24], $0x10  }
0xb3: {  	[sflag:s24] =	ssyncset.done $0x0  }
0xb4: {  	[sflag:s24] =	ssyncadd.s32 $0xFFFFFFF0  }
0xb5: {  	[spmem:s1] =	stream.indirect.scatter.add.f32 [tilespmem:s8], [sflag:$0x3], $0x80, s9, s5, $0xb8;
	[tilespmem:$0x1C380] =	vst v63  }
0xb6: {  	_ =	swait.ge [sflag:s24], $0x800  }
0xb7: {  	[sflag:s24] =	ssyncset.done $0x0  }
0xb8: {  	[sflag:s24] =	ssyncadd.s32 $0xFFFFF800  }
0xb9: {  	[bflag:$0x0] =	sbarrier.arrive $0xFFFF  }
0xba: {  	s19 =	rddreg [dreg:$0x3]  }
0xbb: {  	s14 =	sadd.s32 s19, s17  }
0xbc: {  	[hbm:s14], [sflag:s10] =	dma.local [spmem:s12], $0x2700  }
0xbd: {  	_ =	swait.ge [sflag:s24], $0x2700  }
0xbe: {  	[sflag:s24] =	ssyncset.done $0x0  }
0xbf: {  	s12 =	sadd.s32 @!p0 $0x27000, s17;
	[sflag:s24] =	ssyncadd.s32 $0xFFFFD900  }
0xc0: {  	[hbm:s12], [sflag:s10] =	dma.local @!p0 [spmem:s13], $0x100  }
0xc1: {  	s12 =	simm.s32 @!p0 $0x3  }
0xc2: {  	_ =	swait.ge @!p0 [sflag:s12], $0x100  }
0xc3: {  	s11 =	sadd.s32 $0x1, s11;
	s20 =	rddreg [dreg:$0xc]  }
0xc4: {  	p1 =	sne.s32 s11, s20  }
.Ltmp1:
0xc5: {  	_ = 	snop;
	(pc) =	sbr.rel @p1 .LBB2_1-.Ltmp1, $3  }
0xc6: {  	_ =	sdelay $0x1  }
0xc7: {  	[sflag:s12] =	ssyncset.done @!p0 $0x0  }
0xc8: {  	[sflag:s12] =	ssyncadd.s32 @!p0 $0xFFFFFF00  }
0xc9: {  	_ =	sfence.sel $0x180000  }
0xca: {  	[bflag:$0x0] =	sbarrier.arrive $0xFFFF  }
0xcb: {  	_ =	strace $0x9000004D  }
0xcc: {  	s0 =	stileid.u32;
	[bflag:$0x2] =	sbarrier.arrive $0xFFFF  }
0xcd: {  	p0 =	sne.s32 s0, $0x0;
	s0 =	rddreg [dreg:$0x2]  }
0xce: {  	s0 =	sadd.s32 @!p0 $0x100000, s0  }
0xcf: {  	[sflag:s0] =	ssyncadd.tile.s32 @!p0 $0x1;
	_ =	shalt  }
.Lfunc_end2:
_tile_overlayer_lowered:
.L_overlay_start_2:
0xd0: {  	(tag) =	ssettag $0x2  }
0xd1: {  	s0 =	rddreg [dreg:$0x0];
	s2 =	stileid.u32  }
0xd2: {  	s1 =	rddreg [dreg:$0x1];
	p0 =	sne.s32 s2, $0x0  }
0xd3: {  	s3 =	rddreg [dreg:$0x2];
	[bflag:$0x3] =	sbarrier.arrive $0xFFFF;
	s2 =	simm.s32 @!p0 $0x1C03  }
0xd4: {  	[timem:s3], [sflag:s2] =	dma.local @!p0 [hbm:s0], s1  }
0xd5: {  	s0 =	simm.s32 @!p0 $0x3  }
0xd6: {  	_ =	swait.ge @!p0 [sflag:s0], s1  }
0xd7: {  	s1 =	ssub.s32 @!p0 $0x0, s1;
	[sflag:s0] =	ssyncset.done @!p0 $0x0  }
0xd8: {  	[sflag:s0] =	ssyncadd.s32 @!p0 s1  }
0xd9: {  	[bflag:$0x3] =	sbarrier.arrive $0xFFFF  }
0xda: {  	_ =	shalt  }

// kernel: kernel.8.cloned.1.call-start
scs
__scs_entry_jumppad:
0x0: {  	(pc) =	sbr.rel $0x88, $3  }
0x1: {  	(tag) =	ssettag $0x0;
	lr =	simm.s32 $0x1  }
0x2: {  	[smem:$0x3F98] =	sst lr;
	_ =	strace $0xD0000000  }
0x3: {  	_ = 	snop  }
0x4: {  	_ = 	snop  }
0x5: {  	_ = 	snop  }
0x6: {  	_ = 	snop  }
0x7: {  	_ = 	snop  }
__scs_overlays_trampoline_lowered:
0x8: {  	[smem:$0x3FA7] =	sst s0  }
0x9: {  	[smem:$0x3FA8] =	sst s1  }
0xa: {  	[smem:$0x3FA9] =	sst s2  }
0xb: {  	[smem:$0x3FAA] =	sst s3  }
0xc: {  	[smem:$0x3FAB] =	sst s4  }
0xd: {  	[smem:$0x3FAC] =	sst s5  }
0xe: {  	[smem:$0x3FAD] =	sst s6  }
0xf: {  	[smem:$0x3FAE] =	sst s7  }
0x10: {  	[smem:$0x3FAF] =	sst s8  }
0x11: {  	[smem:$0x3FB0] =	sst s9;
	s0 =	simm.s32 @!p0 $0x0  }
0x12: {  	s1 =	sld [smem:$0x3F96];
	s0 =	simm.s32 @p0 $0x1  }
0x13: {  	[smem:$0x3FB1] =	sst s0;
	s0 =	simm.s32 @!p1 $0x0  }
0x14: {  	s2 =	sld [smem:$0x3F95];
	s0 =	simm.s32 @p1 $0x1  }
0x15: {  	[smem:$0x3FB2] =	sst s0;
	s0 =	simm.s32 @!p2 $0x0  }
0x16: {  	s3 =	sld [smem:$0x3FDB];
	s0 =	simm.s32 @p2 $0x1  }
0x17: {  	s4 =	simm.s32 $0x1BF5;
	[smem:$0x3FB4] =	sst s0  }
0x18: {  	s0 =	sld [smem:$0x3F97];
	_ =	swait.ge [sflag:s4], $0x0  }
0x19: {  	s7 =	sld [smem:$0x3F98]  }
0x1a: {  	s8 =	sadd.s32 $0xFFFFE003, lr  }
0x1b: {  	s9 =	sadd.s32 $0xFFFFFEF7, lr;
	s5 =	simm.s32 $0xFFFFFFFF;
	p2 =	slt.u32 s8, $0xFFFFF086  }
0x1c: {  	p1 =	slt.u32 s9, $0xF7A;
	s5 =	simm.s32 @!p2 $0x0  }
0x1d: {  	s5 =	simm.s32 @p1 $0x1;
	p0 =	seq.s32 s7, s2  }
0x1e: {  	s7 =	smul.u32 @!p0 $0xF7A, s2;
	p2 =	seq.s32 @!p0 s5, $0x0  }
0x1f: {  	s9 =	smul.u32 $0xF7A, s1;
	s8 =	simm.s32 @!p0 $0x1BF5;
	p2 =	por !p2, p0  }
0x20: {  	[sflag:s8] =	ssyncset.s32 @!p0 $0xFFFFF086;
	s6 =	sadd.s32 @!p0 s3, s7;
	s7 =	simm.s32 @!p0 $0x108  }
0x21: {  	s3 =	sadd.s32 s3, s9;
	s6 =	sadd.s32 @!p0 $0x88, s6;
	s7 =	simm.s32 @p2 $0x1082  }
0x22: {  	[simem:s7], [sflag:s8] =	dma.local @!p0 [hbm:s6], $0xF7A  }
0x23: {  	s9 =	sor.u32 $0xD0000000, s2;
	s6 =	simm.s32 $0x108;
	_ =	swait.ge @!p0 [sflag:s8], $0x0  }
0x24: {  	s3 =	sadd.s32 $0x88, s3;
	s6 =	simm.s32 @!p1 $0x1082;
	[sflag:s4] =	ssyncset.s32 $0xFFFFF086  }
0x25: {  	[simem:s6], [sflag:s4] =	dma.local [hbm:s3], $0xF7A  }
0x26: {  	[smem:$0x3F98] =	sst s1;
	(tag) =	ssettag s2;
	_ =	strace s9  }
0x27: {  	s1 =	sld [smem:$0x3FA8]  }
0x28: {  	s2 =	sld [smem:$0x3FA9]  }
0x29: {  	s4 =	sld [smem:$0x3FAB]  }
0x2a: {  	p0 =	seq.s32 s5, $0x0;
	s5 =	sld [smem:$0x3FAC]  }
0x2b: {  	s6 =	sld [smem:$0x3FAD]  }
0x2c: {  	s7 =	sld [smem:$0x3FAE]  }
0x2d: {  	s3 =	simm.s32 $0x108;
	s8 =	sld [smem:$0x3FAF]  }
0x2e: {  	s3 =	simm.s32 @!p0 $0x1082;
	s9 =	sld [smem:$0x3FB0]  }
0x2f: {  	lr =	sadd.s32 s0, s3;
	s0 =	sld [smem:$0x3FA7]  }
0x30: {  	s3 =	sld [smem:$0x3FAA]  }
0x31: {  	[smem:$0x3FB3] =	sst s10  }
0x32: {  	s10 =	sld [smem:$0x3FB1];
	_ =	sdelay $0x3  }
0x33: {  	p0 =	seq.s32 s10, $0x1;
	s10 =	sld [smem:$0x3FB3];
	_ =	sdelay $0x3  }
0x34: {  	[smem:$0x3FB3] =	sst s10  }
0x35: {  	s10 =	sld [smem:$0x3FB2];
	_ =	sdelay $0x3  }
0x36: {  	p1 =	seq.s32 s10, $0x1;
	s10 =	sld [smem:$0x3FB3];
	_ =	sdelay $0x3  }
0x37: {  	[smem:$0x3FB3] =	sst s10  }
0x38: {  	s10 =	sld [smem:$0x3FB4]  }
0x39: {  	_ = 	snop;
	(pc) =	sbr.ind lr, $3  }
0x3a: {  	_ = 	snop  }
0x3b: {  	_ = 	snop  }
0x3c: {  	p2 =	seq.s32 s10, $0x1;
	s10 =	sld [smem:$0x3FB3]  }
0x3d: {  	_ =	shalt  }
0x3e: {  	_ =	shalt  }
0x3f: {  	_ =	shalt  }
0x40: {  	_ =	shalt  }
0x41: {  	_ =	shalt  }
0x42: {  	_ =	shalt  }
0x43: {  	_ =	shalt  }
0x44: {  	_ =	shalt  }
0x45: {  	_ =	shalt  }
0x46: {  	_ =	shalt  }
0x47: {  	_ =	shalt  }
0x48: {  	_ =	shalt  }
0x49: {  	_ =	shalt  }
0x4a: {  	_ =	shalt  }
0x4b: {  	_ =	shalt  }
0x4c: {  	_ =	shalt  }
0x4d: {  	_ =	shalt  }
0x4e: {  	_ =	shalt  }
0x4f: {  	_ =	shalt  }
0x50: {  	_ =	shalt  }
0x51: {  	_ =	shalt  }
0x52: {  	_ =	shalt  }
0x53: {  	_ =	shalt  }
0x54: {  	_ =	shalt  }
0x55: {  	_ =	shalt  }
0x56: {  	_ =	shalt  }
0x57: {  	_ =	shalt  }
0x58: {  	_ =	shalt  }
0x59: {  	_ =	shalt  }
0x5a: {  	_ =	shalt  }
0x5b: {  	_ =	shalt  }
0x5c: {  	_ =	shalt  }
0x5d: {  	_ =	shalt  }
0x5e: {  	_ =	shalt  }
0x5f: {  	_ =	shalt  }
0x60: {  	_ =	shalt  }
0x61: {  	_ =	shalt  }
0x62: {  	_ =	shalt  }
0x63: {  	_ =	shalt  }
0x64: {  	_ =	shalt  }
0x65: {  	_ =	shalt  }
0x66: {  	_ =	shalt  }
0x67: {  	_ =	shalt  }
0x68: {  	_ =	shalt  }
0x69: {  	_ =	shalt  }
0x6a: {  	_ =	shalt  }
0x6b: {  	_ =	shalt  }
0x6c: {  	_ =	shalt  }
0x6d: {  	_ =	shalt  }
0x6e: {  	_ =	shalt  }
0x6f: {  	_ =	shalt  }
0x70: {  	_ =	shalt  }
0x71: {  	_ =	shalt  }
0x72: {  	_ =	shalt  }
0x73: {  	_ =	shalt  }
0x74: {  	_ =	shalt  }
0x75: {  	_ =	shalt  }
0x76: {  	_ =	shalt  }
0x77: {  	_ =	shalt  }
0x78: {  	_ =	shalt  }
0x79: {  	_ =	shalt  }
0x7a: {  	_ =	shalt  }
0x7b: {  	_ =	shalt  }
0x7c: {  	_ =	shalt  }
0x7d: {  	_ =	shalt  }
0x7e: {  	_ =	shalt  }
0x7f: {  	_ =	shalt  }
0x80: {  	_ =	shalt  }
0x81: {  	_ =	shalt  }
0x82: {  	_ =	shalt  }
0x83: {  	_ =	shalt  }
0x84: {  	_ =	shalt  }
0x85: {  	_ =	shalt  }
0x86: {  	_ =	shalt  }
0x87: {  	_ =	shalt  }
.Lfunc_end0:
.L_simem_size_0:
called_computation_lowered:
.L_overlay_start_0:
0x88: {  	s2 =	sld [smem:$0x3FD9]  }
0x89: {  	s3 =	sld [smem:$0x3FFE];
	_ =	sdelay $0x1  }
0x8a: {  	s1 =	srdreg.scid  }
0x8b: {  	s0 =	sand.u32 $0x1, s1  }
0x8c: {  	s16 =	sshll.u32 s0, $0xA;
	s2 =	sadd.s32 s3, s2  }
0x8d: {  	s2 =	sadd.s32 s2, s16  }
0x8e: {  	[smem:$0x3FBF] =	sst s2  }
0x8f: {  	_ = 	snop  }
0x90: {  	(tm) =	ssettm $0x1  }
0x91: {  	s17 =	sld [smem:$0x3FFB];
	_ =	sdelay $0x3  }
0x92: {  	_ =	strace s17  }
0x93: {  	s2 =	sld [smem:$0x3FFC];
	_ =	sdelay $0x3  }
0x94: {  	_ =	strace s2  }
0x95: {  	s2 =	sld [smem:$0x3FFD];
	_ =	sdelay $0x3  }
0x96: {  	_ =	strace s2  }
0x97: {  	_ =	strace $0x8FFFFFFF  }
0x98: {  	s18 =	sld [smem:$0x3FDB];
	_ =	sdelay $0x1  }
0x99: {  	s19 =	simm.s32 $_scs_section_size  }
0x9a: {  	s4 =	simm.s32 $_size__tile_overlayer_lowered;
	s5 =	simm.s32 $_tile_overlayer_lowered  }
0x9b: {  	s22 =	simm.s32 $0x1BFF;
	s21 =	sshll.u32 s5, $0x1;
	s2 =	sadd.s32 s19, s18  }
0x9c: {  	s6 =	simm.s32 $0x0;
	s20 =	sshll.u32 s4, $0x1;
	s4 =	sadd.s32 s21, s2  }
0x9d: {  	[timem:s6], [sflag:s22] =	dma.local [hbm:s4], s20  }
0x9e: {  	_ =	swait.ge [sflag:s22], s20  }
0x9f: {  	s3 =	ssub.s32 $0x0, s20;
	[sflag:s22] =	ssyncset.done $0x0  }
0xa0: {  	[sflag:s22] =	ssyncadd.s32 s3;
	_ =	sdelay $0x1  }
0xa1: {  	s23 =	simm.s32 $0x1B8B  }
0xa2: {  	_ =	swait.ge [sflag:s23], $0x1  }
0xa3: {  	[sflag:s23] =	ssyncset.done $0x0  }
0xa4: {  	s25 =	simm.s32 $0x1B8E;
	s24 =	sld [smem:$0x3FFE];
	[sflag:s23] =	ssyncadd.s32 $0xFFFFFFFF  }
0xa5: {  	s26 =	simm.s32 $execute0_lowered;
	[smem:$0x3FD2] =	sst s25  }
0xa6: {  	s4 =	sshll.u32 s26, $0x1;
	_ =	strace $0x80000046;
	[dreg:$0x1] =	wrdreg $0xFFFFFFFF  }
0xa7: {  	s28 =	simm.s32 $_size_execute0_lowered;
	s2 =	sadd.s32 s2, s4;
	[dreg:$0x0] =	wrdreg $0x0  }
0xa8: {  	s4 =	sshll.u32 s28, $0x1;
	[dreg:$0x2] =	wrdreg s2  }
0xa9: {  	[dreg:$0x3] =	wrdreg s4  }
0xaa: {  	[dreg:$0x4] =	wrdreg $0xC0  }
0xab: {  	_ =	task [dreg:s6], $0x5FFFF  }
0xac: {  	[dreg:$0x1] =	wrdreg $0xFFFFFFFF  }
0xad: {  	[dreg:$0x0] =	wrdreg $0x60  }
0xae: {  	[dreg:$0x2] =	wrdreg s24  }
0xaf: {  	[dreg:$0x3] =	wrdreg $0x4800  }
0xb0: {  	[dreg:$0x4] =	wrdreg $0x9  }
0xb1: {  	_ =	task.clear_ibuf [dreg:s6], $0x5FFFF;
	_ =	strace $0x90000046  }
0xb2: {  	s29 =	simm.s32 $0x9;
	_ =	strace $0x80000048  }
0xb3: {  	_ =	swait.ge [sflag:s29], $0x1  }
0xb4: {  	[sflag:s29] =	ssyncadd.s32 $0xFFFFFFFF  }
0xb5: {  	_ =	strace $0x90000048  }
0xb6: {  	_ =	sfence  }
0xb7: {  	s30 =	sld [smem:$0x0];
	_ =	sdelay $0x2  }
0xb8: {  	s31 =	sshll.u32 s1, $0xD;
	s1 =	sshrl.u32 s1, $0x2  }
0xb9: {  	s3 =	sand.u32 $0x4000, s31;
	s1 =	sadd.s32 s1, s30  }
0xba: {  	s0 =	sor.u32 s3, s0;
	s1 =	sshll.u32 s1, $0x11  }
0xbb: {  	s0 =	sor.u32 s1, s0  }
0xbc: {  	s0 =	sadd.s32 $0x8F2B, s0  }
0xbd: {  	[sflag:s0] =	ssyncadd.remote.s32 $0x1  }
0xbe: {  	_ =	sfence.sel $0xFFFF  }
0xbf: {  	[dreg:$0x0] =	wrdreg $0xFFFFFFFF;
	(pc) =	sbr.abs _section_cstart, $3  }
0xc0: {  	[dreg:$0x1] =	wrdreg $0xFFFFFFFF  }
0xc1: {  	_ =	task.clear_ibuf [dreg:s6], $0x2FFFF;
	_ =	strace $0x9FFFFFFF  }
0xc2: {  	(tm) =	ssettm $0x7FFFFFFF  }
0xc3: {  	_ =	shalt  }
tec
execute0_lowered:
.L_overlay_start_1:
0x0: {  	(tag) =	ssettag $0x1  }
0x1: {  	s0 =	srdreg.scid;
	s5 =	rddreg [dreg:$0x0]  }
0x2: {  	s2 =	rddreg [dreg:$0x1];
	s1 =	stileid.u32;
	s3 =	simm.s32 $0x0  }
0x3: {  	s13 =	simm.s32 $0x3;
	s14 =	simm.s32 $0x80;
	s15 =	simm.s32 $0x1  }
0x4: {  	s16 =	simm.s32 $0x180;
	s17 =	simm.s32 $0x2;
	s18 =	simm.s32 $0x100  }
0x5: {  	s6 =	sand.u32 $0x1, s0;
	s0 =	rddreg [dreg:$0x2];
	s9 =	smul.u32 $0xA00, s1  }
0x6: {  	s19 =	simm.s32 $0x10;
	[smem:$0x7FF] =	sst s3;
	s28 =	smul.u32 $0x2710, s1  }
0x7: {  	s21 =	smul.u32 $0xA0, s1;
	s7 =	sshll.u32 s6, $0x4;
	_ =	strace $0x80000047  }
0x8: {  	s24 =	ssub.s32 $0x2, s6;
	s11 =	smul.u32 $0x27100, s6;
	s4 =	sor.u32 s1, s7  }
0x9: {  	s10 =	sadd.s32 s7, s5;
	s25 =	sshrl.u32 s24, $0x1;
	s29 =	sshrl.u32 s9, $0x2  }
0xa: {  	s8 =	smul.u32 $0x2710, s4;
	s4 =	sadd.s32 $0xC600, s5;
	s12 =	ssub.s32 s24, s25  }
0xb: {  	s6 =	sadd.s32 s29, s2;
	s11 =	sadd.s32 s28, s11;
	s20 =	sadd.s32 $0x16400, s10  }
0xc: {  	s30 =	sadd.s32 $0x80, s11;
	s10 =	sadd.s32 $0x100, s11;
	s20 =	sadd.s32 s21, s20  }
0xd: {  	s21 =	simm.s32 $0x0;
	s26 =	sshrl.u32 s8, $0x3;
	s8 =	smax.u32 s12, $0x1  }
0xe: {  	s31 =	sshrl.u32 s30, $0x3;
	s12 =	simm.s32 $0x200;
	s5 =	sadd.s32 s4, s26  }
0xf: {  	v0 =	vimm.f32 $0.0e+00;
	v1 =	vimm.f32 $1.000000000e+00;
	s11 =	sadd.s32 s31, s4;
	s7 =	sadd.s32 $0x4E0, s5;
	s9 =	sadd.s32 $0x4D0, s5  }
.LBB2_1:
0x10: {  	[tilespmem:$0x200] =	vst v0  }
0x11: {  	[tilespmem:$0x210] =	vst v0  }
0x12: {  	[tilespmem:$0x220] =	vst v0  }
0x13: {  	[tilespmem:$0x230] =	vst v0  }
0x14: {  	[tilespmem:$0x240] =	vst v0  }
0x15: {  	[tilespmem:$0x250] =	vst v0  }
0x16: {  	[tilespmem:$0x260] =	vst v0  }
0x17: {  	[tilespmem:$0x270] =	vst v0  }
0x18: {  	[tilespmem:$0x280] =	vst v0  }
0x19: {  	[tilespmem:$0x290] =	vst v0  }
0x1a: {  	[tilespmem:$0x2A0] =	vst v0  }
0x1b: {  	[tilespmem:$0x2B0] =	vst v0  }
0x1c: {  	[tilespmem:$0x2C0] =	vst v0  }
0x1d: {  	[tilespmem:$0x2D0] =	vst v0  }
0x1e: {  	[tilespmem:$0x2E0] =	vst v0  }
0x1f: {  	[tilespmem:$0x2F0] =	vst v0  }
0x20: {  	[tilespmem:$0x300] =	vst v0  }
0x21: {  	[tilespmem:$0x310] =	vst v0  }
0x22: {  	[tilespmem:$0x320] =	vst v0  }
0x23: {  	[tilespmem:$0x330] =	vst v0  }
0x24: {  	[tilespmem:$0x340] =	vst v0  }
0x25: {  	[tilespmem:$0x350] =	vst v0  }
0x26: {  	[tilespmem:$0x360] =	vst v0  }
0x27: {  	[tilespmem:$0x370] =	vst v0  }
0x28: {  	[tilespmem:$0x380] =	vst v0  }
0x29: {  	[tilespmem:$0x390] =	vst v0  }
0x2a: {  	[tilespmem:$0x3A0] =	vst v0  }
0x2b: {  	[tilespmem:$0x3B0] =	vst v0  }
0x2c: {  	[tilespmem:$0x3C0] =	vst v0  }
0x2d: {  	[tilespmem:$0x3D0] =	vst v0  }
0x2e: {  	[tilespmem:$0x3E0] =	vst v0  }
0x2f: {  	[tilespmem:$0x3F0] =	vst v0  }
0x30: {  	[tilespmem:$0x400] =	vst v0  }
0x31: {  	[tilespmem:$0x410] =	vst v0  }
0x32: {  	[tilespmem:$0x420] =	vst v0  }
0x33: {  	[tilespmem:$0x430] =	vst v0  }
0x34: {  	[tilespmem:$0x440] =	vst v0  }
0x35: {  	[tilespmem:$0x450] =	vst v0  }
0x36: {  	[tilespmem:$0x460] =	vst v0  }
0x37: {  	[tilespmem:$0x470] =	vst v0  }
0x38: {  	[tilespmem:$0x180] =	vst v1  }
0x39: {  	[tilespmem:$0x190] =	vst v1  }
0x3a: {  	[tilespmem:$0x1A0] =	vst v1  }
0x3b: {  	[tilespmem:$0x1B0] =	vst v1  }
0x3c: {  	[tilespmem:$0x1C0] =	vst v1  }
0x3d: {  	[tilespmem:$0x1D0] =	vst v1  }
0x3e: {  	[tilespmem:$0x1E0] =	vst v1  }
0x3f: {  	[tilespmem:$0x1F0] =	vst v1  }
0x40: {  	[spmem:s6] =	stream.linear.scatter [tilespmem:s12], [sflag:$0x3], $0x280, $0x38;
	[tilespmem:$0x700] =	vst v63  }
0x41: {  	_ =	swait.ge [sflag:s13], $0x280  }
0x42: {  	[sflag:s13] =	ssyncset.done $0x0  }
0x43: {  	[sflag:s13] =	ssyncadd.s32 $0xFFFFFD80  }
0x44: {  	[bflag:$0x0] =	sbarrier.arrive $0xFFFF  }
0x45: {  	[tilespmem:s3], [sflag:$0x1] =	stream.linear.gather [hbm4b:s5+s3], $0x80, $0x38;
	[tilespmem:$0x700] =	vst v63  }
0x46: {  	s22 =	sadd.s32 $0x0, s11  }
0x47: {  	[tilespmem:s14], [sflag:$0x2] =	stream.linear.gather [hbm4b:s22+s3], $0x80, $0x38;
	[tilespmem:$0x700] =	vst v63  }
0x48: {  	_ =	swait.ge [sflag:s15], $0x80  }
0x49: {  	[sflag:s15] =	ssyncset.done $0x0  }
0x4a: {  	[sflag:s15] =	ssyncadd.s32 $0xFFFFFF80  }
0x4b: {  	[spmem:s2] =	stream.indirect.scatter.add.f32 [tilespmem:s16], [sflag:$0x3], $0x1, s3, s14, $0xb8;
	[tilespmem:$0x700] =	vst v63  }
0x4c: {  	_ =	swait.ge [sflag:s13], $0x80  }
0x4d: {  	s31 =	sshrl.u32 s10, $0x3;
	[sflag:s13] =	ssyncset.done $0x0  }
0x4e: {  	s22 =	sadd.s32 s4, s31;
	[sflag:s13] =	ssyncadd.s32 $0xFFFFFF80  }
0x4f: {  	[tilespmem:s3], [sflag:$0x1] =	stream.linear.gather [hbm4b:s22+s3], $0x80, $0x38;
	[tilespmem:$0x700] =	vst v63  }
0x50: {  	_ =	swait.ge [sflag:s17], $0x80  }
0x51: {  	[sflag:s17] =	ssyncset.done $0x0  }
0x52: {  	[sflag:s17] =	ssyncadd.s32 $0xFFFFFF80  }
0x53: {  	[spmem:s2] =	stream.indirect.scatter.add.f32 [tilespmem:s16], [sflag:$0x3], $0x1, s14, s14, $0xb8;
	[tilespmem:$0x700] =	vst v63  }
0x54: {  	s23 =	simm.s32 $0x20;
	_ =	swait.ge [sflag:s13], $0x80  }
0x55: {  	s24 =	simm.s32 $0x40;
	s22 =	sadd.s32 $0x100, s10;
	[sflag:s13] =	ssyncset.done $0x0  }
.LBB2_2:
0x56: {  	s25 =	sadd.s32 s23, s11  }
0x57: {  	[sflag:s13] =	ssyncadd.s32 $0xFFFFFF80;
	s23 =	smov.u32 s24;
	s26 =	sadd.s32 $0x20, s24  }
0x58: {  	[tilespmem:s14], [sflag:$0x2] =	stream.linear.gather [hbm4b:s25+s3], $0x80, $0x38;
	[tilespmem:$0x700] =	vst v63  }
0x59: {  	p0 =	sne.s32 s24, $0x4A0;
	_ =	swait.ge [sflag:s15], $0x80  }
0x5a: {  	[sflag:s15] =	ssyncset.done $0x0  }
0x5b: {  	[sflag:s15] =	ssyncadd.s32 $0xFFFFFF80  }
0x5c: {  	[spmem:s2] =	stream.indirect.scatter.add.f32 [tilespmem:s16], [sflag:$0x3], $0x1, s3, s14, $0xb8;
	[tilespmem:$0x700] =	vst v63  }
0x5d: {  	_ =	swait.ge [sflag:s13], $0x80  }
0x5e: {  	s24 =	sshrl.u32 s22, $0x3;
	[sflag:s13] =	ssyncset.done $0x0  }
0x5f: {  	s24 =	sadd.s32 s4, s24;
	[sflag:s13] =	ssyncadd.s32 $0xFFFFFF80  }
0x60: {  	[tilespmem:s3], [sflag:$0x1] =	stream.linear.gather [hbm4b:s24+s3], $0x80, $0x38;
	[tilespmem:$0x700] =	vst v63  }
0x61: {  	_ =	swait.ge [sflag:s17], $0x80  }
.Ltmp0:
0x62: {  	[sflag:s17] =	ssyncset.done $0x0;
	(pc) =	sbr.rel @p0 .LBB2_2-.Ltmp0, $4  }
0x63: {  	[sflag:s17] =	ssyncadd.s32 $0xFFFFFF80  }
0x64: {  	[spmem:s2] =	stream.indirect.scatter.add.f32 [tilespmem:s16], [sflag:$0x3], $0x1, s14, s14, $0xb8;
	[tilespmem:$0x700] =	vst v63  }
0x65: {  	_ =	swait.ge [sflag:s13], $0x80  }
0x66: {  	s22 =	sadd.s32 $0x100, s22;
	s24 =	smov.u32 s26;
	[sflag:s13] =	ssyncset.done $0x0  }
0x67: {  	s23 =	sadd.s32 s23, s11;
	[sflag:s13] =	ssyncadd.s32 $0xFFFFFF80  }
0x68: {  	[tilespmem:s14], [sflag:$0x2] =	stream.linear.gather [hbm4b:s23+s3], $0x80, $0x38;
	[tilespmem:$0x700] =	vst v63  }
0x69: {  	_ =	swait.ge [sflag:s15], $0x80  }
0x6a: {  	[sflag:s15] =	ssyncset.done $0x0  }
0x6b: {  	[sflag:s15] =	ssyncadd.s32 $0xFFFFFF80  }
0x6c: {  	[spmem:s2] =	stream.indirect.scatter.add.f32 [tilespmem:s16], [sflag:$0x3], $0x1, s3, s14, $0xb8;
	[tilespmem:$0x700] =	vst v63  }
0x6d: {  	_ =	swait.ge [sflag:s13], $0x80  }
0x6e: {  	s22 =	sshrl.u32 s22, $0x3;
	[sflag:s13] =	ssyncset.done $0x0  }
0x6f: {  	s22 =	sadd.s32 s4, s22;
	[sflag:s13] =	ssyncadd.s32 $0xFFFFFF80  }
0x70: {  	[tilespmem:s3], [sflag:$0x1] =	stream.linear.gather [hbm4b:s22+s3], $0x80, $0x38;
	[tilespmem:$0x700] =	vst v63  }
0x71: {  	_ =	swait.ge [sflag:s17], $0x80  }
0x72: {  	[sflag:s17] =	ssyncset.done $0x0  }
0x73: {  	[sflag:s17] =	ssyncadd.s32 $0xFFFFFF80  }
0x74: {  	[spmem:s2] =	stream.indirect.scatter.add.f32 [tilespmem:s16], [sflag:$0x3], $0x1, s14, s14, $0xb8;
	[tilespmem:$0x700] =	vst v63  }
0x75: {  	_ =	swait.ge [sflag:s13], $0x80  }
0x76: {  	[sflag:s13] =	ssyncset.done $0x0  }
0x77: {  	[sflag:s13] =	ssyncadd.s32 $0xFFFFFF80  }
0x78: {  	[tilespmem:s14], [sflag:$0x2] =	stream.linear.gather [hbm4b:s9+s3], $0x80, $0x38;
	[tilespmem:$0x700] =	vst v63  }
0x79: {  	_ =	swait.ge [sflag:s15], $0x80  }
0x7a: {  	[sflag:s15] =	ssyncset.done $0x0  }
0x7b: {  	[sflag:s15] =	ssyncadd.s32 $0xFFFFFF80  }
0x7c: {  	[spmem:s2] =	stream.indirect.scatter.add.f32 [tilespmem:s16], [sflag:$0x3], $0x1, s3, s14, $0xb8;
	[tilespmem:$0x700] =	vst v63  }
0x7d: {  	_ =	swait.ge [sflag:s13], $0x80  }
0x7e: {  	[sflag:s13] =	ssyncset.done $0x0  }
0x7f: {  	[sflag:s13] =	ssyncadd.s32 $0xFFFFFF80  }
0x80: {  	_ =	swait.ge [sflag:s17], $0x80  }
0x81: {  	[sflag:s17] =	ssyncset.done $0x0  }
0x82: {  	[sflag:s17] =	ssyncadd.s32 $0xFFFFFF80  }
0x83: {  	[spmem:s2] =	stream.indirect.scatter.add.f32 [tilespmem:s16], [sflag:$0x3], $0x1, s14, s14, $0xb8;
	[tilespmem:$0x700] =	vst v63  }
0x84: {  	_ =	swait.ge [sflag:s13], $0x80  }
0x85: {  	[sflag:s13] =	ssyncset.done $0x0  }
0x86: {  	[sflag:s13] =	ssyncadd.s32 $0xFFFFFF80  }
0x87: {  	[tilespmem:s18], [sflag:$0x3] =	stream.linear.gather [hbm4b:s7+s3], $0x10, $0x38;
	[tilespmem:$0x700] =	vst v63  }
0x88: {  	_ =	swait.ge [sflag:s13], $0x10  }
0x89: {  	[sflag:s13] =	ssyncset.done $0x0  }
0x8a: {  	[sflag:s13] =	ssyncadd.s32 $0xFFFFFFF0  }
0x8b: {  	[spmem:s2] =	stream.indirect.scatter.add.f32 [tilespmem:s16], [sflag:$0x3], $0x1, s18, s19, $0xb8;
	[tilespmem:$0x700] =	vst v63  }
0x8c: {  	_ =	swait.ge [sflag:s13], $0x10  }
0x8d: {  	[sflag:s13] =	ssyncset.done $0x0  }
0x8e: {  	[sflag:s13] =	ssyncadd.s32 $0xFFFFFFF0  }
0x8f: {  	[bflag:$0x0] =	sbarrier.arrive $0xFFFF  }
0x90: {  	[tilespmem:s12], [sflag:$0x3] =	stream.linear.gather [spmem:s6], $0x280, $0x38;
	[tilespmem:$0x700] =	vst v63  }
0x91: {  	s21 =	sadd.s32 $0x1, s21;
	_ =	swait.ge [sflag:s13], $0x280  }
0x92: {  	p0 =	sne.s32 s21, s8;
	[sflag:s13] =	ssyncset.done $0x0  }
.Ltmp1:
0x93: {  	[sflag:s13] =	ssyncadd.s32 $0xFFFFFD80;
	(pc) =	sbr.rel @p0 .LBB2_1-.Ltmp1, $4  }
0x94: {  	[hbm4b:s20+s14] =	stream.strided.scatter [tilespmem:s12], [sflag:$0x3], $0x280, s18, s14, $0x38;
	[tilespmem:$0x700] =	vst v63  }
0x95: {  	_ =	swait.ge [sflag:s13], $0x280  }
0x96: {  	[sflag:s13] =	ssyncset.done $0x0  }
0x97: {  	[sflag:s13] =	ssyncadd.s32 $0xFFFFFD80  }
0x98: {  	_ =	sfence.sel $0x180000  }
0x99: {  	[bflag:$0x0] =	sbarrier.arrive $0xFFFF  }
0x9a: {  	p0 =	sne.s32 s1, $0x0;
	_ =	strace $0x90000047  }
0x9b: {  	s0 =	sadd.s32 @!p0 $0x100000, s0;
	[bflag:$0x2] =	sbarrier.arrive $0xFFFF  }
0x9c: {  	[sflag:s0] =	ssyncadd.tile.s32 @!p0 $0x1;
	_ =	shalt  }
.Lfunc_end2:
_tile_overlayer_lowered:
.L_overlay_start_2:
0x9d: {  	(tag) =	ssettag $0x2  }
0x9e: {  	s0 =	rddreg [dreg:$0x0];
	s2 =	stileid.u32  }
0x9f: {  	s1 =	rddreg [dreg:$0x1];
	p0 =	sne.s32 s2, $0x0  }
0xa0: {  	s3 =	rddreg [dreg:$0x2];
	[bflag:$0x3] =	sbarrier.arrive $0xFFFF;
	s2 =	simm.s32 @!p0 $0x1C03  }
0xa1: {  	[timem:s3], [sflag:s2] =	dma.local @!p0 [hbm:s0], s1  }
0xa2: {  	s0 =	simm.s32 @!p0 $0x3  }
0xa3: {  	_ =	swait.ge @!p0 [sflag:s0], s1  }
0xa4: {  	s1 =	ssub.s32 @!p0 $0x0, s1;
	[sflag:s0] =	ssyncset.done @!p0 $0x0  }
0xa5: {  	[sflag:s0] =	ssyncadd.s32 @!p0 s1  }
0xa6: {  	[bflag:$0x3] =	sbarrier.arrive $0xFFFF  }
0xa7: {  	_ =	shalt  }

</sc_bundles>
